<compile_context>
chip_gen: v7x
topology: tpu7x:2x2x1
jax: 0.10.2.dev20260603
libtpu: 0.0.44.dev20260713+nightly
codegen_flags: <defaults>
</compile_context>

<pallas_src>
import functools

import jax
import jax.numpy as jnp
from jax import lax
from jax.experimental import pallas as pl
from jax.experimental.pallas import tpu as pltpu
from jax.experimental.pallas import tpu_sc as plsc

_L = 16
_CAP = 8192
_HB = 64
_NR = 8
_SEG = 4096


@functools.cache
def _make_lookup(V, D, B):
    info = plsc.get_sparse_core_info()
    NC, NS = info.num_cores, info.num_subcores
    NW = NC * NS
    n_tc = (V + 127) // 128
    tc_per_w = (n_tc + NW - 1) // NW
    n_vec = B // _L
    nc_pad = ((tc_per_w + 2 + _L) // _L) * _L
    mesh = plsc.VectorSubcoreMesh(core_axis_name="c", subcore_axis_name="s")

    @functools.partial(
        pl.kernel,
        mesh=mesh,
        out_type=jax.ShapeDtypeStruct((B, 128), jnp.float32),
        compiler_params=pltpu.CompilerParams(needs_layout_passes=False),
        scratch_types=[
            pltpu.VMEM((2, _SEG), jnp.int32),
            pltpu.VMEM((_CAP + _L,), jnp.int32),
            pltpu.VMEM((_CAP + _L,), jnp.int32),
            pltpu.VMEM((_CAP + _L,), jnp.int32),
            pltpu.VMEM((_CAP + _L,), jnp.int32),
            pltpu.VMEM((nc_pad,), jnp.int32),
            pltpu.SMEM((tc_per_w + 2,), jnp.int32),
            pltpu.VMEM((_NR, D, 128), jnp.float32),
            pltpu.VMEM((2, _HB, 128), jnp.float32),
            pltpu.VMEM((2, _HB), jnp.int32),
            pltpu.SemaphoreType.DMA,
            pltpu.SemaphoreType.DMA,
            pltpu.SemaphoreType.DMA,
        ],
    )
    def k(tableT_hbm, idx_hbm, out_hbm, seg_v, hv, hp, uv, up, cnt_v, cur,
          col_v, rows_v, rpos_v, isem, csem, osem):
        wid = lax.axis_index("s") * NC + lax.axis_index("c")
        tc0 = wid * tc_per_w
        lo = tc0 * 128
        hi = jnp.minimum((tc0 + tc_per_w) * 128, V)
        iota = lax.iota(jnp.int32, _L)
        lane0 = iota == 0

        d4 = [iota + k16 * _L for k16 in range(4)]
        cmax = (n_tc - 1) * 128

        def fetch_col(c):
            base = jnp.minimum((tc0 + c) * 128, cmax)
            base = pl.multiple_of(base, 128)
            return pltpu.async_copy(
                tableT_hbm.at[:, pl.ds(base, 128)],
                col_v.at[jnp.bitwise_and(c, _NR - 1)], csem)

        def wait_col():
            pltpu.make_async_copy(
                tableT_hbm.at[:, pl.ds(0, 128)], col_v.at[0], csem).wait()

        def flush(fs):
            return pltpu.async_copy(
                rows_v.at[fs], out_hbm.at[rpos_v.at[fs]], osem)

        def wait_flush():
            pltpu.make_async_copy(
                out_hbm.at[pl.ds(0, _HB)], rows_v.at[0], osem).wait()

        def fetch_seg(s):
            return pltpu.async_copy(
                idx_hbm.at[pl.ds(s * _SEG, _SEG)],
                seg_v.at[jnp.bitwise_and(s, 1)], isem)

        def wait_seg():
            pltpu.make_async_copy(
                idx_hbm.at[pl.ds(0, _SEG)], seg_v.at[0], isem).wait()

        for c in range(_NR - 1):
            fetch_col(jnp.int32(c))
        fetch_seg(jnp.int32(0))

        def segbody(sg, cnt):
            @pl.when(sg + 1 < B // _SEG)
            def _():
                fetch_seg(sg + 1)

            wait_seg()
            slot = jnp.bitwise_and(sg, 1)

            def fbody(i, cnt):
                v16 = seg_v[slot, pl.ds(i * _L, _L)]
                m = (v16 >= lo) & (v16 < hi)
                p16 = iota + (sg * _SEG + i * _L)
                base = jnp.minimum(cnt, _CAP - _L)
                mi = m.astype(jnp.int32)
                s_inc = plsc.cumsum(mi)
                rank = s_inc - mi
                plsc.store_scatter(uv, [base + rank], v16, mask=m)
                plsc.store_scatter(up, [base + rank], p16, mask=m)
                return cnt + s_inc[_L - 1]

            return lax.fori_loop(0, _SEG // _L, fbody, cnt, unroll=8)

        nhit = lax.fori_loop(0, B // _SEG, segbody, jnp.int32(0))
        nhit = jnp.minimum(nhit, _CAP)
        n_hv = (nhit + _L - 1) // _L

        def hzero(g, _):
            cnt_v[pl.ds(g * _L, _L)] = jnp.zeros((_L,), jnp.int32)
            return 0
        lax.fori_loop(0, nc_pad // _L, hzero, 0)

        ones = jnp.ones((_L,), jnp.int32)

        def hbody(g, _):
            v16 = uv[pl.ds(g * _L, _L)]
            c16 = (v16 - lo) >> 7
            m = iota < (nhit - g * _L)
            c16 = jnp.where(m, c16, tc_per_w)
            plsc.addupdate_scatter(cnt_v, [c16], ones)
            return 0
        lax.fori_loop(0, n_hv, hbody, 0)

        def psbody(g, carry):
            c16 = cnt_v[pl.ds(g * _L, _L)]
            s16 = plsc.cumsum(c16) + carry
            cnt_v[pl.ds(g * _L, _L)] = s16
            return s16[_L - 1]
        lax.fori_loop(0, nc_pad // _L, psbody, jnp.int32(0))

        def smcopy(g, _):
            s16 = cnt_v[pl.ds(g * _L, _L)]
            for j in range(_L):
                if_ = pl.when(g * _L + j < tc_per_w + 2)

                @if_
                def _():
                    cur[g * _L + j] = s16[j]
            return 0
        lax.fori_loop(0, nc_pad // _L, smcopy, 0)

        def sstore(ref, i, val):
            plsc.store_scatter(ref, [jnp.full((_L,), i, jnp.int32)],
                               jnp.full((_L,), val, jnp.int32), mask=lane0)

        def sbody(g, _):
            p16 = up[pl.ds(g * _L, _L)]
            v16 = uv[pl.ds(g * _L, _L)]
            c16 = (v16 - lo) >> 7
            m = iota < (nhit - g * _L)
            c16 = jnp.where(m, c16, tc_per_w)
            s16 = jnp.zeros((_L,), jnp.int32)
            for j in range(_L):
                c = c16[j]
                s = cur[c] - 1
                cur[c] = s
                s16 = jnp.where(iota == j, s, s16)
            plsc.store_scatter(hv, [s16], v16)
            plsc.store_scatter(hp, [s16], p16)
            return 0
        lax.fori_loop(0, n_hv, sbody, 0)

        def colbody(c, carry):
            nb, fs, out, h0 = carry

            @pl.when(c + _NR - 1 < tc_per_w)
            def _():
                fetch_col(c + _NR - 1)

            wait_col()
            h1 = cur[c + 1]

            def hitbody(h, carry):
                nb, fs, out, slot = carry
                v = hv[pl.ds(h, _L)][0]
                p = hp[pl.ds(h, _L)][0]
                l = v & 127
                for k16 in range(4):
                    row16 = plsc.load_gather(
                        col_v.at[slot],
                        [d4[k16], jnp.full((_L,), l, jnp.int32)])
                    rows_v[fs, nb, pl.ds(k16 * _L, _L)] = row16
                sstore(rpos_v.at[fs], nb, p)

                def do_flush(args):
                    nb, fs, out = args
                    flush(fs)
                    out = out + 1

                    def drain(out):
                        wait_flush()
                        return out - 1

                    out = lax.cond(out == 2, drain, lambda o: o, out)
                    return jnp.int32(0), 1 - fs, out

                nb, fs, out = lax.cond(
                    nb == _HB - 1, do_flush,
                    lambda a: (a[0] + 1, a[1], a[2]), (nb, fs, out))
                return nb, fs, out, slot

            nb, fs, out, _ = lax.fori_loop(
                h0, h1, hitbody, (nb, fs, out, jnp.bitwise_and(c, _NR - 1)))
            return nb, fs, out, h1

        nb, fs, out, _ = lax.fori_loop(
            0, tc_per_w, colbody,
            (jnp.int32(0), jnp.int32(0), jnp.int32(0), jnp.int32(0)))

        def tbody(j, _):
            @pl.when(j >= nb)
            def _():
                sstore(rpos_v.at[fs], j, rpos_v[fs, pl.ds(0, _L)][0])
                for k16 in range(4):
                    rows_v[fs, j, pl.ds(k16 * _L, _L)] = (
                        rows_v[fs, 0, pl.ds(k16 * _L, _L)])
            return 0

        def tail_do(out):
            lax.fori_loop(0, _HB, tbody, 0)
            flush(fs)
            return out + 1

        out = lax.cond(nb > 0, tail_do, lambda o: o, out)

        def dbody(i, _):
            wait_flush()
            return 0
        lax.fori_loop(0, out, dbody, 0)

    return k


def kernel(x, table):
    B0, H, W, C = x.shape
    V, D = table.shape
    flat = x.astype(jnp.int32).reshape(-1)
    B = flat.shape[0]
    tableT = table.T
    out128 = _make_lookup(V, D, B)(tableT, flat)
    return out128[:, :D].reshape(B0, H, W, D)

# --- scband reference (transcript-rebuilt; emitter-appended) ---
"""Pipeline reference for scband-token-embedding-87823491268878 (READ-ONLY COPY).

The authoritative reference and input builder live on the scoring server;
editing this copy changes nothing except your own understanding.
"""

import jax, jax.numpy as jnp
import numpy as np

VOCAB = 1000000
DIM = 64

def setup_inputs(seed: int = 0) -> dict:
    key = jax.random.key(seed)
    k1, k2 = jax.random.split(key)
    x = jax.random.randint(k1, (16, 64, 64, 1), 0, VOCAB, dtype=jnp.int32)
    table = jax.random.normal(k2, (VOCAB, DIM), dtype=jnp.float32) * 0.02
    return {"x": x, "table": table}

def reference(x, table):
    # Faithful translation of TokenEmbedding.call
    if x.ndim != 4:
        raise ValueError(f'TokenEmbedding expects 4D input [B, H, W, C], got: {x.shape}')
    vocab_size = table.shape[0]
    is_onehot = (x.shape[-1] == vocab_size)
    if is_onehot:
        indices = jnp.argmax(x, axis=-1).astype(jnp.int32)
    else:
        indices = x.astype(jnp.int32)
    B, H, W = indices.shape[0], indices.shape[1], indices.shape[2]
    flat = indices.reshape(-1)
    embedded = jnp.take(table, flat, axis=0)
    return embedded.reshape(B, H, W, -1)

if __name__ == "__main__":
    import jax
    _d = setup_inputs()
    print(jax.jit(kernel)(*tuple(_d.values())))

</pallas_src>

<mosaic_0001>
#map = affine_map<(d0, d1) -> (0, 0)>
#map1 = affine_map<(d0, d1) -> (0)>
module attributes {stable_mosaic.version = 14 : i64} {
  func.func @k(%arg0: i32, %arg1: i32, %arg2: memref<64x1000000xf32, #tpu.memory_space<hbm>>, %arg3: memref<65536xi32, #tpu.memory_space<hbm>>, %arg4: memref<65536x128xf32, #tpu.memory_space<hbm>>, %arg5: memref<2x4096xi32, #tpu.memory_space<vmem>>, %arg6: memref<8208xi32, #tpu.memory_space<vmem>>, %arg7: memref<8208xi32, #tpu.memory_space<vmem>>, %arg8: memref<8208xi32, #tpu.memory_space<vmem>>, %arg9: memref<8208xi32, #tpu.memory_space<vmem>>, %arg10: memref<256xi32, #tpu.memory_space<vmem>>, %arg11: memref<247xi32, #tpu.memory_space<smem>>, %arg12: memref<8x64x128xf32, #tpu.memory_space<vmem>>, %arg13: memref<2x64x128xf32, #tpu.memory_space<vmem>>, %arg14: memref<2x64xi32, #tpu.memory_space<vmem>>, %arg15: memref<!tpu.dma_semaphore, #tpu.memory_space<semaphore_mem>>, %arg16: memref<!tpu.dma_semaphore, #tpu.memory_space<semaphore_mem>>, %arg17: memref<!tpu.dma_semaphore, #tpu.memory_space<semaphore_mem>>) attributes {dimension_semantics = [#tpu.dimension_semantics<core_parallel>, #tpu.dimension_semantics<subcore_parallel>], iteration_bounds = array<i64: 2, 16>, scalar_prefetch = 0 : i64, scratch_operands = 13 : i64, tpu.core_type = #tpu.core_type<sc_vector_subcore>, window_params = [{transform_indices = #map}, {transform_indices = #map1}, {transform_indices = #map}]} {
    %mul3A = arith.constant 2 : i32
    %mul3A_0 = arith.muli %arg1, %mul3A : i32
    %add3A = arith.addi %mul3A_0, %arg0 : i32
    %mul3A_1 = arith.constant 245 : i32
    %mul3A_2 = arith.muli %add3A, %mul3A_1 : i32
    %mul3A_3 = arith.constant 128 : i32
    %mul3A_4 = arith.muli %mul3A_2, %mul3A_3 : i32
    %add3A_5 = arith.constant 245 : i32
    %add3A_6 = arith.addi %mul3A_2, %add3A_5 : i32
    %mul3A_7 = arith.constant 128 : i32
    %mul3A_8 = arith.muli %add3A_6, %mul3A_7 : i32
    %min3A = arith.constant 1000000 : i32
    %min3A_9 = arith.minsi %mul3A_8, %min3A : i32
    %iota3A = tpu.iota {dimensions = array<i32: 0>} : vector<16xi32>
    %eq3A = arith.constant 0 : i32
    %eq3A_10 = vector.broadcast %eq3A : i32 to vector<16xi32>
    %eq3A_11 = arith.cmpi eq, %iota3A, %eq3A_10 : vector<16xi32>
    %add3A_12 = arith.constant 0 : i32
    %add3A_13 = vector.broadcast %add3A_12 : i32 to vector<16xi32>
    %add3A_14 = arith.addi %iota3A, %add3A_13 : vector<16xi32>
    %add3A_15 = arith.constant 16 : i32
    %add3A_16 = vector.broadcast %add3A_15 : i32 to vector<16xi32>
    %add3A_17 = arith.addi %iota3A, %add3A_16 : vector<16xi32>
    %add3A_18 = arith.constant 32 : i32
    %add3A_19 = vector.broadcast %add3A_18 : i32 to vector<16xi32>
    %add3A_20 = arith.addi %iota3A, %add3A_19 : vector<16xi32>
    %add3A_21 = arith.constant 48 : i32
    %add3A_22 = vector.broadcast %add3A_21 : i32 to vector<16xi32>
    %add3A_23 = arith.addi %iota3A, %add3A_22 : vector<16xi32>
    %add3A_24 = arith.constant 0 : i32
    %add3A_25 = arith.addi %mul3A_2, %add3A_24 : i32
    %mul3A_26 = arith.constant 128 : i32
    %mul3A_27 = arith.muli %add3A_25, %mul3A_26 : i32
    %min3A_28 = arith.constant 999936 : i32
    %min3A_29 = arith.minsi %mul3A_27, %min3A_28 : i32
    %multiple_of3A = tpu.assume_multiple %min3A_29, 128 : i32
    %and3A = arith.constant 0 : i32
    %and3A_30 = arith.constant 7 : i32
    %and3A_31 = arith.andi %and3A, %and3A_30 : i32
    %dma_start3A = arith.constant 0 : i32
    %dma_start3A_32 = arith.constant 0 : i32
    %dma_start3A_33 = tpu.memref_slice %arg12[%and3A_31, %dma_start3A, %dma_start3A_32] : memref<8x64x128xf32, #tpu.memory_space<vmem>> -> memref<1x64x128xf32, #tpu.memory_space<vmem>>
    %dma_start3A_34 = tpu.memref_squeeze %dma_start3A_33 : memref<1x64x128xf32, #tpu.memory_space<vmem>> -> memref<64x128xf32, #tpu.memory_space<vmem>>
    %dma_start3A_35 = arith.constant 0 : i32
    %dma_start3A_36 = tpu.memref_slice %arg2[%dma_start3A_35, %multiple_of3A] : memref<64x1000000xf32, #tpu.memory_space<hbm>> -> memref<64x128xf32, #tpu.memory_space<hbm>>
    %dma_start3A_37 = arith.constant 0 : i32
    %dma_start3A_38 = arith.constant 0 : i32
    %dma_start3A_39 = tpu.memref_slice %arg12[%and3A_31, %dma_start3A_37, %dma_start3A_38] : memref<8x64x128xf32, #tpu.memory_space<vmem>> -> memref<1x64x128xf32, #tpu.memory_space<vmem>>
    %dma_start3A_40 = tpu.memref_squeeze %dma_start3A_39 : memref<1x64x128xf32, #tpu.memory_space<vmem>> -> memref<64x128xf32, #tpu.memory_space<vmem>>
    %dma_start3A_41 = arith.constant 0 : i32
    %dma_start3A_42 = tpu.memref_slice %arg2[%dma_start3A_41, %multiple_of3A] : memref<64x1000000xf32, #tpu.memory_space<hbm>> -> memref<64x128xf32, #tpu.memory_space<hbm>>
    tpu.enqueue_dma source(%dma_start3A_42 : memref<64x128xf32, #tpu.memory_space<hbm>>) target(%dma_start3A_40 : memref<64x128xf32, #tpu.memory_space<vmem>>) target_semaphore(%arg16 : memref<!tpu.dma_semaphore, #tpu.memory_space<semaphore_mem>>)
    %add3A_43 = arith.constant 1 : i32
    %add3A_44 = arith.addi %mul3A_2, %add3A_43 : i32
    %mul3A_45 = arith.constant 128 : i32
    %mul3A_46 = arith.muli %add3A_44, %mul3A_45 : i32
    %min3A_47 = arith.constant 999936 : i32
    %min3A_48 = arith.minsi %mul3A_46, %min3A_47 : i32
    %multiple_of3A_49 = tpu.assume_multiple %min3A_48, 128 : i32
    %and3A_50 = arith.constant 1 : i32
    %and3A_51 = arith.constant 7 : i32
    %and3A_52 = arith.andi %and3A_50, %and3A_51 : i32
    %dma_start3A_53 = arith.constant 0 : i32
    %dma_start3A_54 = arith.constant 0 : i32
    %dma_start3A_55 = tpu.memref_slice %arg12[%and3A_52, %dma_start3A_53, %dma_start3A_54] : memref<8x64x128xf32, #tpu.memory_space<vmem>> -> memref<1x64x128xf32, #tpu.memory_space<vmem>>
    %dma_start3A_56 = tpu.memref_squeeze %dma_start3A_55 : memref<1x64x128xf32, #tpu.memory_space<vmem>> -> memref<64x128xf32, #tpu.memory_space<vmem>>
    %dma_start3A_57 = arith.constant 0 : i32
    %dma_start3A_58 = tpu.memref_slice %arg2[%dma_start3A_57, %multiple_of3A_49] : memref<64x1000000xf32, #tpu.memory_space<hbm>> -> memref<64x128xf32, #tpu.memory_space<hbm>>
    %dma_start3A_59 = arith.constant 0 : i32
    %dma_start3A_60 = arith.constant 0 : i32
    %dma_start3A_61 = tpu.memref_slice %arg12[%and3A_52, %dma_start3A_59, %dma_start3A_60] : memref<8x64x128xf32, #tpu.memory_space<vmem>> -> memref<1x64x128xf32, #tpu.memory_space<vmem>>
    %dma_start3A_62 = tpu.memref_squeeze %dma_start3A_61 : memref<1x64x128xf32, #tpu.memory_space<vmem>> -> memref<64x128xf32, #tpu.memory_space<vmem>>
    %dma_start3A_63 = arith.constant 0 : i32
    %dma_start3A_64 = tpu.memref_slice %arg2[%dma_start3A_63, %multiple_of3A_49] : memref<64x1000000xf32, #tpu.memory_space<hbm>> -> memref<64x128xf32, #tpu.memory_space<hbm>>
    tpu.enqueue_dma source(%dma_start3A_64 : memref<64x128xf32, #tpu.memory_space<hbm>>) target(%dma_start3A_62 : memref<64x128xf32, #tpu.memory_space<vmem>>) target_semaphore(%arg16 : memref<!tpu.dma_semaphore, #tpu.memory_space<semaphore_mem>>)
    %add3A_65 = arith.constant 2 : i32
    %add3A_66 = arith.addi %mul3A_2, %add3A_65 : i32
    %mul3A_67 = arith.constant 128 : i32
    %mul3A_68 = arith.muli %add3A_66, %mul3A_67 : i32
    %min3A_69 = arith.constant 999936 : i32
    %min3A_70 = arith.minsi %mul3A_68, %min3A_69 : i32
    %multiple_of3A_71 = tpu.assume_multiple %min3A_70, 128 : i32
    %and3A_72 = arith.constant 2 : i32
    %and3A_73 = arith.constant 7 : i32
    %and3A_74 = arith.andi %and3A_72, %and3A_73 : i32
    %dma_start3A_75 = arith.constant 0 : i32
    %dma_start3A_76 = arith.constant 0 : i32
    %dma_start3A_77 = tpu.memref_slice %arg12[%and3A_74, %dma_start3A_75, %dma_start3A_76] : memref<8x64x128xf32, #tpu.memory_space<vmem>> -> memref<1x64x128xf32, #tpu.memory_space<vmem>>
    %dma_start3A_78 = tpu.memref_squeeze %dma_start3A_77 : memref<1x64x128xf32, #tpu.memory_space<vmem>> -> memref<64x128xf32, #tpu.memory_space<vmem>>
    %dma_start3A_79 = arith.constant 0 : i32
    %dma_start3A_80 = tpu.memref_slice %arg2[%dma_start3A_79, %multiple_of3A_71] : memref<64x1000000xf32, #tpu.memory_space<hbm>> -> memref<64x128xf32, #tpu.memory_space<hbm>>
    %dma_start3A_81 = arith.constant 0 : i32
    %dma_start3A_82 = arith.constant 0 : i32
    %dma_start3A_83 = tpu.memref_slice %arg12[%and3A_74, %dma_start3A_81, %dma_start3A_82] : memref<8x64x128xf32, #tpu.memory_space<vmem>> -> memref<1x64x128xf32, #tpu.memory_space<vmem>>
    %dma_start3A_84 = tpu.memref_squeeze %dma_start3A_83 : memref<1x64x128xf32, #tpu.memory_space<vmem>> -> memref<64x128xf32, #tpu.memory_space<vmem>>
    %dma_start3A_85 = arith.constant 0 : i32
    %dma_start3A_86 = tpu.memref_slice %arg2[%dma_start3A_85, %multiple_of3A_71] : memref<64x1000000xf32, #tpu.memory_space<hbm>> -> memref<64x128xf32, #tpu.memory_space<hbm>>
    tpu.enqueue_dma source(%dma_start3A_86 : memref<64x128xf32, #tpu.memory_space<hbm>>) target(%dma_start3A_84 : memref<64x128xf32, #tpu.memory_space<vmem>>) target_semaphore(%arg16 : memref<!tpu.dma_semaphore, #tpu.memory_space<semaphore_mem>>)
    %add3A_87 = arith.constant 3 : i32
    %add3A_88 = arith.addi %mul3A_2, %add3A_87 : i32
    %mul3A_89 = arith.constant 128 : i32
    %mul3A_90 = arith.muli %add3A_88, %mul3A_89 : i32
    %min3A_91 = arith.constant 999936 : i32
    %min3A_92 = arith.minsi %mul3A_90, %min3A_91 : i32
    %multiple_of3A_93 = tpu.assume_multiple %min3A_92, 128 : i32
    %and3A_94 = arith.constant 3 : i32
    %and3A_95 = arith.constant 7 : i32
    %and3A_96 = arith.andi %and3A_94, %and3A_95 : i32
    %dma_start3A_97 = arith.constant 0 : i32
    %dma_start3A_98 = arith.constant 0 : i32
    %dma_start3A_99 = tpu.memref_slice %arg12[%and3A_96, %dma_start3A_97, %dma_start3A_98] : memref<8x64x128xf32, #tpu.memory_space<vmem>> -> memref<1x64x128xf32, #tpu.memory_space<vmem>>
    %dma_start3A_100 = tpu.memref_squeeze %dma_start3A_99 : memref<1x64x128xf32, #tpu.memory_space<vmem>> -> memref<64x128xf32, #tpu.memory_space<vmem>>
    %dma_start3A_101 = arith.constant 0 : i32
    %dma_start3A_102 = tpu.memref_slice %arg2[%dma_start3A_101, %multiple_of3A_93] : memref<64x1000000xf32, #tpu.memory_space<hbm>> -> memref<64x128xf32, #tpu.memory_space<hbm>>
    %dma_start3A_103 = arith.constant 0 : i32
    %dma_start3A_104 = arith.constant 0 : i32
    %dma_start3A_105 = tpu.memref_slice %arg12[%and3A_96, %dma_start3A_103, %dma_start3A_104] : memref<8x64x128xf32, #tpu.memory_space<vmem>> -> memref<1x64x128xf32, #tpu.memory_space<vmem>>
    %dma_start3A_106 = tpu.memref_squeeze %dma_start3A_105 : memref<1x64x128xf32, #tpu.memory_space<vmem>> -> memref<64x128xf32, #tpu.memory_space<vmem>>
    %dma_start3A_107 = arith.constant 0 : i32
    %dma_start3A_108 = tpu.memref_slice %arg2[%dma_start3A_107, %multiple_of3A_93] : memref<64x1000000xf32, #tpu.memory_space<hbm>> -> memref<64x128xf32, #tpu.memory_space<hbm>>
    tpu.enqueue_dma source(%dma_start3A_108 : memref<64x128xf32, #tpu.memory_space<hbm>>) target(%dma_start3A_106 : memref<64x128xf32, #tpu.memory_space<vmem>>) target_semaphore(%arg16 : memref<!tpu.dma_semaphore, #tpu.memory_space<semaphore_mem>>)
    %add3A_109 = arith.constant 4 : i32
    %add3A_110 = arith.addi %mul3A_2, %add3A_109 : i32
    %mul3A_111 = arith.constant 128 : i32
    %mul3A_112 = arith.muli %add3A_110, %mul3A_111 : i32
    %min3A_113 = arith.constant 999936 : i32
    %min3A_114 = arith.minsi %mul3A_112, %min3A_113 : i32
    %multiple_of3A_115 = tpu.assume_multiple %min3A_114, 128 : i32
    %and3A_116 = arith.constant 4 : i32
    %and3A_117 = arith.constant 7 : i32
    %and3A_118 = arith.andi %and3A_116, %and3A_117 : i32
    %dma_start3A_119 = arith.constant 0 : i32
    %dma_start3A_120 = arith.constant 0 : i32
    %dma_start3A_121 = tpu.memref_slice %arg12[%and3A_118, %dma_start3A_119, %dma_start3A_120] : memref<8x64x128xf32, #tpu.memory_space<vmem>> -> memref<1x64x128xf32, #tpu.memory_space<vmem>>
    %dma_start3A_122 = tpu.memref_squeeze %dma_start3A_121 : memref<1x64x128xf32, #tpu.memory_space<vmem>> -> memref<64x128xf32, #tpu.memory_space<vmem>>
    %dma_start3A_123 = arith.constant 0 : i32
    %dma_start3A_124 = tpu.memref_slice %arg2[%dma_start3A_123, %multiple_of3A_115] : memref<64x1000000xf32, #tpu.memory_space<hbm>> -> memref<64x128xf32, #tpu.memory_space<hbm>>
    %dma_start3A_125 = arith.constant 0 : i32
    %dma_start3A_126 = arith.constant 0 : i32
    %dma_start3A_127 = tpu.memref_slice %arg12[%and3A_118, %dma_start3A_125, %dma_start3A_126] : memref<8x64x128xf32, #tpu.memory_space<vmem>> -> memref<1x64x128xf32, #tpu.memory_space<vmem>>
    %dma_start3A_128 = tpu.memref_squeeze %dma_start3A_127 : memref<1x64x128xf32, #tpu.memory_space<vmem>> -> memref<64x128xf32, #tpu.memory_space<vmem>>
    %dma_start3A_129 = arith.constant 0 : i32
    %dma_start3A_130 = tpu.memref_slice %arg2[%dma_start3A_129, %multiple_of3A_115] : memref<64x1000000xf32, #tpu.memory_space<hbm>> -> memref<64x128xf32, #tpu.memory_space<hbm>>
    tpu.enqueue_dma source(%dma_start3A_130 : memref<64x128xf32, #tpu.memory_space<hbm>>) target(%dma_start3A_128 : memref<64x128xf32, #tpu.memory_space<vmem>>) target_semaphore(%arg16 : memref<!tpu.dma_semaphore, #tpu.memory_space<semaphore_mem>>)
    %add3A_131 = arith.constant 5 : i32
    %add3A_132 = arith.addi %mul3A_2, %add3A_131 : i32
    %mul3A_133 = arith.constant 128 : i32
    %mul3A_134 = arith.muli %add3A_132, %mul3A_133 : i32
    %min3A_135 = arith.constant 999936 : i32
    %min3A_136 = arith.minsi %mul3A_134, %min3A_135 : i32
    %multiple_of3A_137 = tpu.assume_multiple %min3A_136, 128 : i32
    %and3A_138 = arith.constant 5 : i32
    %and3A_139 = arith.constant 7 : i32
    %and3A_140 = arith.andi %and3A_138, %and3A_139 : i32
    %dma_start3A_141 = arith.constant 0 : i32
    %dma_start3A_142 = arith.constant 0 : i32
    %dma_start3A_143 = tpu.memref_slice %arg12[%and3A_140, %dma_start3A_141, %dma_start3A_142] : memref<8x64x128xf32, #tpu.memory_space<vmem>> -> memref<1x64x128xf32, #tpu.memory_space<vmem>>
    %dma_start3A_144 = tpu.memref_squeeze %dma_start3A_143 : memref<1x64x128xf32, #tpu.memory_space<vmem>> -> memref<64x128xf32, #tpu.memory_space<vmem>>
    %dma_start3A_145 = arith.constant 0 : i32
    %dma_start3A_146 = tpu.memref_slice %arg2[%dma_start3A_145, %multiple_of3A_137] : memref<64x1000000xf32, #tpu.memory_space<hbm>> -> memref<64x128xf32, #tpu.memory_space<hbm>>
    %dma_start3A_147 = arith.constant 0 : i32
    %dma_start3A_148 = arith.constant 0 : i32
    %dma_start3A_149 = tpu.memref_slice %arg12[%and3A_140, %dma_start3A_147, %dma_start3A_148] : memref<8x64x128xf32, #tpu.memory_space<vmem>> -> memref<1x64x128xf32, #tpu.memory_space<vmem>>
    %dma_start3A_150 = tpu.memref_squeeze %dma_start3A_149 : memref<1x64x128xf32, #tpu.memory_space<vmem>> -> memref<64x128xf32, #tpu.memory_space<vmem>>
    %dma_start3A_151 = arith.constant 0 : i32
    %dma_start3A_152 = tpu.memref_slice %arg2[%dma_start3A_151, %multiple_of3A_137] : memref<64x1000000xf32, #tpu.memory_space<hbm>> -> memref<64x128xf32, #tpu.memory_space<hbm>>
    tpu.enqueue_dma source(%dma_start3A_152 : memref<64x128xf32, #tpu.memory_space<hbm>>) target(%dma_start3A_150 : memref<64x128xf32, #tpu.memory_space<vmem>>) target_semaphore(%arg16 : memref<!tpu.dma_semaphore, #tpu.memory_space<semaphore_mem>>)
    %add3A_153 = arith.constant 6 : i32
    %add3A_154 = arith.addi %mul3A_2, %add3A_153 : i32
    %mul3A_155 = arith.constant 128 : i32
    %mul3A_156 = arith.muli %add3A_154, %mul3A_155 : i32
    %min3A_157 = arith.constant 999936 : i32
    %min3A_158 = arith.minsi %mul3A_156, %min3A_157 : i32
    %multiple_of3A_159 = tpu.assume_multiple %min3A_158, 128 : i32
    %and3A_160 = arith.constant 6 : i32
    %and3A_161 = arith.constant 7 : i32
    %and3A_162 = arith.andi %and3A_160, %and3A_161 : i32
    %dma_start3A_163 = arith.constant 0 : i32
    %dma_start3A_164 = arith.constant 0 : i32
    %dma_start3A_165 = tpu.memref_slice %arg12[%and3A_162, %dma_start3A_163, %dma_start3A_164] : memref<8x64x128xf32, #tpu.memory_space<vmem>> -> memref<1x64x128xf32, #tpu.memory_space<vmem>>
    %dma_start3A_166 = tpu.memref_squeeze %dma_start3A_165 : memref<1x64x128xf32, #tpu.memory_space<vmem>> -> memref<64x128xf32, #tpu.memory_space<vmem>>
    %dma_start3A_167 = arith.constant 0 : i32
    %dma_start3A_168 = tpu.memref_slice %arg2[%dma_start3A_167, %multiple_of3A_159] : memref<64x1000000xf32, #tpu.memory_space<hbm>> -> memref<64x128xf32, #tpu.memory_space<hbm>>
    %dma_start3A_169 = arith.constant 0 : i32
    %dma_start3A_170 = arith.constant 0 : i32
    %dma_start3A_171 = tpu.memref_slice %arg12[%and3A_162, %dma_start3A_169, %dma_start3A_170] : memref<8x64x128xf32, #tpu.memory_space<vmem>> -> memref<1x64x128xf32, #tpu.memory_space<vmem>>
    %dma_start3A_172 = tpu.memref_squeeze %dma_start3A_171 : memref<1x64x128xf32, #tpu.memory_space<vmem>> -> memref<64x128xf32, #tpu.memory_space<vmem>>
    %dma_start3A_173 = arith.constant 0 : i32
    %dma_start3A_174 = tpu.memref_slice %arg2[%dma_start3A_173, %multiple_of3A_159] : memref<64x1000000xf32, #tpu.memory_space<hbm>> -> memref<64x128xf32, #tpu.memory_space<hbm>>
    tpu.enqueue_dma source(%dma_start3A_174 : memref<64x128xf32, #tpu.memory_space<hbm>>) target(%dma_start3A_172 : memref<64x128xf32, #tpu.memory_space<vmem>>) target_semaphore(%arg16 : memref<!tpu.dma_semaphore, #tpu.memory_space<semaphore_mem>>)
    %mul3A_175 = arith.constant 0 : i32
    %mul3A_176 = arith.constant 4096 : i32
    %mul3A_177 = arith.muli %mul3A_175, %mul3A_176 : i32
    %and3A_178 = arith.constant 0 : i32
    %and3A_179 = arith.constant 1 : i32
    %and3A_180 = arith.andi %and3A_178, %and3A_179 : i32
    %dma_start3A_181 = arith.constant 0 : i32
    %dma_start3A_182 = tpu.memref_slice %arg5[%and3A_180, %dma_start3A_181] : memref<2x4096xi32, #tpu.memory_space<vmem>> -> memref<1x4096xi32, #tpu.memory_space<vmem>>
    %dma_start3A_183 = tpu.memref_squeeze %dma_start3A_182 : memref<1x4096xi32, #tpu.memory_space<vmem>> -> memref<4096xi32, #tpu.memory_space<vmem>>
    %dma_start3A_184 = tpu.memref_slice %arg3[%mul3A_177] : memref<65536xi32, #tpu.memory_space<hbm>> -> memref<4096xi32, #tpu.memory_space<hbm>>
    %dma_start3A_185 = arith.constant 0 : i32
    %dma_start3A_186 = tpu.memref_slice %arg5[%and3A_180, %dma_start3A_185] : memref<2x4096xi32, #tpu.memory_space<vmem>> -> memref<1x4096xi32, #tpu.memory_space<vmem>>
    %dma_start3A_187 = tpu.memref_squeeze %dma_start3A_186 : memref<1x4096xi32, #tpu.memory_space<vmem>> -> memref<4096xi32, #tpu.memory_space<vmem>>
    %dma_start3A_188 = tpu.memref_slice %arg3[%mul3A_177] : memref<65536xi32, #tpu.memory_space<hbm>> -> memref<4096xi32, #tpu.memory_space<hbm>>
    tpu.enqueue_dma source(%dma_start3A_188 : memref<4096xi32, #tpu.memory_space<hbm>>) target(%dma_start3A_187 : memref<4096xi32, #tpu.memory_space<vmem>>) target_semaphore(%arg15 : memref<!tpu.dma_semaphore, #tpu.memory_space<semaphore_mem>>)
    %scan3A = arith.constant 0 : i32
    %scan3A_189 = arith.constant 0 : i32
    %scan3A_190 = arith.constant 16 : i32
    %scan3A_191 = arith.addi %scan3A_189, %scan3A_190 : i32
    %scan3A_192 = arith.constant 1 : i32
    %scan3A_193 = scf.for %scan3A_288 = %scan3A_189 to %scan3A_191 step %scan3A_192 iter_args(%scan3A_289 = %scan3A) -> (i32)  : i32 {
      %add3A_290 = arith.constant 1 : i32
      %add3A_291 = arith.addi %scan3A_288, %add3A_290 : i32
      %lt3A = arith.constant 16 : i32
      %lt3A_292 = arith.cmpi slt, %add3A_291, %lt3A : i32
      %convert_element_type3A_293 = arith.extui %lt3A_292 : i1 to i32
      %cond3A_294 = arith.constant 0 : i32
      %cond3A_295 = arith.cmpi ne, %convert_element_type3A_293, %cond3A_294 : i32
      scf.if %cond3A_295 {
        %add3A_314 = arith.constant 1 : i32
        %add3A_315 = arith.addi %scan3A_288, %add3A_314 : i32
        %mul3A_316 = arith.constant 4096 : i32
        %mul3A_317 = arith.muli %add3A_315, %mul3A_316 : i32
        %and3A_318 = arith.constant 1 : i32
        %and3A_319 = arith.andi %add3A_315, %and3A_318 : i32
        %dma_start3A_320 = arith.constant 0 : i32
        %dma_start3A_321 = tpu.memref_slice %arg5[%and3A_319, %dma_start3A_320] : memref<2x4096xi32, #tpu.memory_space<vmem>> -> memref<1x4096xi32, #tpu.memory_space<vmem>>
        %dma_start3A_322 = tpu.memref_squeeze %dma_start3A_321 : memref<1x4096xi32, #tpu.memory_space<vmem>> -> memref<4096xi32, #tpu.memory_space<vmem>>
        %dma_start3A_323 = tpu.memref_slice %arg3[%mul3A_317] : memref<65536xi32, #tpu.memory_space<hbm>> -> memref<4096xi32, #tpu.memory_space<hbm>>
        %dma_start3A_324 = arith.constant 0 : i32
        %dma_start3A_325 = tpu.memref_slice %arg5[%and3A_319, %dma_start3A_324] : memref<2x4096xi32, #tpu.memory_space<vmem>> -> memref<1x4096xi32, #tpu.memory_space<vmem>>
        %dma_start3A_326 = tpu.memref_squeeze %dma_start3A_325 : memref<1x4096xi32, #tpu.memory_space<vmem>> -> memref<4096xi32, #tpu.memory_space<vmem>>
        %dma_start3A_327 = tpu.memref_slice %arg3[%mul3A_317] : memref<65536xi32, #tpu.memory_space<hbm>> -> memref<4096xi32, #tpu.memory_space<hbm>>
        tpu.enqueue_dma source(%dma_start3A_327 : memref<4096xi32, #tpu.memory_space<hbm>>) target(%dma_start3A_326 : memref<4096xi32, #tpu.memory_space<vmem>>) target_semaphore(%arg15 : memref<!tpu.dma_semaphore, #tpu.memory_space<semaphore_mem>>)
      } else {
      }
      %dma_wait3A = arith.constant 0 : i32
      %dma_wait3A_296 = arith.constant 0 : i32
      %dma_wait3A_297 = tpu.memref_slice %arg5[%dma_wait3A, %dma_wait3A_296] : memref<2x4096xi32, #tpu.memory_space<vmem>> -> memref<1x4096xi32, #tpu.memory_space<vmem>>
      %dma_wait3A_298 = tpu.memref_squeeze %dma_wait3A_297 : memref<1x4096xi32, #tpu.memory_space<vmem>> -> memref<4096xi32, #tpu.memory_space<vmem>>
      %dma_wait3A_299 = arith.constant 0 : i32
      %dma_wait3A_300 = tpu.memref_slice %arg3[%dma_wait3A_299] : memref<65536xi32, #tpu.memory_space<hbm>> -> memref<4096xi32, #tpu.memory_space<hbm>>
      %dma_wait3A_301 = arith.constant 0 : i32
      %dma_wait3A_302 = tpu.memref_slice %arg5[%dma_wait3A, %dma_wait3A_301] : memref<2x4096xi32, #tpu.memory_space<vmem>> -> memref<1x4096xi32, #tpu.memory_space<vmem>>
      %dma_wait3A_303 = tpu.memref_squeeze %dma_wait3A_302 : memref<1x4096xi32, #tpu.memory_space<vmem>> -> memref<4096xi32, #tpu.memory_space<vmem>>
      %dma_wait3A_304 = arith.constant 0 : i32
      %dma_wait3A_305 = tpu.memref_slice %arg3[%dma_wait3A_304] : memref<65536xi32, #tpu.memory_space<hbm>> -> memref<4096xi32, #tpu.memory_space<hbm>>
      tpu.wait_dma2 semaphore(%arg15 : memref<!tpu.dma_semaphore, #tpu.memory_space<semaphore_mem>>) src(%dma_wait3A_305 : memref<4096xi32, #tpu.memory_space<hbm>>) dst(%dma_wait3A_303 : memref<4096xi32, #tpu.memory_space<vmem>>)
      %and3A_306 = arith.constant 1 : i32
      %and3A_307 = arith.andi %scan3A_288, %and3A_306 : i32
      %scan3A_308 = arith.constant 0 : i32
      %scan3A_309 = arith.constant 256 : i32
      %scan3A_310 = arith.addi %scan3A_308, %scan3A_309 : i32
      %scan3A_311 = arith.constant 8 : i32
      %scan3A_312 = scf.for %scan3A_314 = %scan3A_308 to %scan3A_310 step %scan3A_311 iter_args(%scan3A_315 = %scan3A_289) -> (i32)  : i32 {
        %mul3A_316 = arith.constant 16 : i32
        %mul3A_317 = arith.muli %scan3A_314, %mul3A_316 : i32
        %get3A = arith.index_cast %and3A_307 : i32 to index
        %get3A_318 = arith.index_cast %mul3A_317 : i32 to index
        %get3A_319 = tpu.vector_load %arg5[%get3A, %get3A_318] {strides = array<i32>} : memref<2x4096xi32, #tpu.memory_space<vmem>>, vector<16xi32>,
        %ge3A = vector.broadcast %mul3A_4 : i32 to vector<16xi32>
        %ge3A_320 = arith.cmpi sge, %get3A_319, %ge3A : vector<16xi32>
        %lt3A_321 = vector.broadcast %min3A_9 : i32 to vector<16xi32>
        %lt3A_322 = arith.cmpi slt, %get3A_319, %lt3A_321 : vector<16xi32>
        %and3A_323 = arith.andi %ge3A_320, %lt3A_322 : vector<16xi1>
        %mul3A_324 = arith.constant 4096 : i32
        %mul3A_325 = arith.muli %scan3A_288, %mul3A_324 : i32
        %mul3A_326 = arith.constant 16 : i32
        %mul3A_327 = arith.muli %scan3A_314, %mul3A_326 : i32
        %add3A_328 = arith.addi %mul3A_325, %mul3A_327 : i32
        %add3A_329 = vector.broadcast %add3A_328 : i32 to vector<16xi32>
        %add3A_330 = arith.addi %iota3A, %add3A_329 : vector<16xi32>
        %min3A_331 = arith.constant 8176 : i32
        %min3A_332 = arith.minsi %scan3A_315, %min3A_331 : i32
        %convert_element_type3A_333 = arith.extui %and3A_323 : vector<16xi1> to vector<16xi32>
        %broadcast_in_dim3A_334 = arith.constant true
        %broadcast_in_dim3A_335 = vector.broadcast %broadcast_in_dim3A_334 : i1 to vector<16xi1>
        %masked_cumsum3A = tpu.scan <sum>, %convert_element_type3A_333 masked %broadcast_in_dim3A_335 : vector<16xi32>, vector<16xi1> -> vector<16xi32>
        %sub3A_336 = arith.subi %masked_cumsum3A, %convert_element_type3A_333 : vector<16xi32>
        %add3A_337 = vector.broadcast %min3A_332 : i32 to vector<16xi32>
        %add3A_338 = arith.addi %add3A_337, %sub3A_336 : vector<16xi32>
        tpu.vector_store_idx %arg8[%add3A_338], %get3A_319 masked %and3A_323 : memref<8208xi32, #tpu.memory_space<vmem>>[vector<16xi32>], vector<16xi32>, vector<16xi1>
        %add3A_339 = vector.broadcast %min3A_332 : i32 to vector<16xi32>
        %add3A_340 = arith.addi %add3A_339, %sub3A_336 : vector<16xi32>
        tpu.vector_store_idx %arg9[%add3A_340], %add3A_330 masked %and3A_323 : memref<8208xi32, #tpu.memory_space<vmem>>[vector<16xi32>], vector<16xi32>, vector<16xi1>
        %slice3A = vector.extract_strided_slice %masked_cumsum3A {offsets = [15], sizes = [1], strides = [1]} : vector<16xi32> to vector<1xi32>
        %squeeze3A = vector.extract %slice3A[0] : i32 from vector<1xi32>
        %add3A_341 = arith.addi %scan3A_315, %squeeze3A : i32
        %scan3A_342 = arith.constant 1 : i32
        %scan3A_343 = arith.addi %scan3A_314, %scan3A_342 : i32
        %mul3A_344 = arith.constant 16 : i32
        %mul3A_345 = arith.muli %scan3A_343, %mul3A_344 : i32
        %get3A_346 = arith.index_cast %and3A_307 : i32 to index
        %get3A_347 = arith.index_cast %mul3A_345 : i32 to index
        %get3A_348 = tpu.vector_load %arg5[%get3A_346, %get3A_347] {strides = array<i32>} : memref<2x4096xi32, #tpu.memory_space<vmem>>, vector<16xi32>,
        %ge3A_349 = vector.broadcast %mul3A_4 : i32 to vector<16xi32>
        %ge3A_350 = arith.cmpi sge, %get3A_348, %ge3A_349 : vector<16xi32>
        %lt3A_351 = vector.broadcast %min3A_9 : i32 to vector<16xi32>
        %lt3A_352 = arith.cmpi slt, %get3A_348, %lt3A_351 : vector<16xi32>
        %and3A_353 = arith.andi %ge3A_350, %lt3A_352 : vector<16xi1>
        %mul3A_354 = arith.constant 4096 : i32
        %mul3A_355 = arith.muli %scan3A_288, %mul3A_354 : i32
        %mul3A_356 = arith.constant 16 : i32
        %mul3A_357 = arith.muli %scan3A_343, %mul3A_356 : i32
        %add3A_358 = arith.addi %mul3A_355, %mul3A_357 : i32
        %add3A_359 = vector.broadcast %add3A_358 : i32 to vector<16xi32>
        %add3A_360 = arith.addi %iota3A, %add3A_359 : vector<16xi32>
        %min3A_361 = arith.constant 8176 : i32
        %min3A_362 = arith.minsi %add3A_341, %min3A_361 : i32
        %convert_element_type3A_363 = arith.extui %and3A_353 : vector<16xi1> to vector<16xi32>
        %broadcast_in_dim3A_364 = arith.constant true
        %broadcast_in_dim3A_365 = vector.broadcast %broadcast_in_dim3A_364 : i1 to vector<16xi1>
        %masked_cumsum3A_366 = tpu.scan <sum>, %convert_element_type3A_363 masked %broadcast_in_dim3A_365 : vector<16xi32>, vector<16xi1> -> vector<16xi32>
        %sub3A_367 = arith.subi %masked_cumsum3A_366, %convert_element_type3A_363 : vector<16xi32>
        %add3A_368 = vector.broadcast %min3A_362 : i32 to vector<16xi32>
        %add3A_369 = arith.addi %add3A_368, %sub3A_367 : vector<16xi32>
        tpu.vector_store_idx %arg8[%add3A_369], %get3A_348 masked %and3A_353 : memref<8208xi32, #tpu.memory_space<vmem>>[vector<16xi32>], vector<16xi32>, vector<16xi1>
        %add3A_370 = vector.broadcast %min3A_362 : i32 to vector<16xi32>
        %add3A_371 = arith.addi %add3A_370, %sub3A_367 : vector<16xi32>
        tpu.vector_store_idx %arg9[%add3A_371], %add3A_360 masked %and3A_353 : memref<8208xi32, #tpu.memory_space<vmem>>[vector<16xi32>], vector<16xi32>, vector<16xi1>
        %slice3A_372 = vector.extract_strided_slice %masked_cumsum3A_366 {offsets = [15], sizes = [1], strides = [1]} : vector<16xi32> to vector<1xi32>
        %squeeze3A_373 = vector.extract %slice3A_372[0] : i32 from vector<1xi32>
        %add3A_374 = arith.addi %add3A_341, %squeeze3A_373 : i32
        %scan3A_375 = arith.constant 2 : i32
        %scan3A_376 = arith.addi %scan3A_314, %scan3A_375 : i32
        %mul3A_377 = arith.constant 16 : i32
        %mul3A_378 = arith.muli %scan3A_376, %mul3A_377 : i32
        %get3A_379 = arith.index_cast %and3A_307 : i32 to index
        %get3A_380 = arith.index_cast %mul3A_378 : i32 to index
        %get3A_381 = tpu.vector_load %arg5[%get3A_379, %get3A_380] {strides = array<i32>} : memref<2x4096xi32, #tpu.memory_space<vmem>>, vector<16xi32>,
        %ge3A_382 = vector.broadcast %mul3A_4 : i32 to vector<16xi32>
        %ge3A_383 = arith.cmpi sge, %get3A_381, %ge3A_382 : vector<16xi32>
        %lt3A_384 = vector.broadcast %min3A_9 : i32 to vector<16xi32>
        %lt3A_385 = arith.cmpi slt, %get3A_381, %lt3A_384 : vector<16xi32>
        %and3A_386 = arith.andi %ge3A_383, %lt3A_385 : vector<16xi1>
        %mul3A_387 = arith.constant 4096 : i32
        %mul3A_388 = arith.muli %scan3A_288, %mul3A_387 : i32
        %mul3A_389 = arith.constant 16 : i32
        %mul3A_390 = arith.muli %scan3A_376, %mul3A_389 : i32
        %add3A_391 = arith.addi %mul3A_388, %mul3A_390 : i32
        %add3A_392 = vector.broadcast %add3A_391 : i32 to vector<16xi32>
        %add3A_393 = arith.addi %iota3A, %add3A_392 : vector<16xi32>
        %min3A_394 = arith.constant 8176 : i32
        %min3A_395 = arith.minsi %add3A_374, %min3A_394 : i32
        %convert_element_type3A_396 = arith.extui %and3A_386 : vector<16xi1> to vector<16xi32>
        %broadcast_in_dim3A_397 = arith.constant true
        %broadcast_in_dim3A_398 = vector.broadcast %broadcast_in_dim3A_397 : i1 to vector<16xi1>
        %masked_cumsum3A_399 = tpu.scan <sum>, %convert_element_type3A_396 masked %broadcast_in_dim3A_398 : vector<16xi32>, vector<16xi1> -> vector<16xi32>
        %sub3A_400 = arith.subi %masked_cumsum3A_399, %convert_element_type3A_396 : vector<16xi32>
        %add3A_401 = vector.broadcast %min3A_395 : i32 to vector<16xi32>
        %add3A_402 = arith.addi %add3A_401, %sub3A_400 : vector<16xi32>
        tpu.vector_store_idx %arg8[%add3A_402], %get3A_381 masked %and3A_386 : memref<8208xi32, #tpu.memory_space<vmem>>[vector<16xi32>], vector<16xi32>, vector<16xi1>
        %add3A_403 = vector.broadcast %min3A_395 : i32 to vector<16xi32>
        %add3A_404 = arith.addi %add3A_403, %sub3A_400 : vector<16xi32>
        tpu.vector_store_idx %arg9[%add3A_404], %add3A_393 masked %and3A_386 : memref<8208xi32, #tpu.memory_space<vmem>>[vector<16xi32>], vector<16xi32>, vector<16xi1>
        %slice3A_405 = vector.extract_strided_slice %masked_cumsum3A_399 {offsets = [15], sizes = [1], strides = [1]} : vector<16xi32> to vector<1xi32>
        %squeeze3A_406 = vector.extract %slice3A_405[0] : i32 from vector<1xi32>
        %add3A_407 = arith.addi %add3A_374, %squeeze3A_406 : i32
        %scan3A_408 = arith.constant 3 : i32
        %scan3A_409 = arith.addi %scan3A_314, %scan3A_408 : i32
        %mul3A_410 = arith.constant 16 : i32
        %mul3A_411 = arith.muli %scan3A_409, %mul3A_410 : i32
        %get3A_412 = arith.index_cast %and3A_307 : i32 to index
        %get3A_413 = arith.index_cast %mul3A_411 : i32 to index
        %get3A_414 = tpu.vector_load %arg5[%get3A_412, %get3A_413] {strides = array<i32>} : memref<2x4096xi32, #tpu.memory_space<vmem>>, vector<16xi32>,
        %ge3A_415 = vector.broadcast %mul3A_4 : i32 to vector<16xi32>
        %ge3A_416 = arith.cmpi sge, %get3A_414, %ge3A_415 : vector<16xi32>
        %lt3A_417 = vector.broadcast %min3A_9 : i32 to vector<16xi32>
        %lt3A_418 = arith.cmpi slt, %get3A_414, %lt3A_417 : vector<16xi32>
        %and3A_419 = arith.andi %ge3A_416, %lt3A_418 : vector<16xi1>
        %mul3A_420 = arith.constant 4096 : i32
        %mul3A_421 = arith.muli %scan3A_288, %mul3A_420 : i32
        %mul3A_422 = arith.constant 16 : i32
        %mul3A_423 = arith.muli %scan3A_409, %mul3A_422 : i32
        %add3A_424 = arith.addi %mul3A_421, %mul3A_423 : i32
        %add3A_425 = vector.broadcast %add3A_424 : i32 to vector<16xi32>
        %add3A_426 = arith.addi %iota3A, %add3A_425 : vector<16xi32>
        %min3A_427 = arith.constant 8176 : i32
        %min3A_428 = arith.minsi %add3A_407, %min3A_427 : i32
        %convert_element_type3A_429 = arith.extui %and3A_419 : vector<16xi1> to vector<16xi32>
        %broadcast_in_dim3A_430 = arith.constant true
        %broadcast_in_dim3A_431 = vector.broadcast %broadcast_in_dim3A_430 : i1 to vector<16xi1>
        %masked_cumsum3A_432 = tpu.scan <sum>, %convert_element_type3A_429 masked %broadcast_in_dim3A_431 : vector<16xi32>, vector<16xi1> -> vector<16xi32>
        %sub3A_433 = arith.subi %masked_cumsum3A_432, %convert_element_type3A_429 : vector<16xi32>
        %add3A_434 = vector.broadcast %min3A_428 : i32 to vector<16xi32>
        %add3A_435 = arith.addi %add3A_434, %sub3A_433 : vector<16xi32>
        tpu.vector_store_idx %arg8[%add3A_435], %get3A_414 masked %and3A_419 : memref<8208xi32, #tpu.memory_space<vmem>>[vector<16xi32>], vector<16xi32>, vector<16xi1>
        %add3A_436 = vector.broadcast %min3A_428 : i32 to vector<16xi32>
        %add3A_437 = arith.addi %add3A_436, %sub3A_433 : vector<16xi32>
        tpu.vector_store_idx %arg9[%add3A_437], %add3A_426 masked %and3A_419 : memref<8208xi32, #tpu.memory_space<vmem>>[vector<16xi32>], vector<16xi32>, vector<16xi1>
        %slice3A_438 = vector.extract_strided_slice %masked_cumsum3A_432 {offsets = [15], sizes = [1], strides = [1]} : vector<16xi32> to vector<1xi32>
        %squeeze3A_439 = vector.extract %slice3A_438[0] : i32 from vector<1xi32>
        %add3A_440 = arith.addi %add3A_407, %squeeze3A_439 : i32
        %scan3A_441 = arith.constant 4 : i32
        %scan3A_442 = arith.addi %scan3A_314, %scan3A_441 : i32
        %mul3A_443 = arith.constant 16 : i32
        %mul3A_444 = arith.muli %scan3A_442, %mul3A_443 : i32
        %get3A_445 = arith.index_cast %and3A_307 : i32 to index
        %get3A_446 = arith.index_cast %mul3A_444 : i32 to index
        %get3A_447 = tpu.vector_load %arg5[%get3A_445, %get3A_446] {strides = array<i32>} : memref<2x4096xi32, #tpu.memory_space<vmem>>, vector<16xi32>,
        %ge3A_448 = vector.broadcast %mul3A_4 : i32 to vector<16xi32>
        %ge3A_449 = arith.cmpi sge, %get3A_447, %ge3A_448 : vector<16xi32>
        %lt3A_450 = vector.broadcast %min3A_9 : i32 to vector<16xi32>
        %lt3A_451 = arith.cmpi slt, %get3A_447, %lt3A_450 : vector<16xi32>
        %and3A_452 = arith.andi %ge3A_449, %lt3A_451 : vector<16xi1>
        %mul3A_453 = arith.constant 4096 : i32
        %mul3A_454 = arith.muli %scan3A_288, %mul3A_453 : i32
        %mul3A_455 = arith.constant 16 : i32
        %mul3A_456 = arith.muli %scan3A_442, %mul3A_455 : i32
        %add3A_457 = arith.addi %mul3A_454, %mul3A_456 : i32
        %add3A_458 = vector.broadcast %add3A_457 : i32 to vector<16xi32>
        %add3A_459 = arith.addi %iota3A, %add3A_458 : vector<16xi32>
        %min3A_460 = arith.constant 8176 : i32
        %min3A_461 = arith.minsi %add3A_440, %min3A_460 : i32
        %convert_element_type3A_462 = arith.extui %and3A_452 : vector<16xi1> to vector<16xi32>
        %broadcast_in_dim3A_463 = arith.constant true
        %broadcast_in_dim3A_464 = vector.broadcast %broadcast_in_dim3A_463 : i1 to vector<16xi1>
        %masked_cumsum3A_465 = tpu.scan <sum>, %convert_element_type3A_462 masked %broadcast_in_dim3A_464 : vector<16xi32>, vector<16xi1> -> vector<16xi32>
        %sub3A_466 = arith.subi %masked_cumsum3A_465, %convert_element_type3A_462 : vector<16xi32>
        %add3A_467 = vector.broadcast %min3A_461 : i32 to vector<16xi32>
        %add3A_468 = arith.addi %add3A_467, %sub3A_466 : vector<16xi32>
        tpu.vector_store_idx %arg8[%add3A_468], %get3A_447 masked %and3A_452 : memref<8208xi32, #tpu.memory_space<vmem>>[vector<16xi32>], vector<16xi32>, vector<16xi1>
        %add3A_469 = vector.broadcast %min3A_461 : i32 to vector<16xi32>
        %add3A_470 = arith.addi %add3A_469, %sub3A_466 : vector<16xi32>
        tpu.vector_store_idx %arg9[%add3A_470], %add3A_459 masked %and3A_452 : memref<8208xi32, #tpu.memory_space<vmem>>[vector<16xi32>], vector<16xi32>, vector<16xi1>
        %slice3A_471 = vector.extract_strided_slice %masked_cumsum3A_465 {offsets = [15], sizes = [1], strides = [1]} : vector<16xi32> to vector<1xi32>
        %squeeze3A_472 = vector.extract %slice3A_471[0] : i32 from vector<1xi32>
        %add3A_473 = arith.addi %add3A_440, %squeeze3A_472 : i32
        %scan3A_474 = arith.constant 5 : i32
        %scan3A_475 = arith.addi %scan3A_314, %scan3A_474 : i32
        %mul3A_476 = arith.constant 16 : i32
        %mul3A_477 = arith.muli %scan3A_475, %mul3A_476 : i32
        %get3A_478 = arith.index_cast %and3A_307 : i32 to index
        %get3A_479 = arith.index_cast %mul3A_477 : i32 to index
        %get3A_480 = tpu.vector_load %arg5[%get3A_478, %get3A_479] {strides = array<i32>} : memref<2x4096xi32, #tpu.memory_space<vmem>>, vector<16xi32>,
        %ge3A_481 = vector.broadcast %mul3A_4 : i32 to vector<16xi32>
        %ge3A_482 = arith.cmpi sge, %get3A_480, %ge3A_481 : vector<16xi32>
        %lt3A_483 = vector.broadcast %min3A_9 : i32 to vector<16xi32>
        %lt3A_484 = arith.cmpi slt, %get3A_480, %lt3A_483 : vector<16xi32>
        %and3A_485 = arith.andi %ge3A_482, %lt3A_484 : vector<16xi1>
        %mul3A_486 = arith.constant 4096 : i32
        %mul3A_487 = arith.muli %scan3A_288, %mul3A_486 : i32
        %mul3A_488 = arith.constant 16 : i32
        %mul3A_489 = arith.muli %scan3A_475, %mul3A_488 : i32
        %add3A_490 = arith.addi %mul3A_487, %mul3A_489 : i32
        %add3A_491 = vector.broadcast %add3A_490 : i32 to vector<16xi32>
        %add3A_492 = arith.addi %iota3A, %add3A_491 : vector<16xi32>
        %min3A_493 = arith.constant 8176 : i32
        %min3A_494 = arith.minsi %add3A_473, %min3A_493 : i32
        %convert_element_type3A_495 = arith.extui %and3A_485 : vector<16xi1> to vector<16xi32>
        %broadcast_in_dim3A_496 = arith.constant true
        %broadcast_in_dim3A_497 = vector.broadcast %broadcast_in_dim3A_496 : i1 to vector<16xi1>
        %masked_cumsum3A_498 = tpu.scan <sum>, %convert_element_type3A_495 masked %broadcast_in_dim3A_497 : vector<16xi32>, vector<16xi1> -> vector<16xi32>
        %sub3A_499 = arith.subi %masked_cumsum3A_498, %convert_element_type3A_495 : vector<16xi32>
        %add3A_500 = vector.broadcast %min3A_494 : i32 to vector<16xi32>
        %add3A_501 = arith.addi %add3A_500, %sub3A_499 : vector<16xi32>
        tpu.vector_store_idx %arg8[%add3A_501], %get3A_480 masked %and3A_485 : memref<8208xi32, #tpu.memory_space<vmem>>[vector<16xi32>], vector<16xi32>, vector<16xi1>
        %add3A_502 = vector.broadcast %min3A_494 : i32 to vector<16xi32>
        %add3A_503 = arith.addi %add3A_502, %sub3A_499 : vector<16xi32>
        tpu.vector_store_idx %arg9[%add3A_503], %add3A_492 masked %and3A_485 : memref<8208xi32, #tpu.memory_space<vmem>>[vector<16xi32>], vector<16xi32>, vector<16xi1>
        %slice3A_504 = vector.extract_strided_slice %masked_cumsum3A_498 {offsets = [15], sizes = [1], strides = [1]} : vector<16xi32> to vector<1xi32>
        %squeeze3A_505 = vector.extract %slice3A_504[0] : i32 from vector<1xi32>
        %add3A_506 = arith.addi %add3A_473, %squeeze3A_505 : i32
        %scan3A_507 = arith.constant 6 : i32
        %scan3A_508 = arith.addi %scan3A_314, %scan3A_507 : i32
        %mul3A_509 = arith.constant 16 : i32
        %mul3A_510 = arith.muli %scan3A_508, %mul3A_509 : i32
        %get3A_511 = arith.index_cast %and3A_307 : i32 to index
        %get3A_512 = arith.index_cast %mul3A_510 : i32 to index
        %get3A_513 = tpu.vector_load %arg5[%get3A_511, %get3A_512] {strides = array<i32>} : memref<2x4096xi32, #tpu.memory_space<vmem>>, vector<16xi32>,
        %ge3A_514 = vector.broadcast %mul3A_4 : i32 to vector<16xi32>
        %ge3A_515 = arith.cmpi sge, %get3A_513, %ge3A_514 : vector<16xi32>
        %lt3A_516 = vector.broadcast %min3A_9 : i32 to vector<16xi32>
        %lt3A_517 = arith.cmpi slt, %get3A_513, %lt3A_516 : vector<16xi32>
        %and3A_518 = arith.andi %ge3A_515, %lt3A_517 : vector<16xi1>
        %mul3A_519 = arith.constant 4096 : i32
        %mul3A_520 = arith.muli %scan3A_288, %mul3A_519 : i32
        %mul3A_521 = arith.constant 16 : i32
        %mul3A_522 = arith.muli %scan3A_508, %mul3A_521 : i32
        %add3A_523 = arith.addi %mul3A_520, %mul3A_522 : i32
        %add3A_524 = vector.broadcast %add3A_523 : i32 to vector<16xi32>
        %add3A_525 = arith.addi %iota3A, %add3A_524 : vector<16xi32>
        %min3A_526 = arith.constant 8176 : i32
        %min3A_527 = arith.minsi %add3A_506, %min3A_526 : i32
        %convert_element_type3A_528 = arith.extui %and3A_518 : vector<16xi1> to vector<16xi32>
        %broadcast_in_dim3A_529 = arith.constant true
        %broadcast_in_dim3A_530 = vector.broadcast %broadcast_in_dim3A_529 : i1 to vector<16xi1>
        %masked_cumsum3A_531 = tpu.scan <sum>, %convert_element_type3A_528 masked %broadcast_in_dim3A_530 : vector<16xi32>, vector<16xi1> -> vector<16xi32>
        %sub3A_532 = arith.subi %masked_cumsum3A_531, %convert_element_type3A_528 : vector<16xi32>
        %add3A_533 = vector.broadcast %min3A_527 : i32 to vector<16xi32>
        %add3A_534 = arith.addi %add3A_533, %sub3A_532 : vector<16xi32>
        tpu.vector_store_idx %arg8[%add3A_534], %get3A_513 masked %and3A_518 : memref<8208xi32, #tpu.memory_space<vmem>>[vector<16xi32>], vector<16xi32>, vector<16xi1>
        %add3A_535 = vector.broadcast %min3A_527 : i32 to vector<16xi32>
        %add3A_536 = arith.addi %add3A_535, %sub3A_532 : vector<16xi32>
        tpu.vector_store_idx %arg9[%add3A_536], %add3A_525 masked %and3A_518 : memref<8208xi32, #tpu.memory_space<vmem>>[vector<16xi32>], vector<16xi32>, vector<16xi1>
        %slice3A_537 = vector.extract_strided_slice %masked_cumsum3A_531 {offsets = [15], sizes = [1], strides = [1]} : vector<16xi32> to vector<1xi32>
        %squeeze3A_538 = vector.extract %slice3A_537[0] : i32 from vector<1xi32>
        %add3A_539 = arith.addi %add3A_506, %squeeze3A_538 : i32
        %scan3A_540 = arith.constant 7 : i32
        %scan3A_541 = arith.addi %scan3A_314, %scan3A_540 : i32
        %mul3A_542 = arith.constant 16 : i32
        %mul3A_543 = arith.muli %scan3A_541, %mul3A_542 : i32
        %get3A_544 = arith.index_cast %and3A_307 : i32 to index
        %get3A_545 = arith.index_cast %mul3A_543 : i32 to index
        %get3A_546 = tpu.vector_load %arg5[%get3A_544, %get3A_545] {strides = array<i32>} : memref<2x4096xi32, #tpu.memory_space<vmem>>, vector<16xi32>,
        %ge3A_547 = vector.broadcast %mul3A_4 : i32 to vector<16xi32>
        %ge3A_548 = arith.cmpi sge, %get3A_546, %ge3A_547 : vector<16xi32>
        %lt3A_549 = vector.broadcast %min3A_9 : i32 to vector<16xi32>
        %lt3A_550 = arith.cmpi slt, %get3A_546, %lt3A_549 : vector<16xi32>
        %and3A_551 = arith.andi %ge3A_548, %lt3A_550 : vector<16xi1>
        %mul3A_552 = arith.constant 4096 : i32
        %mul3A_553 = arith.muli %scan3A_288, %mul3A_552 : i32
        %mul3A_554 = arith.constant 16 : i32
        %mul3A_555 = arith.muli %scan3A_541, %mul3A_554 : i32
        %add3A_556 = arith.addi %mul3A_553, %mul3A_555 : i32
        %add3A_557 = vector.broadcast %add3A_556 : i32 to vector<16xi32>
        %add3A_558 = arith.addi %iota3A, %add3A_557 : vector<16xi32>
        %min3A_559 = arith.constant 8176 : i32
        %min3A_560 = arith.minsi %add3A_539, %min3A_559 : i32
        %convert_element_type3A_561 = arith.extui %and3A_551 : vector<16xi1> to vector<16xi32>
        %broadcast_in_dim3A_562 = arith.constant true
        %broadcast_in_dim3A_563 = vector.broadcast %broadcast_in_dim3A_562 : i1 to vector<16xi1>
        %masked_cumsum3A_564 = tpu.scan <sum>, %convert_element_type3A_561 masked %broadcast_in_dim3A_563 : vector<16xi32>, vector<16xi1> -> vector<16xi32>
        %sub3A_565 = arith.subi %masked_cumsum3A_564, %convert_element_type3A_561 : vector<16xi32>
        %add3A_566 = vector.broadcast %min3A_560 : i32 to vector<16xi32>
        %add3A_567 = arith.addi %add3A_566, %sub3A_565 : vector<16xi32>
        tpu.vector_store_idx %arg8[%add3A_567], %get3A_546 masked %and3A_551 : memref<8208xi32, #tpu.memory_space<vmem>>[vector<16xi32>], vector<16xi32>, vector<16xi1>
        %add3A_568 = vector.broadcast %min3A_560 : i32 to vector<16xi32>
        %add3A_569 = arith.addi %add3A_568, %sub3A_565 : vector<16xi32>
        tpu.vector_store_idx %arg9[%add3A_569], %add3A_558 masked %and3A_551 : memref<8208xi32, #tpu.memory_space<vmem>>[vector<16xi32>], vector<16xi32>, vector<16xi1>
        %slice3A_570 = vector.extract_strided_slice %masked_cumsum3A_564 {offsets = [15], sizes = [1], strides = [1]} : vector<16xi32> to vector<1xi32>
        %squeeze3A_571 = vector.extract %slice3A_570[0] : i32 from vector<1xi32>
        %add3A_572 = arith.addi %add3A_539, %squeeze3A_571 : i32
        scf.yield %add3A_572 : i32
      }
      %scan3A_313 = arith.constant 256 : i32
      scf.yield %scan3A_312 : i32
    }
    %scan3A_194 = arith.constant 16 : i32
    %min3A_195 = arith.constant 8192 : i32
    %min3A_196 = arith.minsi %scan3A_193, %min3A_195 : i32
    %add3A_197 = arith.constant 16 : i32
    %add3A_198 = arith.addi %min3A_196, %add3A_197 : i32
    %sub3A = arith.constant 1 : i32
    %sub3A_199 = arith.subi %add3A_198, %sub3A : i32
    %jit3A = arith.constant 16 : i32
    %div3A = arith.divsi %sub3A_199, %jit3A : i32
    %sign3A = arith.constant 0 : i32
    %sign3A_200 = arith.cmpi sgt, %sub3A_199, %sign3A : i32
    %sign3A_201 = arith.extui %sign3A_200 : i1 to i32
    %sign3A_202 = arith.constant 0 : i32
    %sign3A_203 = arith.cmpi slt, %sub3A_199, %sign3A_202 : i32
    %sign3A_204 = arith.extui %sign3A_203 : i1 to i32
    %sign3A_205 = arith.subi %sign3A_201, %sign3A_204 : i32
    %sign3A_206 = arith.constant 0 : i32
    %sign3A_207 = arith.cmpi sgt, %jit3A, %sign3A_206 : i32
    %sign3A_208 = arith.extui %sign3A_207 : i1 to i32
    %sign3A_209 = arith.constant 0 : i32
    %sign3A_210 = arith.cmpi slt, %jit3A, %sign3A_209 : i32
    %sign3A_211 = arith.extui %sign3A_210 : i1 to i32
    %sign3A_212 = arith.subi %sign3A_208, %sign3A_211 : i32
    %ne3A = arith.cmpi ne, %sign3A_205, %sign3A_212 : i32
    %rem3A = arith.remsi %sub3A_199, %jit3A : i32
    %ne3A_213 = arith.constant 0 : i32
    %ne3A_214 = arith.cmpi ne, %rem3A, %ne3A_213 : i32
    %and3A_215 = arith.andi %ne3A, %ne3A_214 : i1
    %sub3A_216 = arith.constant 1 : i32
    %sub3A_217 = arith.subi %div3A, %sub3A_216 : i32
    %select_n3A = arith.select %and3A_215, %sub3A_217, %div3A : i32
    %scan3A_218 = arith.constant 0 : i32
    %scan3A_219 = arith.constant 0 : i32
    %scan3A_220 = arith.constant 16 : i32
    %scan3A_221 = arith.addi %scan3A_219, %scan3A_220 : i32
    %scan3A_222 = arith.constant 1 : i32
    %scan3A_223 = scf.for %scan3A_288 = %scan3A_219 to %scan3A_221 step %scan3A_222 iter_args(%scan3A_289 = %scan3A_218) -> (i32)  : i32 {
      %broadcast_in_dim3A_290 = arith.constant 0 : i32
      %broadcast_in_dim3A_291 = vector.broadcast %broadcast_in_dim3A_290 : i32 to vector<16xi32>
      %mul3A_292 = arith.constant 16 : i32
      %mul3A_293 = arith.muli %scan3A_288, %mul3A_292 : i32
      %swap3A = arith.index_cast %mul3A_293 : i32 to index
      %swap3A_294 = tpu.vector_load %arg10[%swap3A] {strides = array<i32>} : memref<256xi32, #tpu.memory_space<vmem>>, vector<16xi32>,
      tpu.vector_store %arg10[%swap3A], %broadcast_in_dim3A_291 {strides = array<i32>} : memref<256xi32, #tpu.memory_space<vmem>>, vector<16xi32>,
      %scan3A_295 = arith.constant 0 : i32
      scf.yield %scan3A_295 : i32
    }
    %scan3A_224 = arith.constant 16 : i32
    %broadcast_in_dim3A = arith.constant 1 : i32
    %broadcast_in_dim3A_225 = vector.broadcast %broadcast_in_dim3A : i32 to vector<16xi32>
    %while3A = arith.constant 0 : i32
    %while3A_226 = arith.constant 0 : i32
    %while3A_227 = arith.subi %select_n3A, %while3A : i32
    %while3A_228 = arith.addi %while3A, %while3A_227 : i32
    %while3A_229 = arith.constant 1 : i32
    %while3A_230 = arith.divsi %while3A_227, %while3A_229 : i32
    %while3A_231 = arith.muli %while3A_230, %while3A_229 : i32
    %while3A_232 = arith.addi %while3A, %while3A_231 : i32
    %while3A_233 = arith.constant 1 : i32
    %while3A_234 = scf.for %while3A_288 = %while3A to %while3A_232 step %while3A_233 iter_args(%while3A_289 = %while3A_226) -> (i32)  : i32 {
      %mul3A_290 = arith.constant 16 : i32
      %mul3A_291 = arith.muli %while3A_288, %mul3A_290 : i32
      %get3A = arith.index_cast %mul3A_291 : i32 to index
      %get3A_292 = tpu.vector_load %arg8[%get3A] {strides = array<i32>} : memref<8208xi32, #tpu.memory_space<vmem>>, vector<16xi32>,
      %sub3A_293 = vector.broadcast %mul3A_4 : i32 to vector<16xi32>
      %sub3A_294 = arith.subi %get3A_292, %sub3A_293 : vector<16xi32>
      %shift_right_arithmetic3A = arith.constant 7 : i32
      %shift_right_arithmetic3A_295 = vector.broadcast %shift_right_arithmetic3A : i32 to vector<16xi32>
      %shift_right_arithmetic3A_296 = arith.shrsi %sub3A_294, %shift_right_arithmetic3A_295 : vector<16xi32>
      %mul3A_297 = arith.constant 16 : i32
      %mul3A_298 = arith.muli %while3A_288, %mul3A_297 : i32
      %sub3A_299 = arith.subi %min3A_196, %mul3A_298 : i32
      %lt3A = vector.broadcast %sub3A_299 : i32 to vector<16xi32>
      %lt3A_300 = arith.cmpi slt, %iota3A, %lt3A : vector<16xi32>
      %jit3A_301 = arith.constant 245 : i32
      %broadcast_in_dim3A_302 = vector.broadcast %jit3A_301 : i32 to vector<16xi32>
      %select_n3A_303 = arith.select %lt3A_300, %shift_right_arithmetic3A_296, %broadcast_in_dim3A_302 : vector<16xi1>, vector<16xi32>
      tpu.vector_store_idx %arg10[%select_n3A_303], %broadcast_in_dim3A_225 {add = true} : memref<256xi32, #tpu.memory_space<vmem>>[vector<16xi32>], vector<16xi32>,
      %while3A_304 = arith.constant 0 : i32
      scf.yield %while3A_304 : i32
    }
    %while3A_235 = arith.constant 1 : i32
    %while3A_236 = scf.for %while3A_288 = %while3A_232 to %while3A_228 step %while3A_235 iter_args(%while3A_289 = %while3A_234) -> (i32)  : i32 {
      %mul3A_290 = arith.constant 16 : i32
      %mul3A_291 = arith.muli %while3A_288, %mul3A_290 : i32
      %get3A = arith.index_cast %mul3A_291 : i32 to index
      %get3A_292 = tpu.vector_load %arg8[%get3A] {strides = array<i32>} : memref<8208xi32, #tpu.memory_space<vmem>>, vector<16xi32>,
      %sub3A_293 = vector.broadcast %mul3A_4 : i32 to vector<16xi32>
      %sub3A_294 = arith.subi %get3A_292, %sub3A_293 : vector<16xi32>
      %shift_right_arithmetic3A = arith.constant 7 : i32
      %shift_right_arithmetic3A_295 = vector.broadcast %shift_right_arithmetic3A : i32 to vector<16xi32>
      %shift_right_arithmetic3A_296 = arith.shrsi %sub3A_294, %shift_right_arithmetic3A_295 : vector<16xi32>
      %mul3A_297 = arith.constant 16 : i32
      %mul3A_298 = arith.muli %while3A_288, %mul3A_297 : i32
      %sub3A_299 = arith.subi %min3A_196, %mul3A_298 : i32
      %lt3A = vector.broadcast %sub3A_299 : i32 to vector<16xi32>
      %lt3A_300 = arith.cmpi slt, %iota3A, %lt3A : vector<16xi32>
      %jit3A_301 = arith.constant 245 : i32
      %broadcast_in_dim3A_302 = vector.broadcast %jit3A_301 : i32 to vector<16xi32>
      %select_n3A_303 = arith.select %lt3A_300, %shift_right_arithmetic3A_296, %broadcast_in_dim3A_302 : vector<16xi1>, vector<16xi32>
      tpu.vector_store_idx %arg10[%select_n3A_303], %broadcast_in_dim3A_225 {add = true} : memref<256xi32, #tpu.memory_space<vmem>>[vector<16xi32>], vector<16xi32>,
      %while3A_304 = arith.constant 0 : i32
      scf.yield %while3A_304 : i32
    }
    %scan3A_237 = arith.constant 0 : i32
    %scan3A_238 = arith.constant 0 : i32
    %scan3A_239 = arith.constant 16 : i32
    %scan3A_240 = arith.addi %scan3A_238, %scan3A_239 : i32
    %scan3A_241 = arith.constant 1 : i32
    %scan3A_242 = scf.for %scan3A_288 = %scan3A_238 to %scan3A_240 step %scan3A_241 iter_args(%scan3A_289 = %scan3A_237) -> (i32)  : i32 {
      %mul3A_290 = arith.constant 16 : i32
      %mul3A_291 = arith.muli %scan3A_288, %mul3A_290 : i32
      %get3A = arith.index_cast %mul3A_291 : i32 to index
      %get3A_292 = tpu.vector_load %arg10[%get3A] {strides = array<i32>} : memref<256xi32, #tpu.memory_space<vmem>>, vector<16xi32>,
      %broadcast_in_dim3A_293 = arith.constant true
      %broadcast_in_dim3A_294 = vector.broadcast %broadcast_in_dim3A_293 : i1 to vector<16xi1>
      %masked_cumsum3A = tpu.scan <sum>, %get3A_292 masked %broadcast_in_dim3A_294 : vector<16xi32>, vector<16xi1> -> vector<16xi32>
      %add3A_295 = vector.broadcast %scan3A_289 : i32 to vector<16xi32>
      %add3A_296 = arith.addi %masked_cumsum3A, %add3A_295 : vector<16xi32>
      %mul3A_297 = arith.constant 16 : i32
      %mul3A_298 = arith.muli %scan3A_288, %mul3A_297 : i32
      %swap3A = arith.index_cast %mul3A_298 : i32 to index
      %swap3A_299 = tpu.vector_load %arg10[%swap3A] {strides = array<i32>} : memref<256xi32, #tpu.memory_space<vmem>>, vector<16xi32>,
      tpu.vector_store %arg10[%swap3A], %add3A_296 {strides = array<i32>} : memref<256xi32, #tpu.memory_space<vmem>>, vector<16xi32>,
      %slice3A = vector.extract_strided_slice %add3A_296 {offsets = [15], sizes = [1], strides = [1]} : vector<16xi32> to vector<1xi32>
      %squeeze3A = vector.extract %slice3A[0] : i32 from vector<1xi32>
      scf.yield %squeeze3A : i32
    }
    %scan3A_243 = arith.constant 16 : i32
    %scan3A_244 = arith.constant 0 : i32
    %scan3A_245 = arith.constant 0 : i32
    %scan3A_246 = arith.constant 16 : i32
    %scan3A_247 = arith.addi %scan3A_245, %scan3A_246 : i32
    %scan3A_248 = arith.constant 1 : i32
    %scan3A_249 = scf.for %scan3A_288 = %scan3A_245 to %scan3A_247 step %scan3A_248 iter_args(%scan3A_289 = %scan3A_244) -> (i32)  : i32 {
      %mul3A_290 = arith.constant 16 : i32
      %mul3A_291 = arith.muli %scan3A_288, %mul3A_290 : i32
      %get3A = arith.index_cast %mul3A_291 : i32 to index
      %get3A_292 = tpu.vector_load %arg10[%get3A] {strides = array<i32>} : memref<256xi32, #tpu.memory_space<vmem>>, vector<16xi32>,
      %mul3A_293 = arith.constant 16 : i32
      %mul3A_294 = arith.muli %scan3A_288, %mul3A_293 : i32
      %add3A_295 = arith.constant 0 : i32
      %add3A_296 = arith.addi %mul3A_294, %add3A_295 : i32
      %lt3A = arith.constant 247 : i32
      %lt3A_297 = arith.cmpi slt, %add3A_296, %lt3A : i32
      %convert_element_type3A_298 = arith.extui %lt3A_297 : i1 to i32
      %cond3A_299 = arith.constant 0 : i32
      %cond3A_300 = arith.cmpi ne, %convert_element_type3A_298, %cond3A_299 : i32
      scf.if %cond3A_300 {
        %slice3A = vector.extract_strided_slice %get3A_292 {offsets = [0], sizes = [1], strides = [1]} : vector<16xi32> to vector<1xi32>
        %squeeze3A = vector.extract %slice3A[0] : i32 from vector<1xi32>
        %mul3A_437 = arith.constant 16 : i32
        %mul3A_438 = arith.muli %scan3A_288, %mul3A_437 : i32
        %add3A_439 = arith.constant 0 : i32
        %add3A_440 = arith.addi %mul3A_438, %add3A_439 : i32
        %swap3A = arith.index_cast %add3A_440 : i32 to index
        %swap3A_441 = memref.load %arg11[%swap3A] : memref<247xi32, #tpu.memory_space<smem>>
        memref.store %squeeze3A, %arg11[%swap3A] : memref<247xi32, #tpu.memory_space<smem>>
      } else {
      }
      %mul3A_301 = arith.constant 16 : i32
      %mul3A_302 = arith.muli %scan3A_288, %mul3A_301 : i32
      %add3A_303 = arith.constant 1 : i32
      %add3A_304 = arith.addi %mul3A_302, %add3A_303 : i32
      %lt3A_305 = arith.constant 247 : i32
      %lt3A_306 = arith.cmpi slt, %add3A_304, %lt3A_305 : i32
      %convert_element_type3A_307 = arith.extui %lt3A_306 : i1 to i32
      %cond3A_308 = arith.constant 0 : i32
      %cond3A_309 = arith.cmpi ne, %convert_element_type3A_307, %cond3A_308 : i32
      scf.if %cond3A_309 {
        %slice3A = vector.extract_strided_slice %get3A_292 {offsets = [1], sizes = [1], strides = [1]} : vector<16xi32> to vector<1xi32>
        %squeeze3A = vector.extract %slice3A[0] : i32 from vector<1xi32>
        %mul3A_437 = arith.constant 16 : i32
        %mul3A_438 = arith.muli %scan3A_288, %mul3A_437 : i32
        %add3A_439 = arith.constant 1 : i32
        %add3A_440 = arith.addi %mul3A_438, %add3A_439 : i32
        %swap3A = arith.index_cast %add3A_440 : i32 to index
        %swap3A_441 = memref.load %arg11[%swap3A] : memref<247xi32, #tpu.memory_space<smem>>
        memref.store %squeeze3A, %arg11[%swap3A] : memref<247xi32, #tpu.memory_space<smem>>
      } else {
      }
      %mul3A_310 = arith.constant 16 : i32
      %mul3A_311 = arith.muli %scan3A_288, %mul3A_310 : i32
      %add3A_312 = arith.constant 2 : i32
      %add3A_313 = arith.addi %mul3A_311, %add3A_312 : i32
      %lt3A_314 = arith.constant 247 : i32
      %lt3A_315 = arith.cmpi slt, %add3A_313, %lt3A_314 : i32
      %convert_element_type3A_316 = arith.extui %lt3A_315 : i1 to i32
      %cond3A_317 = arith.constant 0 : i32
      %cond3A_318 = arith.cmpi ne, %convert_element_type3A_316, %cond3A_317 : i32
      scf.if %cond3A_318 {
        %slice3A = vector.extract_strided_slice %get3A_292 {offsets = [2], sizes = [1], strides = [1]} : vector<16xi32> to vector<1xi32>
        %squeeze3A = vector.extract %slice3A[0] : i32 from vector<1xi32>
        %mul3A_437 = arith.constant 16 : i32
        %mul3A_438 = arith.muli %scan3A_288, %mul3A_437 : i32
        %add3A_439 = arith.constant 2 : i32
        %add3A_440 = arith.addi %mul3A_438, %add3A_439 : i32
        %swap3A = arith.index_cast %add3A_440 : i32 to index
        %swap3A_441 = memref.load %arg11[%swap3A] : memref<247xi32, #tpu.memory_space<smem>>
        memref.store %squeeze3A, %arg11[%swap3A] : memref<247xi32, #tpu.memory_space<smem>>
      } else {
      }
      %mul3A_319 = arith.constant 16 : i32
      %mul3A_320 = arith.muli %scan3A_288, %mul3A_319 : i32
      %add3A_321 = arith.constant 3 : i32
      %add3A_322 = arith.addi %mul3A_320, %add3A_321 : i32
      %lt3A_323 = arith.constant 247 : i32
      %lt3A_324 = arith.cmpi slt, %add3A_322, %lt3A_323 : i32
      %convert_element_type3A_325 = arith.extui %lt3A_324 : i1 to i32
      %cond3A_326 = arith.constant 0 : i32
      %cond3A_327 = arith.cmpi ne, %convert_element_type3A_325, %cond3A_326 : i32
      scf.if %cond3A_327 {
        %slice3A = vector.extract_strided_slice %get3A_292 {offsets = [3], sizes = [1], strides = [1]} : vector<16xi32> to vector<1xi32>
        %squeeze3A = vector.extract %slice3A[0] : i32 from vector<1xi32>
        %mul3A_437 = arith.constant 16 : i32
        %mul3A_438 = arith.muli %scan3A_288, %mul3A_437 : i32
        %add3A_439 = arith.constant 3 : i32
        %add3A_440 = arith.addi %mul3A_438, %add3A_439 : i32
        %swap3A = arith.index_cast %add3A_440 : i32 to index
        %swap3A_441 = memref.load %arg11[%swap3A] : memref<247xi32, #tpu.memory_space<smem>>
        memref.store %squeeze3A, %arg11[%swap3A] : memref<247xi32, #tpu.memory_space<smem>>
      } else {
      }
      %mul3A_328 = arith.constant 16 : i32
      %mul3A_329 = arith.muli %scan3A_288, %mul3A_328 : i32
      %add3A_330 = arith.constant 4 : i32
      %add3A_331 = arith.addi %mul3A_329, %add3A_330 : i32
      %lt3A_332 = arith.constant 247 : i32
      %lt3A_333 = arith.cmpi slt, %add3A_331, %lt3A_332 : i32
      %convert_element_type3A_334 = arith.extui %lt3A_333 : i1 to i32
      %cond3A_335 = arith.constant 0 : i32
      %cond3A_336 = arith.cmpi ne, %convert_element_type3A_334, %cond3A_335 : i32
      scf.if %cond3A_336 {
        %slice3A = vector.extract_strided_slice %get3A_292 {offsets = [4], sizes = [1], strides = [1]} : vector<16xi32> to vector<1xi32>
        %squeeze3A = vector.extract %slice3A[0] : i32 from vector<1xi32>
        %mul3A_437 = arith.constant 16 : i32
        %mul3A_438 = arith.muli %scan3A_288, %mul3A_437 : i32
        %add3A_439 = arith.constant 4 : i32
        %add3A_440 = arith.addi %mul3A_438, %add3A_439 : i32
        %swap3A = arith.index_cast %add3A_440 : i32 to index
        %swap3A_441 = memref.load %arg11[%swap3A] : memref<247xi32, #tpu.memory_space<smem>>
        memref.store %squeeze3A, %arg11[%swap3A] : memref<247xi32, #tpu.memory_space<smem>>
      } else {
      }
      %mul3A_337 = arith.constant 16 : i32
      %mul3A_338 = arith.muli %scan3A_288, %mul3A_337 : i32
      %add3A_339 = arith.constant 5 : i32
      %add3A_340 = arith.addi %mul3A_338, %add3A_339 : i32
      %lt3A_341 = arith.constant 247 : i32
      %lt3A_342 = arith.cmpi slt, %add3A_340, %lt3A_341 : i32
      %convert_element_type3A_343 = arith.extui %lt3A_342 : i1 to i32
      %cond3A_344 = arith.constant 0 : i32
      %cond3A_345 = arith.cmpi ne, %convert_element_type3A_343, %cond3A_344 : i32
      scf.if %cond3A_345 {
        %slice3A = vector.extract_strided_slice %get3A_292 {offsets = [5], sizes = [1], strides = [1]} : vector<16xi32> to vector<1xi32>
        %squeeze3A = vector.extract %slice3A[0] : i32 from vector<1xi32>
        %mul3A_437 = arith.constant 16 : i32
        %mul3A_438 = arith.muli %scan3A_288, %mul3A_437 : i32
        %add3A_439 = arith.constant 5 : i32
        %add3A_440 = arith.addi %mul3A_438, %add3A_439 : i32
        %swap3A = arith.index_cast %add3A_440 : i32 to index
        %swap3A_441 = memref.load %arg11[%swap3A] : memref<247xi32, #tpu.memory_space<smem>>
        memref.store %squeeze3A, %arg11[%swap3A] : memref<247xi32, #tpu.memory_space<smem>>
      } else {
      }
      %mul3A_346 = arith.constant 16 : i32
      %mul3A_347 = arith.muli %scan3A_288, %mul3A_346 : i32
      %add3A_348 = arith.constant 6 : i32
      %add3A_349 = arith.addi %mul3A_347, %add3A_348 : i32
      %lt3A_350 = arith.constant 247 : i32
      %lt3A_351 = arith.cmpi slt, %add3A_349, %lt3A_350 : i32
      %convert_element_type3A_352 = arith.extui %lt3A_351 : i1 to i32
      %cond3A_353 = arith.constant 0 : i32
      %cond3A_354 = arith.cmpi ne, %convert_element_type3A_352, %cond3A_353 : i32
      scf.if %cond3A_354 {
        %slice3A = vector.extract_strided_slice %get3A_292 {offsets = [6], sizes = [1], strides = [1]} : vector<16xi32> to vector<1xi32>
        %squeeze3A = vector.extract %slice3A[0] : i32 from vector<1xi32>
        %mul3A_437 = arith.constant 16 : i32
        %mul3A_438 = arith.muli %scan3A_288, %mul3A_437 : i32
        %add3A_439 = arith.constant 6 : i32
        %add3A_440 = arith.addi %mul3A_438, %add3A_439 : i32
        %swap3A = arith.index_cast %add3A_440 : i32 to index
        %swap3A_441 = memref.load %arg11[%swap3A] : memref<247xi32, #tpu.memory_space<smem>>
        memref.store %squeeze3A, %arg11[%swap3A] : memref<247xi32, #tpu.memory_space<smem>>
      } else {
      }
      %mul3A_355 = arith.constant 16 : i32
      %mul3A_356 = arith.muli %scan3A_288, %mul3A_355 : i32
      %add3A_357 = arith.constant 7 : i32
      %add3A_358 = arith.addi %mul3A_356, %add3A_357 : i32
      %lt3A_359 = arith.constant 247 : i32
      %lt3A_360 = arith.cmpi slt, %add3A_358, %lt3A_359 : i32
      %convert_element_type3A_361 = arith.extui %lt3A_360 : i1 to i32
      %cond3A_362 = arith.constant 0 : i32
      %cond3A_363 = arith.cmpi ne, %convert_element_type3A_361, %cond3A_362 : i32
      scf.if %cond3A_363 {
        %slice3A = vector.extract_strided_slice %get3A_292 {offsets = [7], sizes = [1], strides = [1]} : vector<16xi32> to vector<1xi32>
        %squeeze3A = vector.extract %slice3A[0] : i32 from vector<1xi32>
        %mul3A_437 = arith.constant 16 : i32
        %mul3A_438 = arith.muli %scan3A_288, %mul3A_437 : i32
        %add3A_439 = arith.constant 7 : i32
        %add3A_440 = arith.addi %mul3A_438, %add3A_439 : i32
        %swap3A = arith.index_cast %add3A_440 : i32 to index
        %swap3A_441 = memref.load %arg11[%swap3A] : memref<247xi32, #tpu.memory_space<smem>>
        memref.store %squeeze3A, %arg11[%swap3A] : memref<247xi32, #tpu.memory_space<smem>>
      } else {
      }
      %mul3A_364 = arith.constant 16 : i32
      %mul3A_365 = arith.muli %scan3A_288, %mul3A_364 : i32
      %add3A_366 = arith.constant 8 : i32
      %add3A_367 = arith.addi %mul3A_365, %add3A_366 : i32
      %lt3A_368 = arith.constant 247 : i32
      %lt3A_369 = arith.cmpi slt, %add3A_367, %lt3A_368 : i32
      %convert_element_type3A_370 = arith.extui %lt3A_369 : i1 to i32
      %cond3A_371 = arith.constant 0 : i32
      %cond3A_372 = arith.cmpi ne, %convert_element_type3A_370, %cond3A_371 : i32
      scf.if %cond3A_372 {
        %slice3A = vector.extract_strided_slice %get3A_292 {offsets = [8], sizes = [1], strides = [1]} : vector<16xi32> to vector<1xi32>
        %squeeze3A = vector.extract %slice3A[0] : i32 from vector<1xi32>
        %mul3A_437 = arith.constant 16 : i32
        %mul3A_438 = arith.muli %scan3A_288, %mul3A_437 : i32
        %add3A_439 = arith.constant 8 : i32
        %add3A_440 = arith.addi %mul3A_438, %add3A_439 : i32
        %swap3A = arith.index_cast %add3A_440 : i32 to index
        %swap3A_441 = memref.load %arg11[%swap3A] : memref<247xi32, #tpu.memory_space<smem>>
        memref.store %squeeze3A, %arg11[%swap3A] : memref<247xi32, #tpu.memory_space<smem>>
      } else {
      }
      %mul3A_373 = arith.constant 16 : i32
      %mul3A_374 = arith.muli %scan3A_288, %mul3A_373 : i32
      %add3A_375 = arith.constant 9 : i32
      %add3A_376 = arith.addi %mul3A_374, %add3A_375 : i32
      %lt3A_377 = arith.constant 247 : i32
      %lt3A_378 = arith.cmpi slt, %add3A_376, %lt3A_377 : i32
      %convert_element_type3A_379 = arith.extui %lt3A_378 : i1 to i32
      %cond3A_380 = arith.constant 0 : i32
      %cond3A_381 = arith.cmpi ne, %convert_element_type3A_379, %cond3A_380 : i32
      scf.if %cond3A_381 {
        %slice3A = vector.extract_strided_slice %get3A_292 {offsets = [9], sizes = [1], strides = [1]} : vector<16xi32> to vector<1xi32>
        %squeeze3A = vector.extract %slice3A[0] : i32 from vector<1xi32>
        %mul3A_437 = arith.constant 16 : i32
        %mul3A_438 = arith.muli %scan3A_288, %mul3A_437 : i32
        %add3A_439 = arith.constant 9 : i32
        %add3A_440 = arith.addi %mul3A_438, %add3A_439 : i32
        %swap3A = arith.index_cast %add3A_440 : i32 to index
        %swap3A_441 = memref.load %arg11[%swap3A] : memref<247xi32, #tpu.memory_space<smem>>
        memref.store %squeeze3A, %arg11[%swap3A] : memref<247xi32, #tpu.memory_space<smem>>
      } else {
      }
      %mul3A_382 = arith.constant 16 : i32
      %mul3A_383 = arith.muli %scan3A_288, %mul3A_382 : i32
      %add3A_384 = arith.constant 10 : i32
      %add3A_385 = arith.addi %mul3A_383, %add3A_384 : i32
      %lt3A_386 = arith.constant 247 : i32
      %lt3A_387 = arith.cmpi slt, %add3A_385, %lt3A_386 : i32
      %convert_element_type3A_388 = arith.extui %lt3A_387 : i1 to i32
      %cond3A_389 = arith.constant 0 : i32
      %cond3A_390 = arith.cmpi ne, %convert_element_type3A_388, %cond3A_389 : i32
      scf.if %cond3A_390 {
        %slice3A = vector.extract_strided_slice %get3A_292 {offsets = [10], sizes = [1], strides = [1]} : vector<16xi32> to vector<1xi32>
        %squeeze3A = vector.extract %slice3A[0] : i32 from vector<1xi32>
        %mul3A_437 = arith.constant 16 : i32
        %mul3A_438 = arith.muli %scan3A_288, %mul3A_437 : i32
        %add3A_439 = arith.constant 10 : i32
        %add3A_440 = arith.addi %mul3A_438, %add3A_439 : i32
        %swap3A = arith.index_cast %add3A_440 : i32 to index
        %swap3A_441 = memref.load %arg11[%swap3A] : memref<247xi32, #tpu.memory_space<smem>>
        memref.store %squeeze3A, %arg11[%swap3A] : memref<247xi32, #tpu.memory_space<smem>>
      } else {
      }
      %mul3A_391 = arith.constant 16 : i32
      %mul3A_392 = arith.muli %scan3A_288, %mul3A_391 : i32
      %add3A_393 = arith.constant 11 : i32
      %add3A_394 = arith.addi %mul3A_392, %add3A_393 : i32
      %lt3A_395 = arith.constant 247 : i32
      %lt3A_396 = arith.cmpi slt, %add3A_394, %lt3A_395 : i32
      %convert_element_type3A_397 = arith.extui %lt3A_396 : i1 to i32
      %cond3A_398 = arith.constant 0 : i32
      %cond3A_399 = arith.cmpi ne, %convert_element_type3A_397, %cond3A_398 : i32
      scf.if %cond3A_399 {
        %slice3A = vector.extract_strided_slice %get3A_292 {offsets = [11], sizes = [1], strides = [1]} : vector<16xi32> to vector<1xi32>
        %squeeze3A = vector.extract %slice3A[0] : i32 from vector<1xi32>
        %mul3A_437 = arith.constant 16 : i32
        %mul3A_438 = arith.muli %scan3A_288, %mul3A_437 : i32
        %add3A_439 = arith.constant 11 : i32
        %add3A_440 = arith.addi %mul3A_438, %add3A_439 : i32
        %swap3A = arith.index_cast %add3A_440 : i32 to index
        %swap3A_441 = memref.load %arg11[%swap3A] : memref<247xi32, #tpu.memory_space<smem>>
        memref.store %squeeze3A, %arg11[%swap3A] : memref<247xi32, #tpu.memory_space<smem>>
      } else {
      }
      %mul3A_400 = arith.constant 16 : i32
      %mul3A_401 = arith.muli %scan3A_288, %mul3A_400 : i32
      %add3A_402 = arith.constant 12 : i32
      %add3A_403 = arith.addi %mul3A_401, %add3A_402 : i32
      %lt3A_404 = arith.constant 247 : i32
      %lt3A_405 = arith.cmpi slt, %add3A_403, %lt3A_404 : i32
      %convert_element_type3A_406 = arith.extui %lt3A_405 : i1 to i32
      %cond3A_407 = arith.constant 0 : i32
      %cond3A_408 = arith.cmpi ne, %convert_element_type3A_406, %cond3A_407 : i32
      scf.if %cond3A_408 {
        %slice3A = vector.extract_strided_slice %get3A_292 {offsets = [12], sizes = [1], strides = [1]} : vector<16xi32> to vector<1xi32>
        %squeeze3A = vector.extract %slice3A[0] : i32 from vector<1xi32>
        %mul3A_437 = arith.constant 16 : i32
        %mul3A_438 = arith.muli %scan3A_288, %mul3A_437 : i32
        %add3A_439 = arith.constant 12 : i32
        %add3A_440 = arith.addi %mul3A_438, %add3A_439 : i32
        %swap3A = arith.index_cast %add3A_440 : i32 to index
        %swap3A_441 = memref.load %arg11[%swap3A] : memref<247xi32, #tpu.memory_space<smem>>
        memref.store %squeeze3A, %arg11[%swap3A] : memref<247xi32, #tpu.memory_space<smem>>
      } else {
      }
      %mul3A_409 = arith.constant 16 : i32
      %mul3A_410 = arith.muli %scan3A_288, %mul3A_409 : i32
      %add3A_411 = arith.constant 13 : i32
      %add3A_412 = arith.addi %mul3A_410, %add3A_411 : i32
      %lt3A_413 = arith.constant 247 : i32
      %lt3A_414 = arith.cmpi slt, %add3A_412, %lt3A_413 : i32
      %convert_element_type3A_415 = arith.extui %lt3A_414 : i1 to i32
      %cond3A_416 = arith.constant 0 : i32
      %cond3A_417 = arith.cmpi ne, %convert_element_type3A_415, %cond3A_416 : i32
      scf.if %cond3A_417 {
        %slice3A = vector.extract_strided_slice %get3A_292 {offsets = [13], sizes = [1], strides = [1]} : vector<16xi32> to vector<1xi32>
        %squeeze3A = vector.extract %slice3A[0] : i32 from vector<1xi32>
        %mul3A_437 = arith.constant 16 : i32
        %mul3A_438 = arith.muli %scan3A_288, %mul3A_437 : i32
        %add3A_439 = arith.constant 13 : i32
        %add3A_440 = arith.addi %mul3A_438, %add3A_439 : i32
        %swap3A = arith.index_cast %add3A_440 : i32 to index
        %swap3A_441 = memref.load %arg11[%swap3A] : memref<247xi32, #tpu.memory_space<smem>>
        memref.store %squeeze3A, %arg11[%swap3A] : memref<247xi32, #tpu.memory_space<smem>>
      } else {
      }
      %mul3A_418 = arith.constant 16 : i32
      %mul3A_419 = arith.muli %scan3A_288, %mul3A_418 : i32
      %add3A_420 = arith.constant 14 : i32
      %add3A_421 = arith.addi %mul3A_419, %add3A_420 : i32
      %lt3A_422 = arith.constant 247 : i32
      %lt3A_423 = arith.cmpi slt, %add3A_421, %lt3A_422 : i32
      %convert_element_type3A_424 = arith.extui %lt3A_423 : i1 to i32
      %cond3A_425 = arith.constant 0 : i32
      %cond3A_426 = arith.cmpi ne, %convert_element_type3A_424, %cond3A_425 : i32
      scf.if %cond3A_426 {
        %slice3A = vector.extract_strided_slice %get3A_292 {offsets = [14], sizes = [1], strides = [1]} : vector<16xi32> to vector<1xi32>
        %squeeze3A = vector.extract %slice3A[0] : i32 from vector<1xi32>
        %mul3A_437 = arith.constant 16 : i32
        %mul3A_438 = arith.muli %scan3A_288, %mul3A_437 : i32
        %add3A_439 = arith.constant 14 : i32
        %add3A_440 = arith.addi %mul3A_438, %add3A_439 : i32
        %swap3A = arith.index_cast %add3A_440 : i32 to index
        %swap3A_441 = memref.load %arg11[%swap3A] : memref<247xi32, #tpu.memory_space<smem>>
        memref.store %squeeze3A, %arg11[%swap3A] : memref<247xi32, #tpu.memory_space<smem>>
      } else {
      }
      %mul3A_427 = arith.constant 16 : i32
      %mul3A_428 = arith.muli %scan3A_288, %mul3A_427 : i32
      %add3A_429 = arith.constant 15 : i32
      %add3A_430 = arith.addi %mul3A_428, %add3A_429 : i32
      %lt3A_431 = arith.constant 247 : i32
      %lt3A_432 = arith.cmpi slt, %add3A_430, %lt3A_431 : i32
      %convert_element_type3A_433 = arith.extui %lt3A_432 : i1 to i32
      %cond3A_434 = arith.constant 0 : i32
      %cond3A_435 = arith.cmpi ne, %convert_element_type3A_433, %cond3A_434 : i32
      scf.if %cond3A_435 {
        %slice3A = vector.extract_strided_slice %get3A_292 {offsets = [15], sizes = [1], strides = [1]} : vector<16xi32> to vector<1xi32>
        %squeeze3A = vector.extract %slice3A[0] : i32 from vector<1xi32>
        %mul3A_437 = arith.constant 16 : i32
        %mul3A_438 = arith.muli %scan3A_288, %mul3A_437 : i32
        %add3A_439 = arith.constant 15 : i32
        %add3A_440 = arith.addi %mul3A_438, %add3A_439 : i32
        %swap3A = arith.index_cast %add3A_440 : i32 to index
        %swap3A_441 = memref.load %arg11[%swap3A] : memref<247xi32, #tpu.memory_space<smem>>
        memref.store %squeeze3A, %arg11[%swap3A] : memref<247xi32, #tpu.memory_space<smem>>
      } else {
      }
      %scan3A_436 = arith.constant 0 : i32
      scf.yield %scan3A_436 : i32
    }
    %scan3A_250 = arith.constant 16 : i32
    %while3A_251 = arith.constant 0 : i32
    %while3A_252 = arith.constant 0 : i32
    %while3A_253 = arith.subi %select_n3A, %while3A_251 : i32
    %while3A_254 = arith.addi %while3A_251, %while3A_253 : i32
    %while3A_255 = arith.constant 1 : i32
    %while3A_256 = arith.divsi %while3A_253, %while3A_255 : i32
    %while3A_257 = arith.muli %while3A_256, %while3A_255 : i32
    %while3A_258 = arith.addi %while3A_251, %while3A_257 : i32
    %while3A_259 = arith.constant 1 : i32
    %while3A_260 = scf.for %while3A_288 = %while3A_251 to %while3A_258 step %while3A_259 iter_args(%while3A_289 = %while3A_252) -> (i32)  : i32 {
      %mul3A_290 = arith.constant 16 : i32
      %mul3A_291 = arith.muli %while3A_288, %mul3A_290 : i32
      %get3A = arith.index_cast %mul3A_291 : i32 to index
      %get3A_292 = tpu.vector_load %arg9[%get3A] {strides = array<i32>} : memref<8208xi32, #tpu.memory_space<vmem>>, vector<16xi32>,
      %mul3A_293 = arith.constant 16 : i32
      %mul3A_294 = arith.muli %while3A_288, %mul3A_293 : i32
      %get3A_295 = arith.index_cast %mul3A_294 : i32 to index
      %get3A_296 = tpu.vector_load %arg8[%get3A_295] {strides = array<i32>} : memref<8208xi32, #tpu.memory_space<vmem>>, vector<16xi32>,
      %sub3A_297 = vector.broadcast %mul3A_4 : i32 to vector<16xi32>
      %sub3A_298 = arith.subi %get3A_296, %sub3A_297 : vector<16xi32>
      %shift_right_arithmetic3A = arith.constant 7 : i32
      %shift_right_arithmetic3A_299 = vector.broadcast %shift_right_arithmetic3A : i32 to vector<16xi32>
      %shift_right_arithmetic3A_300 = arith.shrsi %sub3A_298, %shift_right_arithmetic3A_299 : vector<16xi32>
      %mul3A_301 = arith.constant 16 : i32
      %mul3A_302 = arith.muli %while3A_288, %mul3A_301 : i32
      %sub3A_303 = arith.subi %min3A_196, %mul3A_302 : i32
      %lt3A = vector.broadcast %sub3A_303 : i32 to vector<16xi32>
      %lt3A_304 = arith.cmpi slt, %iota3A, %lt3A : vector<16xi32>
      %jit3A_305 = arith.constant 245 : i32
      %broadcast_in_dim3A_306 = vector.broadcast %jit3A_305 : i32 to vector<16xi32>
      %select_n3A_307 = arith.select %lt3A_304, %shift_right_arithmetic3A_300, %broadcast_in_dim3A_306 : vector<16xi1>, vector<16xi32>
      %broadcast_in_dim3A_308 = arith.constant 0 : i32
      %broadcast_in_dim3A_309 = vector.broadcast %broadcast_in_dim3A_308 : i32 to vector<16xi32>
      %slice3A = vector.extract_strided_slice %select_n3A_307 {offsets = [0], sizes = [1], strides = [1]} : vector<16xi32> to vector<1xi32>
      %squeeze3A = vector.extract %slice3A[0] : i32 from vector<1xi32>
      %get3A_310 = arith.index_cast %squeeze3A : i32 to index
      %get3A_311 = memref.load %arg11[%get3A_310] : memref<247xi32, #tpu.memory_space<smem>>
      %sub3A_312 = arith.constant 1 : i32
      %sub3A_313 = arith.subi %get3A_311, %sub3A_312 : i32
      %swap3A = arith.index_cast %squeeze3A : i32 to index
      %swap3A_314 = memref.load %arg11[%swap3A] : memref<247xi32, #tpu.memory_space<smem>>
      memref.store %sub3A_313, %arg11[%swap3A] : memref<247xi32, #tpu.memory_space<smem>>
      %eq3A_315 = arith.constant 0 : i32
      %eq3A_316 = vector.broadcast %eq3A_315 : i32 to vector<16xi32>
      %eq3A_317 = arith.cmpi eq, %iota3A, %eq3A_316 : vector<16xi32>
      %broadcast_in_dim3A_318 = vector.broadcast %sub3A_313 : i32 to vector<16xi32>
      %select_n3A_319 = arith.select %eq3A_317, %broadcast_in_dim3A_318, %broadcast_in_dim3A_309 : vector<16xi1>, vector<16xi32>
      %slice3A_320 = vector.extract_strided_slice %select_n3A_307 {offsets = [1], sizes = [1], strides = [1]} : vector<16xi32> to vector<1xi32>
      %squeeze3A_321 = vector.extract %slice3A_320[0] : i32 from vector<1xi32>
      %get3A_322 = arith.index_cast %squeeze3A_321 : i32 to index
      %get3A_323 = memref.load %arg11[%get3A_322] : memref<247xi32, #tpu.memory_space<smem>>
      %sub3A_324 = arith.constant 1 : i32
      %sub3A_325 = arith.subi %get3A_323, %sub3A_324 : i32
      %swap3A_326 = arith.index_cast %squeeze3A_321 : i32 to index
      %swap3A_327 = memref.load %arg11[%swap3A_326] : memref<247xi32, #tpu.memory_space<smem>>
      memref.store %sub3A_325, %arg11[%swap3A_326] : memref<247xi32, #tpu.memory_space<smem>>
      %eq3A_328 = arith.constant 1 : i32
      %eq3A_329 = vector.broadcast %eq3A_328 : i32 to vector<16xi32>
      %eq3A_330 = arith.cmpi eq, %iota3A, %eq3A_329 : vector<16xi32>
      %broadcast_in_dim3A_331 = vector.broadcast %sub3A_325 : i32 to vector<16xi32>
      %select_n3A_332 = arith.select %eq3A_330, %broadcast_in_dim3A_331, %select_n3A_319 : vector<16xi1>, vector<16xi32>
      %slice3A_333 = vector.extract_strided_slice %select_n3A_307 {offsets = [2], sizes = [1], strides = [1]} : vector<16xi32> to vector<1xi32>
      %squeeze3A_334 = vector.extract %slice3A_333[0] : i32 from vector<1xi32>
      %get3A_335 = arith.index_cast %squeeze3A_334 : i32 to index
      %get3A_336 = memref.load %arg11[%get3A_335] : memref<247xi32, #tpu.memory_space<smem>>
      %sub3A_337 = arith.constant 1 : i32
      %sub3A_338 = arith.subi %get3A_336, %sub3A_337 : i32
      %swap3A_339 = arith.index_cast %squeeze3A_334 : i32 to index
      %swap3A_340 = memref.load %arg11[%swap3A_339] : memref<247xi32, #tpu.memory_space<smem>>
      memref.store %sub3A_338, %arg11[%swap3A_339] : memref<247xi32, #tpu.memory_space<smem>>
      %eq3A_341 = arith.constant 2 : i32
      %eq3A_342 = vector.broadcast %eq3A_341 : i32 to vector<16xi32>
      %eq3A_343 = arith.cmpi eq, %iota3A, %eq3A_342 : vector<16xi32>
      %broadcast_in_dim3A_344 = vector.broadcast %sub3A_338 : i32 to vector<16xi32>
      %select_n3A_345 = arith.select %eq3A_343, %broadcast_in_dim3A_344, %select_n3A_332 : vector<16xi1>, vector<16xi32>
      %slice3A_346 = vector.extract_strided_slice %select_n3A_307 {offsets = [3], sizes = [1], strides = [1]} : vector<16xi32> to vector<1xi32>
      %squeeze3A_347 = vector.extract %slice3A_346[0] : i32 from vector<1xi32>
      %get3A_348 = arith.index_cast %squeeze3A_347 : i32 to index
      %get3A_349 = memref.load %arg11[%get3A_348] : memref<247xi32, #tpu.memory_space<smem>>
      %sub3A_350 = arith.constant 1 : i32
      %sub3A_351 = arith.subi %get3A_349, %sub3A_350 : i32
      %swap3A_352 = arith.index_cast %squeeze3A_347 : i32 to index
      %swap3A_353 = memref.load %arg11[%swap3A_352] : memref<247xi32, #tpu.memory_space<smem>>
      memref.store %sub3A_351, %arg11[%swap3A_352] : memref<247xi32, #tpu.memory_space<smem>>
      %eq3A_354 = arith.constant 3 : i32
      %eq3A_355 = vector.broadcast %eq3A_354 : i32 to vector<16xi32>
      %eq3A_356 = arith.cmpi eq, %iota3A, %eq3A_355 : vector<16xi32>
      %broadcast_in_dim3A_357 = vector.broadcast %sub3A_351 : i32 to vector<16xi32>
      %select_n3A_358 = arith.select %eq3A_356, %broadcast_in_dim3A_357, %select_n3A_345 : vector<16xi1>, vector<16xi32>
      %slice3A_359 = vector.extract_strided_slice %select_n3A_307 {offsets = [4], sizes = [1], strides = [1]} : vector<16xi32> to vector<1xi32>
      %squeeze3A_360 = vector.extract %slice3A_359[0] : i32 from vector<1xi32>
      %get3A_361 = arith.index_cast %squeeze3A_360 : i32 to index
      %get3A_362 = memref.load %arg11[%get3A_361] : memref<247xi32, #tpu.memory_space<smem>>
      %sub3A_363 = arith.constant 1 : i32
      %sub3A_364 = arith.subi %get3A_362, %sub3A_363 : i32
      %swap3A_365 = arith.index_cast %squeeze3A_360 : i32 to index
      %swap3A_366 = memref.load %arg11[%swap3A_365] : memref<247xi32, #tpu.memory_space<smem>>
      memref.store %sub3A_364, %arg11[%swap3A_365] : memref<247xi32, #tpu.memory_space<smem>>
      %eq3A_367 = arith.constant 4 : i32
      %eq3A_368 = vector.broadcast %eq3A_367 : i32 to vector<16xi32>
      %eq3A_369 = arith.cmpi eq, %iota3A, %eq3A_368 : vector<16xi32>
      %broadcast_in_dim3A_370 = vector.broadcast %sub3A_364 : i32 to vector<16xi32>
      %select_n3A_371 = arith.select %eq3A_369, %broadcast_in_dim3A_370, %select_n3A_358 : vector<16xi1>, vector<16xi32>
      %slice3A_372 = vector.extract_strided_slice %select_n3A_307 {offsets = [5], sizes = [1], strides = [1]} : vector<16xi32> to vector<1xi32>
      %squeeze3A_373 = vector.extract %slice3A_372[0] : i32 from vector<1xi32>
      %get3A_374 = arith.index_cast %squeeze3A_373 : i32 to index
      %get3A_375 = memref.load %arg11[%get3A_374] : memref<247xi32, #tpu.memory_space<smem>>
      %sub3A_376 = arith.constant 1 : i32
      %sub3A_377 = arith.subi %get3A_375, %sub3A_376 : i32
      %swap3A_378 = arith.index_cast %squeeze3A_373 : i32 to index
      %swap3A_379 = memref.load %arg11[%swap3A_378] : memref<247xi32, #tpu.memory_space<smem>>
      memref.store %sub3A_377, %arg11[%swap3A_378] : memref<247xi32, #tpu.memory_space<smem>>
      %eq3A_380 = arith.constant 5 : i32
      %eq3A_381 = vector.broadcast %eq3A_380 : i32 to vector<16xi32>
      %eq3A_382 = arith.cmpi eq, %iota3A, %eq3A_381 : vector<16xi32>
      %broadcast_in_dim3A_383 = vector.broadcast %sub3A_377 : i32 to vector<16xi32>
      %select_n3A_384 = arith.select %eq3A_382, %broadcast_in_dim3A_383, %select_n3A_371 : vector<16xi1>, vector<16xi32>
      %slice3A_385 = vector.extract_strided_slice %select_n3A_307 {offsets = [6], sizes = [1], strides = [1]} : vector<16xi32> to vector<1xi32>
      %squeeze3A_386 = vector.extract %slice3A_385[0] : i32 from vector<1xi32>
      %get3A_387 = arith.index_cast %squeeze3A_386 : i32 to index
      %get3A_388 = memref.load %arg11[%get3A_387] : memref<247xi32, #tpu.memory_space<smem>>
      %sub3A_389 = arith.constant 1 : i32
      %sub3A_390 = arith.subi %get3A_388, %sub3A_389 : i32
      %swap3A_391 = arith.index_cast %squeeze3A_386 : i32 to index
      %swap3A_392 = memref.load %arg11[%swap3A_391] : memref<247xi32, #tpu.memory_space<smem>>
      memref.store %sub3A_390, %arg11[%swap3A_391] : memref<247xi32, #tpu.memory_space<smem>>
      %eq3A_393 = arith.constant 6 : i32
      %eq3A_394 = vector.broadcast %eq3A_393 : i32 to vector<16xi32>
      %eq3A_395 = arith.cmpi eq, %iota3A, %eq3A_394 : vector<16xi32>
      %broadcast_in_dim3A_396 = vector.broadcast %sub3A_390 : i32 to vector<16xi32>
      %select_n3A_397 = arith.select %eq3A_395, %broadcast_in_dim3A_396, %select_n3A_384 : vector<16xi1>, vector<16xi32>
      %slice3A_398 = vector.extract_strided_slice %select_n3A_307 {offsets = [7], sizes = [1], strides = [1]} : vector<16xi32> to vector<1xi32>
      %squeeze3A_399 = vector.extract %slice3A_398[0] : i32 from vector<1xi32>
      %get3A_400 = arith.index_cast %squeeze3A_399 : i32 to index
      %get3A_401 = memref.load %arg11[%get3A_400] : memref<247xi32, #tpu.memory_space<smem>>
      %sub3A_402 = arith.constant 1 : i32
      %sub3A_403 = arith.subi %get3A_401, %sub3A_402 : i32
      %swap3A_404 = arith.index_cast %squeeze3A_399 : i32 to index
      %swap3A_405 = memref.load %arg11[%swap3A_404] : memref<247xi32, #tpu.memory_space<smem>>
      memref.store %sub3A_403, %arg11[%swap3A_404] : memref<247xi32, #tpu.memory_space<smem>>
      %eq3A_406 = arith.constant 7 : i32
      %eq3A_407 = vector.broadcast %eq3A_406 : i32 to vector<16xi32>
      %eq3A_408 = arith.cmpi eq, %iota3A, %eq3A_407 : vector<16xi32>
      %broadcast_in_dim3A_409 = vector.broadcast %sub3A_403 : i32 to vector<16xi32>
      %select_n3A_410 = arith.select %eq3A_408, %broadcast_in_dim3A_409, %select_n3A_397 : vector<16xi1>, vector<16xi32>
      %slice3A_411 = vector.extract_strided_slice %select_n3A_307 {offsets = [8], sizes = [1], strides = [1]} : vector<16xi32> to vector<1xi32>
      %squeeze3A_412 = vector.extract %slice3A_411[0] : i32 from vector<1xi32>
      %get3A_413 = arith.index_cast %squeeze3A_412 : i32 to index
      %get3A_414 = memref.load %arg11[%get3A_413] : memref<247xi32, #tpu.memory_space<smem>>
      %sub3A_415 = arith.constant 1 : i32
      %sub3A_416 = arith.subi %get3A_414, %sub3A_415 : i32
      %swap3A_417 = arith.index_cast %squeeze3A_412 : i32 to index
      %swap3A_418 = memref.load %arg11[%swap3A_417] : memref<247xi32, #tpu.memory_space<smem>>
      memref.store %sub3A_416, %arg11[%swap3A_417] : memref<247xi32, #tpu.memory_space<smem>>
      %eq3A_419 = arith.constant 8 : i32
      %eq3A_420 = vector.broadcast %eq3A_419 : i32 to vector<16xi32>
      %eq3A_421 = arith.cmpi eq, %iota3A, %eq3A_420 : vector<16xi32>
      %broadcast_in_dim3A_422 = vector.broadcast %sub3A_416 : i32 to vector<16xi32>
      %select_n3A_423 = arith.select %eq3A_421, %broadcast_in_dim3A_422, %select_n3A_410 : vector<16xi1>, vector<16xi32>
      %slice3A_424 = vector.extract_strided_slice %select_n3A_307 {offsets = [9], sizes = [1], strides = [1]} : vector<16xi32> to vector<1xi32>
      %squeeze3A_425 = vector.extract %slice3A_424[0] : i32 from vector<1xi32>
      %get3A_426 = arith.index_cast %squeeze3A_425 : i32 to index
      %get3A_427 = memref.load %arg11[%get3A_426] : memref<247xi32, #tpu.memory_space<smem>>
      %sub3A_428 = arith.constant 1 : i32
      %sub3A_429 = arith.subi %get3A_427, %sub3A_428 : i32
      %swap3A_430 = arith.index_cast %squeeze3A_425 : i32 to index
      %swap3A_431 = memref.load %arg11[%swap3A_430] : memref<247xi32, #tpu.memory_space<smem>>
      memref.store %sub3A_429, %arg11[%swap3A_430] : memref<247xi32, #tpu.memory_space<smem>>
      %eq3A_432 = arith.constant 9 : i32
      %eq3A_433 = vector.broadcast %eq3A_432 : i32 to vector<16xi32>
      %eq3A_434 = arith.cmpi eq, %iota3A, %eq3A_433 : vector<16xi32>
      %broadcast_in_dim3A_435 = vector.broadcast %sub3A_429 : i32 to vector<16xi32>
      %select_n3A_436 = arith.select %eq3A_434, %broadcast_in_dim3A_435, %select_n3A_423 : vector<16xi1>, vector<16xi32>
      %slice3A_437 = vector.extract_strided_slice %select_n3A_307 {offsets = [10], sizes = [1], strides = [1]} : vector<16xi32> to vector<1xi32>
      %squeeze3A_438 = vector.extract %slice3A_437[0] : i32 from vector<1xi32>
      %get3A_439 = arith.index_cast %squeeze3A_438 : i32 to index
      %get3A_440 = memref.load %arg11[%get3A_439] : memref<247xi32, #tpu.memory_space<smem>>
      %sub3A_441 = arith.constant 1 : i32
      %sub3A_442 = arith.subi %get3A_440, %sub3A_441 : i32
      %swap3A_443 = arith.index_cast %squeeze3A_438 : i32 to index
      %swap3A_444 = memref.load %arg11[%swap3A_443] : memref<247xi32, #tpu.memory_space<smem>>
      memref.store %sub3A_442, %arg11[%swap3A_443] : memref<247xi32, #tpu.memory_space<smem>>
      %eq3A_445 = arith.constant 10 : i32
      %eq3A_446 = vector.broadcast %eq3A_445 : i32 to vector<16xi32>
      %eq3A_447 = arith.cmpi eq, %iota3A, %eq3A_446 : vector<16xi32>
      %broadcast_in_dim3A_448 = vector.broadcast %sub3A_442 : i32 to vector<16xi32>
      %select_n3A_449 = arith.select %eq3A_447, %broadcast_in_dim3A_448, %select_n3A_436 : vector<16xi1>, vector<16xi32>
      %slice3A_450 = vector.extract_strided_slice %select_n3A_307 {offsets = [11], sizes = [1], strides = [1]} : vector<16xi32> to vector<1xi32>
      %squeeze3A_451 = vector.extract %slice3A_450[0] : i32 from vector<1xi32>
      %get3A_452 = arith.index_cast %squeeze3A_451 : i32 to index
      %get3A_453 = memref.load %arg11[%get3A_452] : memref<247xi32, #tpu.memory_space<smem>>
      %sub3A_454 = arith.constant 1 : i32
      %sub3A_455 = arith.subi %get3A_453, %sub3A_454 : i32
      %swap3A_456 = arith.index_cast %squeeze3A_451 : i32 to index
      %swap3A_457 = memref.load %arg11[%swap3A_456] : memref<247xi32, #tpu.memory_space<smem>>
      memref.store %sub3A_455, %arg11[%swap3A_456] : memref<247xi32, #tpu.memory_space<smem>>
      %eq3A_458 = arith.constant 11 : i32
      %eq3A_459 = vector.broadcast %eq3A_458 : i32 to vector<16xi32>
      %eq3A_460 = arith.cmpi eq, %iota3A, %eq3A_459 : vector<16xi32>
      %broadcast_in_dim3A_461 = vector.broadcast %sub3A_455 : i32 to vector<16xi32>
      %select_n3A_462 = arith.select %eq3A_460, %broadcast_in_dim3A_461, %select_n3A_449 : vector<16xi1>, vector<16xi32>
      %slice3A_463 = vector.extract_strided_slice %select_n3A_307 {offsets = [12], sizes = [1], strides = [1]} : vector<16xi32> to vector<1xi32>
      %squeeze3A_464 = vector.extract %slice3A_463[0] : i32 from vector<1xi32>
      %get3A_465 = arith.index_cast %squeeze3A_464 : i32 to index
      %get3A_466 = memref.load %arg11[%get3A_465] : memref<247xi32, #tpu.memory_space<smem>>
      %sub3A_467 = arith.constant 1 : i32
      %sub3A_468 = arith.subi %get3A_466, %sub3A_467 : i32
      %swap3A_469 = arith.index_cast %squeeze3A_464 : i32 to index
      %swap3A_470 = memref.load %arg11[%swap3A_469] : memref<247xi32, #tpu.memory_space<smem>>
      memref.store %sub3A_468, %arg11[%swap3A_469] : memref<247xi32, #tpu.memory_space<smem>>
      %eq3A_471 = arith.constant 12 : i32
      %eq3A_472 = vector.broadcast %eq3A_471 : i32 to vector<16xi32>
      %eq3A_473 = arith.cmpi eq, %iota3A, %eq3A_472 : vector<16xi32>
      %broadcast_in_dim3A_474 = vector.broadcast %sub3A_468 : i32 to vector<16xi32>
      %select_n3A_475 = arith.select %eq3A_473, %broadcast_in_dim3A_474, %select_n3A_462 : vector<16xi1>, vector<16xi32>
      %slice3A_476 = vector.extract_strided_slice %select_n3A_307 {offsets = [13], sizes = [1], strides = [1]} : vector<16xi32> to vector<1xi32>
      %squeeze3A_477 = vector.extract %slice3A_476[0] : i32 from vector<1xi32>
      %get3A_478 = arith.index_cast %squeeze3A_477 : i32 to index
      %get3A_479 = memref.load %arg11[%get3A_478] : memref<247xi32, #tpu.memory_space<smem>>
      %sub3A_480 = arith.constant 1 : i32
      %sub3A_481 = arith.subi %get3A_479, %sub3A_480 : i32
      %swap3A_482 = arith.index_cast %squeeze3A_477 : i32 to index
      %swap3A_483 = memref.load %arg11[%swap3A_482] : memref<247xi32, #tpu.memory_space<smem>>
      memref.store %sub3A_481, %arg11[%swap3A_482] : memref<247xi32, #tpu.memory_space<smem>>
      %eq3A_484 = arith.constant 13 : i32
      %eq3A_485 = vector.broadcast %eq3A_484 : i32 to vector<16xi32>
      %eq3A_486 = arith.cmpi eq, %iota3A, %eq3A_485 : vector<16xi32>
      %broadcast_in_dim3A_487 = vector.broadcast %sub3A_481 : i32 to vector<16xi32>
      %select_n3A_488 = arith.select %eq3A_486, %broadcast_in_dim3A_487, %select_n3A_475 : vector<16xi1>, vector<16xi32>
      %slice3A_489 = vector.extract_strided_slice %select_n3A_307 {offsets = [14], sizes = [1], strides = [1]} : vector<16xi32> to vector<1xi32>
      %squeeze3A_490 = vector.extract %slice3A_489[0] : i32 from vector<1xi32>
      %get3A_491 = arith.index_cast %squeeze3A_490 : i32 to index
      %get3A_492 = memref.load %arg11[%get3A_491] : memref<247xi32, #tpu.memory_space<smem>>
      %sub3A_493 = arith.constant 1 : i32
      %sub3A_494 = arith.subi %get3A_492, %sub3A_493 : i32
      %swap3A_495 = arith.index_cast %squeeze3A_490 : i32 to index
      %swap3A_496 = memref.load %arg11[%swap3A_495] : memref<247xi32, #tpu.memory_space<smem>>
      memref.store %sub3A_494, %arg11[%swap3A_495] : memref<247xi32, #tpu.memory_space<smem>>
      %eq3A_497 = arith.constant 14 : i32
      %eq3A_498 = vector.broadcast %eq3A_497 : i32 to vector<16xi32>
      %eq3A_499 = arith.cmpi eq, %iota3A, %eq3A_498 : vector<16xi32>
      %broadcast_in_dim3A_500 = vector.broadcast %sub3A_494 : i32 to vector<16xi32>
      %select_n3A_501 = arith.select %eq3A_499, %broadcast_in_dim3A_500, %select_n3A_488 : vector<16xi1>, vector<16xi32>
      %slice3A_502 = vector.extract_strided_slice %select_n3A_307 {offsets = [15], sizes = [1], strides = [1]} : vector<16xi32> to vector<1xi32>
      %squeeze3A_503 = vector.extract %slice3A_502[0] : i32 from vector<1xi32>
      %get3A_504 = arith.index_cast %squeeze3A_503 : i32 to index
      %get3A_505 = memref.load %arg11[%get3A_504] : memref<247xi32, #tpu.memory_space<smem>>
      %sub3A_506 = arith.constant 1 : i32
      %sub3A_507 = arith.subi %get3A_505, %sub3A_506 : i32
      %swap3A_508 = arith.index_cast %squeeze3A_503 : i32 to index
      %swap3A_509 = memref.load %arg11[%swap3A_508] : memref<247xi32, #tpu.memory_space<smem>>
      memref.store %sub3A_507, %arg11[%swap3A_508] : memref<247xi32, #tpu.memory_space<smem>>
      %eq3A_510 = arith.constant 15 : i32
      %eq3A_511 = vector.broadcast %eq3A_510 : i32 to vector<16xi32>
      %eq3A_512 = arith.cmpi eq, %iota3A, %eq3A_511 : vector<16xi32>
      %broadcast_in_dim3A_513 = vector.broadcast %sub3A_507 : i32 to vector<16xi32>
      %select_n3A_514 = arith.select %eq3A_512, %broadcast_in_dim3A_513, %select_n3A_501 : vector<16xi1>, vector<16xi32>
      tpu.vector_store_idx %arg6[%select_n3A_514], %get3A_296 : memref<8208xi32, #tpu.memory_space<vmem>>[vector<16xi32>], vector<16xi32>,
      tpu.vector_store_idx %arg7[%select_n3A_514], %get3A_292 : memref<8208xi32, #tpu.memory_space<vmem>>[vector<16xi32>], vector<16xi32>,
      %while3A_515 = arith.constant 0 : i32
      scf.yield %while3A_515 : i32
    }
    %while3A_261 = arith.constant 1 : i32
    %while3A_262 = scf.for %while3A_288 = %while3A_258 to %while3A_254 step %while3A_261 iter_args(%while3A_289 = %while3A_260) -> (i32)  : i32 {
      %mul3A_290 = arith.constant 16 : i32
      %mul3A_291 = arith.muli %while3A_288, %mul3A_290 : i32
      %get3A = arith.index_cast %mul3A_291 : i32 to index
      %get3A_292 = tpu.vector_load %arg9[%get3A] {strides = array<i32>} : memref<8208xi32, #tpu.memory_space<vmem>>, vector<16xi32>,
      %mul3A_293 = arith.constant 16 : i32
      %mul3A_294 = arith.muli %while3A_288, %mul3A_293 : i32
      %get3A_295 = arith.index_cast %mul3A_294 : i32 to index
      %get3A_296 = tpu.vector_load %arg8[%get3A_295] {strides = array<i32>} : memref<8208xi32, #tpu.memory_space<vmem>>, vector<16xi32>,
      %sub3A_297 = vector.broadcast %mul3A_4 : i32 to vector<16xi32>
      %sub3A_298 = arith.subi %get3A_296, %sub3A_297 : vector<16xi32>
      %shift_right_arithmetic3A = arith.constant 7 : i32
      %shift_right_arithmetic3A_299 = vector.broadcast %shift_right_arithmetic3A : i32 to vector<16xi32>
      %shift_right_arithmetic3A_300 = arith.shrsi %sub3A_298, %shift_right_arithmetic3A_299 : vector<16xi32>
      %mul3A_301 = arith.constant 16 : i32
      %mul3A_302 = arith.muli %while3A_288, %mul3A_301 : i32
      %sub3A_303 = arith.subi %min3A_196, %mul3A_302 : i32
      %lt3A = vector.broadcast %sub3A_303 : i32 to vector<16xi32>
      %lt3A_304 = arith.cmpi slt, %iota3A, %lt3A : vector<16xi32>
      %jit3A_305 = arith.constant 245 : i32
      %broadcast_in_dim3A_306 = vector.broadcast %jit3A_305 : i32 to vector<16xi32>
      %select_n3A_307 = arith.select %lt3A_304, %shift_right_arithmetic3A_300, %broadcast_in_dim3A_306 : vector<16xi1>, vector<16xi32>
      %broadcast_in_dim3A_308 = arith.constant 0 : i32
      %broadcast_in_dim3A_309 = vector.broadcast %broadcast_in_dim3A_308 : i32 to vector<16xi32>
      %slice3A = vector.extract_strided_slice %select_n3A_307 {offsets = [0], sizes = [1], strides = [1]} : vector<16xi32> to vector<1xi32>
      %squeeze3A = vector.extract %slice3A[0] : i32 from vector<1xi32>
      %get3A_310 = arith.index_cast %squeeze3A : i32 to index
      %get3A_311 = memref.load %arg11[%get3A_310] : memref<247xi32, #tpu.memory_space<smem>>
      %sub3A_312 = arith.constant 1 : i32
      %sub3A_313 = arith.subi %get3A_311, %sub3A_312 : i32
      %swap3A = arith.index_cast %squeeze3A : i32 to index
      %swap3A_314 = memref.load %arg11[%swap3A] : memref<247xi32, #tpu.memory_space<smem>>
      memref.store %sub3A_313, %arg11[%swap3A] : memref<247xi32, #tpu.memory_space<smem>>
      %eq3A_315 = arith.constant 0 : i32
      %eq3A_316 = vector.broadcast %eq3A_315 : i32 to vector<16xi32>
      %eq3A_317 = arith.cmpi eq, %iota3A, %eq3A_316 : vector<16xi32>
      %broadcast_in_dim3A_318 = vector.broadcast %sub3A_313 : i32 to vector<16xi32>
      %select_n3A_319 = arith.select %eq3A_317, %broadcast_in_dim3A_318, %broadcast_in_dim3A_309 : vector<16xi1>, vector<16xi32>
      %slice3A_320 = vector.extract_strided_slice %select_n3A_307 {offsets = [1], sizes = [1], strides = [1]} : vector<16xi32> to vector<1xi32>
      %squeeze3A_321 = vector.extract %slice3A_320[0] : i32 from vector<1xi32>
      %get3A_322 = arith.index_cast %squeeze3A_321 : i32 to index
      %get3A_323 = memref.load %arg11[%get3A_322] : memref<247xi32, #tpu.memory_space<smem>>
      %sub3A_324 = arith.constant 1 : i32
      %sub3A_325 = arith.subi %get3A_323, %sub3A_324 : i32
      %swap3A_326 = arith.index_cast %squeeze3A_321 : i32 to index
      %swap3A_327 = memref.load %arg11[%swap3A_326] : memref<247xi32, #tpu.memory_space<smem>>
      memref.store %sub3A_325, %arg11[%swap3A_326] : memref<247xi32, #tpu.memory_space<smem>>
      %eq3A_328 = arith.constant 1 : i32
      %eq3A_329 = vector.broadcast %eq3A_328 : i32 to vector<16xi32>
      %eq3A_330 = arith.cmpi eq, %iota3A, %eq3A_329 : vector<16xi32>
      %broadcast_in_dim3A_331 = vector.broadcast %sub3A_325 : i32 to vector<16xi32>
      %select_n3A_332 = arith.select %eq3A_330, %broadcast_in_dim3A_331, %select_n3A_319 : vector<16xi1>, vector<16xi32>
      %slice3A_333 = vector.extract_strided_slice %select_n3A_307 {offsets = [2], sizes = [1], strides = [1]} : vector<16xi32> to vector<1xi32>
      %squeeze3A_334 = vector.extract %slice3A_333[0] : i32 from vector<1xi32>
      %get3A_335 = arith.index_cast %squeeze3A_334 : i32 to index
      %get3A_336 = memref.load %arg11[%get3A_335] : memref<247xi32, #tpu.memory_space<smem>>
      %sub3A_337 = arith.constant 1 : i32
      %sub3A_338 = arith.subi %get3A_336, %sub3A_337 : i32
      %swap3A_339 = arith.index_cast %squeeze3A_334 : i32 to index
      %swap3A_340 = memref.load %arg11[%swap3A_339] : memref<247xi32, #tpu.memory_space<smem>>
      memref.store %sub3A_338, %arg11[%swap3A_339] : memref<247xi32, #tpu.memory_space<smem>>
      %eq3A_341 = arith.constant 2 : i32
      %eq3A_342 = vector.broadcast %eq3A_341 : i32 to vector<16xi32>
      %eq3A_343 = arith.cmpi eq, %iota3A, %eq3A_342 : vector<16xi32>
      %broadcast_in_dim3A_344 = vector.broadcast %sub3A_338 : i32 to vector<16xi32>
      %select_n3A_345 = arith.select %eq3A_343, %broadcast_in_dim3A_344, %select_n3A_332 : vector<16xi1>, vector<16xi32>
      %slice3A_346 = vector.extract_strided_slice %select_n3A_307 {offsets = [3], sizes = [1], strides = [1]} : vector<16xi32> to vector<1xi32>
      %squeeze3A_347 = vector.extract %slice3A_346[0] : i32 from vector<1xi32>
      %get3A_348 = arith.index_cast %squeeze3A_347 : i32 to index
      %get3A_349 = memref.load %arg11[%get3A_348] : memref<247xi32, #tpu.memory_space<smem>>
      %sub3A_350 = arith.constant 1 : i32
      %sub3A_351 = arith.subi %get3A_349, %sub3A_350 : i32
      %swap3A_352 = arith.index_cast %squeeze3A_347 : i32 to index
      %swap3A_353 = memref.load %arg11[%swap3A_352] : memref<247xi32, #tpu.memory_space<smem>>
      memref.store %sub3A_351, %arg11[%swap3A_352] : memref<247xi32, #tpu.memory_space<smem>>
      %eq3A_354 = arith.constant 3 : i32
      %eq3A_355 = vector.broadcast %eq3A_354 : i32 to vector<16xi32>
      %eq3A_356 = arith.cmpi eq, %iota3A, %eq3A_355 : vector<16xi32>
      %broadcast_in_dim3A_357 = vector.broadcast %sub3A_351 : i32 to vector<16xi32>
      %select_n3A_358 = arith.select %eq3A_356, %broadcast_in_dim3A_357, %select_n3A_345 : vector<16xi1>, vector<16xi32>
      %slice3A_359 = vector.extract_strided_slice %select_n3A_307 {offsets = [4], sizes = [1], strides = [1]} : vector<16xi32> to vector<1xi32>
      %squeeze3A_360 = vector.extract %slice3A_359[0] : i32 from vector<1xi32>
      %get3A_361 = arith.index_cast %squeeze3A_360 : i32 to index
      %get3A_362 = memref.load %arg11[%get3A_361] : memref<247xi32, #tpu.memory_space<smem>>
      %sub3A_363 = arith.constant 1 : i32
      %sub3A_364 = arith.subi %get3A_362, %sub3A_363 : i32
      %swap3A_365 = arith.index_cast %squeeze3A_360 : i32 to index
      %swap3A_366 = memref.load %arg11[%swap3A_365] : memref<247xi32, #tpu.memory_space<smem>>
      memref.store %sub3A_364, %arg11[%swap3A_365] : memref<247xi32, #tpu.memory_space<smem>>
      %eq3A_367 = arith.constant 4 : i32
      %eq3A_368 = vector.broadcast %eq3A_367 : i32 to vector<16xi32>
      %eq3A_369 = arith.cmpi eq, %iota3A, %eq3A_368 : vector<16xi32>
      %broadcast_in_dim3A_370 = vector.broadcast %sub3A_364 : i32 to vector<16xi32>
      %select_n3A_371 = arith.select %eq3A_369, %broadcast_in_dim3A_370, %select_n3A_358 : vector<16xi1>, vector<16xi32>
      %slice3A_372 = vector.extract_strided_slice %select_n3A_307 {offsets = [5], sizes = [1], strides = [1]} : vector<16xi32> to vector<1xi32>
      %squeeze3A_373 = vector.extract %slice3A_372[0] : i32 from vector<1xi32>
      %get3A_374 = arith.index_cast %squeeze3A_373 : i32 to index
      %get3A_375 = memref.load %arg11[%get3A_374] : memref<247xi32, #tpu.memory_space<smem>>
      %sub3A_376 = arith.constant 1 : i32
      %sub3A_377 = arith.subi %get3A_375, %sub3A_376 : i32
      %swap3A_378 = arith.index_cast %squeeze3A_373 : i32 to index
      %swap3A_379 = memref.load %arg11[%swap3A_378] : memref<247xi32, #tpu.memory_space<smem>>
      memref.store %sub3A_377, %arg11[%swap3A_378] : memref<247xi32, #tpu.memory_space<smem>>
      %eq3A_380 = arith.constant 5 : i32
      %eq3A_381 = vector.broadcast %eq3A_380 : i32 to vector<16xi32>
      %eq3A_382 = arith.cmpi eq, %iota3A, %eq3A_381 : vector<16xi32>
      %broadcast_in_dim3A_383 = vector.broadcast %sub3A_377 : i32 to vector<16xi32>
      %select_n3A_384 = arith.select %eq3A_382, %broadcast_in_dim3A_383, %select_n3A_371 : vector<16xi1>, vector<16xi32>
      %slice3A_385 = vector.extract_strided_slice %select_n3A_307 {offsets = [6], sizes = [1], strides = [1]} : vector<16xi32> to vector<1xi32>
      %squeeze3A_386 = vector.extract %slice3A_385[0] : i32 from vector<1xi32>
      %get3A_387 = arith.index_cast %squeeze3A_386 : i32 to index
      %get3A_388 = memref.load %arg11[%get3A_387] : memref<247xi32, #tpu.memory_space<smem>>
      %sub3A_389 = arith.constant 1 : i32
      %sub3A_390 = arith.subi %get3A_388, %sub3A_389 : i32
      %swap3A_391 = arith.index_cast %squeeze3A_386 : i32 to index
      %swap3A_392 = memref.load %arg11[%swap3A_391] : memref<247xi32, #tpu.memory_space<smem>>
      memref.store %sub3A_390, %arg11[%swap3A_391] : memref<247xi32, #tpu.memory_space<smem>>
      %eq3A_393 = arith.constant 6 : i32
      %eq3A_394 = vector.broadcast %eq3A_393 : i32 to vector<16xi32>
      %eq3A_395 = arith.cmpi eq, %iota3A, %eq3A_394 : vector<16xi32>
      %broadcast_in_dim3A_396 = vector.broadcast %sub3A_390 : i32 to vector<16xi32>
      %select_n3A_397 = arith.select %eq3A_395, %broadcast_in_dim3A_396, %select_n3A_384 : vector<16xi1>, vector<16xi32>
      %slice3A_398 = vector.extract_strided_slice %select_n3A_307 {offsets = [7], sizes = [1], strides = [1]} : vector<16xi32> to vector<1xi32>
      %squeeze3A_399 = vector.extract %slice3A_398[0] : i32 from vector<1xi32>
      %get3A_400 = arith.index_cast %squeeze3A_399 : i32 to index
      %get3A_401 = memref.load %arg11[%get3A_400] : memref<247xi32, #tpu.memory_space<smem>>
      %sub3A_402 = arith.constant 1 : i32
      %sub3A_403 = arith.subi %get3A_401, %sub3A_402 : i32
      %swap3A_404 = arith.index_cast %squeeze3A_399 : i32 to index
      %swap3A_405 = memref.load %arg11[%swap3A_404] : memref<247xi32, #tpu.memory_space<smem>>
      memref.store %sub3A_403, %arg11[%swap3A_404] : memref<247xi32, #tpu.memory_space<smem>>
      %eq3A_406 = arith.constant 7 : i32
      %eq3A_407 = vector.broadcast %eq3A_406 : i32 to vector<16xi32>
      %eq3A_408 = arith.cmpi eq, %iota3A, %eq3A_407 : vector<16xi32>
      %broadcast_in_dim3A_409 = vector.broadcast %sub3A_403 : i32 to vector<16xi32>
      %select_n3A_410 = arith.select %eq3A_408, %broadcast_in_dim3A_409, %select_n3A_397 : vector<16xi1>, vector<16xi32>
      %slice3A_411 = vector.extract_strided_slice %select_n3A_307 {offsets = [8], sizes = [1], strides = [1]} : vector<16xi32> to vector<1xi32>
      %squeeze3A_412 = vector.extract %slice3A_411[0] : i32 from vector<1xi32>
      %get3A_413 = arith.index_cast %squeeze3A_412 : i32 to index
      %get3A_414 = memref.load %arg11[%get3A_413] : memref<247xi32, #tpu.memory_space<smem>>
      %sub3A_415 = arith.constant 1 : i32
      %sub3A_416 = arith.subi %get3A_414, %sub3A_415 : i32
      %swap3A_417 = arith.index_cast %squeeze3A_412 : i32 to index
      %swap3A_418 = memref.load %arg11[%swap3A_417] : memref<247xi32, #tpu.memory_space<smem>>
      memref.store %sub3A_416, %arg11[%swap3A_417] : memref<247xi32, #tpu.memory_space<smem>>
      %eq3A_419 = arith.constant 8 : i32
      %eq3A_420 = vector.broadcast %eq3A_419 : i32 to vector<16xi32>
      %eq3A_421 = arith.cmpi eq, %iota3A, %eq3A_420 : vector<16xi32>
      %broadcast_in_dim3A_422 = vector.broadcast %sub3A_416 : i32 to vector<16xi32>
      %select_n3A_423 = arith.select %eq3A_421, %broadcast_in_dim3A_422, %select_n3A_410 : vector<16xi1>, vector<16xi32>
      %slice3A_424 = vector.extract_strided_slice %select_n3A_307 {offsets = [9], sizes = [1], strides = [1]} : vector<16xi32> to vector<1xi32>
      %squeeze3A_425 = vector.extract %slice3A_424[0] : i32 from vector<1xi32>
      %get3A_426 = arith.index_cast %squeeze3A_425 : i32 to index
      %get3A_427 = memref.load %arg11[%get3A_426] : memref<247xi32, #tpu.memory_space<smem>>
      %sub3A_428 = arith.constant 1 : i32
      %sub3A_429 = arith.subi %get3A_427, %sub3A_428 : i32
      %swap3A_430 = arith.index_cast %squeeze3A_425 : i32 to index
      %swap3A_431 = memref.load %arg11[%swap3A_430] : memref<247xi32, #tpu.memory_space<smem>>
      memref.store %sub3A_429, %arg11[%swap3A_430] : memref<247xi32, #tpu.memory_space<smem>>
      %eq3A_432 = arith.constant 9 : i32
      %eq3A_433 = vector.broadcast %eq3A_432 : i32 to vector<16xi32>
      %eq3A_434 = arith.cmpi eq, %iota3A, %eq3A_433 : vector<16xi32>
      %broadcast_in_dim3A_435 = vector.broadcast %sub3A_429 : i32 to vector<16xi32>
      %select_n3A_436 = arith.select %eq3A_434, %broadcast_in_dim3A_435, %select_n3A_423 : vector<16xi1>, vector<16xi32>
      %slice3A_437 = vector.extract_strided_slice %select_n3A_307 {offsets = [10], sizes = [1], strides = [1]} : vector<16xi32> to vector<1xi32>
      %squeeze3A_438 = vector.extract %slice3A_437[0] : i32 from vector<1xi32>
      %get3A_439 = arith.index_cast %squeeze3A_438 : i32 to index
      %get3A_440 = memref.load %arg11[%get3A_439] : memref<247xi32, #tpu.memory_space<smem>>
      %sub3A_441 = arith.constant 1 : i32
      %sub3A_442 = arith.subi %get3A_440, %sub3A_441 : i32
      %swap3A_443 = arith.index_cast %squeeze3A_438 : i32 to index
      %swap3A_444 = memref.load %arg11[%swap3A_443] : memref<247xi32, #tpu.memory_space<smem>>
      memref.store %sub3A_442, %arg11[%swap3A_443] : memref<247xi32, #tpu.memory_space<smem>>
      %eq3A_445 = arith.constant 10 : i32
      %eq3A_446 = vector.broadcast %eq3A_445 : i32 to vector<16xi32>
      %eq3A_447 = arith.cmpi eq, %iota3A, %eq3A_446 : vector<16xi32>
      %broadcast_in_dim3A_448 = vector.broadcast %sub3A_442 : i32 to vector<16xi32>
      %select_n3A_449 = arith.select %eq3A_447, %broadcast_in_dim3A_448, %select_n3A_436 : vector<16xi1>, vector<16xi32>
      %slice3A_450 = vector.extract_strided_slice %select_n3A_307 {offsets = [11], sizes = [1], strides = [1]} : vector<16xi32> to vector<1xi32>
      %squeeze3A_451 = vector.extract %slice3A_450[0] : i32 from vector<1xi32>
      %get3A_452 = arith.index_cast %squeeze3A_451 : i32 to index
      %get3A_453 = memref.load %arg11[%get3A_452] : memref<247xi32, #tpu.memory_space<smem>>
      %sub3A_454 = arith.constant 1 : i32
      %sub3A_455 = arith.subi %get3A_453, %sub3A_454 : i32
      %swap3A_456 = arith.index_cast %squeeze3A_451 : i32 to index
      %swap3A_457 = memref.load %arg11[%swap3A_456] : memref<247xi32, #tpu.memory_space<smem>>
      memref.store %sub3A_455, %arg11[%swap3A_456] : memref<247xi32, #tpu.memory_space<smem>>
      %eq3A_458 = arith.constant 11 : i32
      %eq3A_459 = vector.broadcast %eq3A_458 : i32 to vector<16xi32>
      %eq3A_460 = arith.cmpi eq, %iota3A, %eq3A_459 : vector<16xi32>
      %broadcast_in_dim3A_461 = vector.broadcast %sub3A_455 : i32 to vector<16xi32>
      %select_n3A_462 = arith.select %eq3A_460, %broadcast_in_dim3A_461, %select_n3A_449 : vector<16xi1>, vector<16xi32>
      %slice3A_463 = vector.extract_strided_slice %select_n3A_307 {offsets = [12], sizes = [1], strides = [1]} : vector<16xi32> to vector<1xi32>
      %squeeze3A_464 = vector.extract %slice3A_463[0] : i32 from vector<1xi32>
      %get3A_465 = arith.index_cast %squeeze3A_464 : i32 to index
      %get3A_466 = memref.load %arg11[%get3A_465] : memref<247xi32, #tpu.memory_space<smem>>
      %sub3A_467 = arith.constant 1 : i32
      %sub3A_468 = arith.subi %get3A_466, %sub3A_467 : i32
      %swap3A_469 = arith.index_cast %squeeze3A_464 : i32 to index
      %swap3A_470 = memref.load %arg11[%swap3A_469] : memref<247xi32, #tpu.memory_space<smem>>
      memref.store %sub3A_468, %arg11[%swap3A_469] : memref<247xi32, #tpu.memory_space<smem>>
      %eq3A_471 = arith.constant 12 : i32
      %eq3A_472 = vector.broadcast %eq3A_471 : i32 to vector<16xi32>
      %eq3A_473 = arith.cmpi eq, %iota3A, %eq3A_472 : vector<16xi32>
      %broadcast_in_dim3A_474 = vector.broadcast %sub3A_468 : i32 to vector<16xi32>
      %select_n3A_475 = arith.select %eq3A_473, %broadcast_in_dim3A_474, %select_n3A_462 : vector<16xi1>, vector<16xi32>
      %slice3A_476 = vector.extract_strided_slice %select_n3A_307 {offsets = [13], sizes = [1], strides = [1]} : vector<16xi32> to vector<1xi32>
      %squeeze3A_477 = vector.extract %slice3A_476[0] : i32 from vector<1xi32>
      %get3A_478 = arith.index_cast %squeeze3A_477 : i32 to index
      %get3A_479 = memref.load %arg11[%get3A_478] : memref<247xi32, #tpu.memory_space<smem>>
      %sub3A_480 = arith.constant 1 : i32
      %sub3A_481 = arith.subi %get3A_479, %sub3A_480 : i32
      %swap3A_482 = arith.index_cast %squeeze3A_477 : i32 to index
      %swap3A_483 = memref.load %arg11[%swap3A_482] : memref<247xi32, #tpu.memory_space<smem>>
      memref.store %sub3A_481, %arg11[%swap3A_482] : memref<247xi32, #tpu.memory_space<smem>>
      %eq3A_484 = arith.constant 13 : i32
      %eq3A_485 = vector.broadcast %eq3A_484 : i32 to vector<16xi32>
      %eq3A_486 = arith.cmpi eq, %iota3A, %eq3A_485 : vector<16xi32>
      %broadcast_in_dim3A_487 = vector.broadcast %sub3A_481 : i32 to vector<16xi32>
      %select_n3A_488 = arith.select %eq3A_486, %broadcast_in_dim3A_487, %select_n3A_475 : vector<16xi1>, vector<16xi32>
      %slice3A_489 = vector.extract_strided_slice %select_n3A_307 {offsets = [14], sizes = [1], strides = [1]} : vector<16xi32> to vector<1xi32>
      %squeeze3A_490 = vector.extract %slice3A_489[0] : i32 from vector<1xi32>
      %get3A_491 = arith.index_cast %squeeze3A_490 : i32 to index
      %get3A_492 = memref.load %arg11[%get3A_491] : memref<247xi32, #tpu.memory_space<smem>>
      %sub3A_493 = arith.constant 1 : i32
      %sub3A_494 = arith.subi %get3A_492, %sub3A_493 : i32
      %swap3A_495 = arith.index_cast %squeeze3A_490 : i32 to index
      %swap3A_496 = memref.load %arg11[%swap3A_495] : memref<247xi32, #tpu.memory_space<smem>>
      memref.store %sub3A_494, %arg11[%swap3A_495] : memref<247xi32, #tpu.memory_space<smem>>
      %eq3A_497 = arith.constant 14 : i32
      %eq3A_498 = vector.broadcast %eq3A_497 : i32 to vector<16xi32>
      %eq3A_499 = arith.cmpi eq, %iota3A, %eq3A_498 : vector<16xi32>
      %broadcast_in_dim3A_500 = vector.broadcast %sub3A_494 : i32 to vector<16xi32>
      %select_n3A_501 = arith.select %eq3A_499, %broadcast_in_dim3A_500, %select_n3A_488 : vector<16xi1>, vector<16xi32>
      %slice3A_502 = vector.extract_strided_slice %select_n3A_307 {offsets = [15], sizes = [1], strides = [1]} : vector<16xi32> to vector<1xi32>
      %squeeze3A_503 = vector.extract %slice3A_502[0] : i32 from vector<1xi32>
      %get3A_504 = arith.index_cast %squeeze3A_503 : i32 to index
      %get3A_505 = memref.load %arg11[%get3A_504] : memref<247xi32, #tpu.memory_space<smem>>
      %sub3A_506 = arith.constant 1 : i32
      %sub3A_507 = arith.subi %get3A_505, %sub3A_506 : i32
      %swap3A_508 = arith.index_cast %squeeze3A_503 : i32 to index
      %swap3A_509 = memref.load %arg11[%swap3A_508] : memref<247xi32, #tpu.memory_space<smem>>
      memref.store %sub3A_507, %arg11[%swap3A_508] : memref<247xi32, #tpu.memory_space<smem>>
      %eq3A_510 = arith.constant 15 : i32
      %eq3A_511 = vector.broadcast %eq3A_510 : i32 to vector<16xi32>
      %eq3A_512 = arith.cmpi eq, %iota3A, %eq3A_511 : vector<16xi32>
      %broadcast_in_dim3A_513 = vector.broadcast %sub3A_507 : i32 to vector<16xi32>
      %select_n3A_514 = arith.select %eq3A_512, %broadcast_in_dim3A_513, %select_n3A_501 : vector<16xi1>, vector<16xi32>
      tpu.vector_store_idx %arg6[%select_n3A_514], %get3A_296 : memref<8208xi32, #tpu.memory_space<vmem>>[vector<16xi32>], vector<16xi32>,
      tpu.vector_store_idx %arg7[%select_n3A_514], %get3A_292 : memref<8208xi32, #tpu.memory_space<vmem>>[vector<16xi32>], vector<16xi32>,
      %while3A_515 = arith.constant 0 : i32
      scf.yield %while3A_515 : i32
    }
    %scan3A_263 = arith.constant 0 : i32
    %scan3A_264 = arith.constant 0 : i32
    %scan3A_265 = arith.constant 0 : i32
    %scan3A_266 = arith.constant 0 : i32
    %scan3A_267 = arith.constant 0 : i32
    %scan3A_268 = arith.constant 245 : i32
    %scan3A_269 = arith.addi %scan3A_267, %scan3A_268 : i32
    %scan3A_270 = arith.constant 1 : i32
    %scan3A_271:4 = scf.for %scan3A_288 = %scan3A_267 to %scan3A_269 step %scan3A_270 iter_args(%scan3A_289 = %scan3A_263, %scan3A_290 = %scan3A_264, %scan3A_291 = %scan3A_265, %scan3A_292 = %scan3A_266) -> (i32, i32, i32, i32)  : i32 {
      %add3A_293 = arith.constant 8 : i32
      %add3A_294 = arith.addi %scan3A_288, %add3A_293 : i32
      %sub3A_295 = arith.constant 1 : i32
      %sub3A_296 = arith.subi %add3A_294, %sub3A_295 : i32
      %lt3A = arith.constant 245 : i32
      %lt3A_297 = arith.cmpi slt, %sub3A_296, %lt3A : i32
      %convert_element_type3A_298 = arith.extui %lt3A_297 : i1 to i32
      %cond3A_299 = arith.constant 0 : i32
      %cond3A_300 = arith.cmpi ne, %convert_element_type3A_298, %cond3A_299 : i32
      scf.if %cond3A_300 {
        %add3A_330 = arith.constant 8 : i32
        %add3A_331 = arith.addi %scan3A_288, %add3A_330 : i32
        %sub3A_332 = arith.constant 1 : i32
        %sub3A_333 = arith.subi %add3A_331, %sub3A_332 : i32
        %add3A_334 = arith.addi %mul3A_2, %sub3A_333 : i32
        %mul3A_335 = arith.constant 128 : i32
        %mul3A_336 = arith.muli %add3A_334, %mul3A_335 : i32
        %min3A_337 = arith.constant 999936 : i32
        %min3A_338 = arith.minsi %mul3A_336, %min3A_337 : i32
        %multiple_of3A_339 = tpu.assume_multiple %min3A_338, 128 : i32
        %and3A_340 = arith.constant 7 : i32
        %and3A_341 = arith.andi %sub3A_333, %and3A_340 : i32
        %dma_start3A_342 = arith.constant 0 : i32
        %dma_start3A_343 = arith.constant 0 : i32
        %dma_start3A_344 = tpu.memref_slice %arg12[%and3A_341, %dma_start3A_342, %dma_start3A_343] : memref<8x64x128xf32, #tpu.memory_space<vmem>> -> memref<1x64x128xf32, #tpu.memory_space<vmem>>
        %dma_start3A_345 = tpu.memref_squeeze %dma_start3A_344 : memref<1x64x128xf32, #tpu.memory_space<vmem>> -> memref<64x128xf32, #tpu.memory_space<vmem>>
        %dma_start3A_346 = arith.constant 0 : i32
        %dma_start3A_347 = tpu.memref_slice %arg2[%dma_start3A_346, %multiple_of3A_339] : memref<64x1000000xf32, #tpu.memory_space<hbm>> -> memref<64x128xf32, #tpu.memory_space<hbm>>
        %dma_start3A_348 = arith.constant 0 : i32
        %dma_start3A_349 = arith.constant 0 : i32
        %dma_start3A_350 = tpu.memref_slice %arg12[%and3A_341, %dma_start3A_348, %dma_start3A_349] : memref<8x64x128xf32, #tpu.memory_space<vmem>> -> memref<1x64x128xf32, #tpu.memory_space<vmem>>
        %dma_start3A_351 = tpu.memref_squeeze %dma_start3A_350 : memref<1x64x128xf32, #tpu.memory_space<vmem>> -> memref<64x128xf32, #tpu.memory_space<vmem>>
        %dma_start3A_352 = arith.constant 0 : i32
        %dma_start3A_353 = tpu.memref_slice %arg2[%dma_start3A_352, %multiple_of3A_339] : memref<64x1000000xf32, #tpu.memory_space<hbm>> -> memref<64x128xf32, #tpu.memory_space<hbm>>
        tpu.enqueue_dma source(%dma_start3A_353 : memref<64x128xf32, #tpu.memory_space<hbm>>) target(%dma_start3A_351 : memref<64x128xf32, #tpu.memory_space<vmem>>) target_semaphore(%arg16 : memref<!tpu.dma_semaphore, #tpu.memory_space<semaphore_mem>>)
      } else {
      }
      %dma_wait3A = arith.constant 0 : i32
      %dma_wait3A_301 = arith.constant 0 : i32
      %dma_wait3A_302 = arith.constant 0 : i32
      %dma_wait3A_303 = tpu.memref_slice %arg12[%dma_wait3A, %dma_wait3A_301, %dma_wait3A_302] : memref<8x64x128xf32, #tpu.memory_space<vmem>> -> memref<1x64x128xf32, #tpu.memory_space<vmem>>
      %dma_wait3A_304 = tpu.memref_squeeze %dma_wait3A_303 : memref<1x64x128xf32, #tpu.memory_space<vmem>> -> memref<64x128xf32, #tpu.memory_space<vmem>>
      %dma_wait3A_305 = arith.constant 0 : i32
      %dma_wait3A_306 = arith.constant 0 : i32
      %dma_wait3A_307 = tpu.memref_slice %arg2[%dma_wait3A_305, %dma_wait3A_306] : memref<64x1000000xf32, #tpu.memory_space<hbm>> -> memref<64x128xf32, #tpu.memory_space<hbm>>
      %dma_wait3A_308 = arith.constant 0 : i32
      %dma_wait3A_309 = arith.constant 0 : i32
      %dma_wait3A_310 = tpu.memref_slice %arg12[%dma_wait3A, %dma_wait3A_308, %dma_wait3A_309] : memref<8x64x128xf32, #tpu.memory_space<vmem>> -> memref<1x64x128xf32, #tpu.memory_space<vmem>>
      %dma_wait3A_311 = tpu.memref_squeeze %dma_wait3A_310 : memref<1x64x128xf32, #tpu.memory_space<vmem>> -> memref<64x128xf32, #tpu.memory_space<vmem>>
      %dma_wait3A_312 = arith.constant 0 : i32
      %dma_wait3A_313 = arith.constant 0 : i32
      %dma_wait3A_314 = tpu.memref_slice %arg2[%dma_wait3A_312, %dma_wait3A_313] : memref<64x1000000xf32, #tpu.memory_space<hbm>> -> memref<64x128xf32, #tpu.memory_space<hbm>>
      tpu.wait_dma2 semaphore(%arg16 : memref<!tpu.dma_semaphore, #tpu.memory_space<semaphore_mem>>) src(%dma_wait3A_314 : memref<64x128xf32, #tpu.memory_space<hbm>>) dst(%dma_wait3A_311 : memref<64x128xf32, #tpu.memory_space<vmem>>)
      %add3A_315 = arith.constant 1 : i32
      %add3A_316 = arith.addi %scan3A_288, %add3A_315 : i32
      %get3A = arith.index_cast %add3A_316 : i32 to index
      %get3A_317 = memref.load %arg11[%get3A] : memref<247xi32, #tpu.memory_space<smem>>
      %and3A_318 = arith.constant 7 : i32
      %and3A_319 = arith.andi %scan3A_288, %and3A_318 : i32
      %while3A_320 = arith.subi %get3A_317, %scan3A_292 : i32
      %while3A_321 = arith.addi %scan3A_292, %while3A_320 : i32
      %while3A_322 = arith.constant 1 : i32
      %while3A_323 = arith.divsi %while3A_320, %while3A_322 : i32
      %while3A_324 = arith.muli %while3A_323, %while3A_322 : i32
      %while3A_325 = arith.addi %scan3A_292, %while3A_324 : i32
      %while3A_326 = arith.constant 1 : i32
      %while3A_327:3 = scf.for %while3A_330 = %scan3A_292 to %while3A_325 step %while3A_326 iter_args(%while3A_331 = %scan3A_289, %while3A_332 = %scan3A_290, %while3A_333 = %scan3A_291) -> (i32, i32, i32)  : i32 {
        %get3A_334 = arith.index_cast %while3A_330 : i32 to index
        %get3A_335 = tpu.vector_load %arg6[%get3A_334] {strides = array<i32>} : memref<8208xi32, #tpu.memory_space<vmem>>, vector<16xi32>,
        %slice3A = vector.extract_strided_slice %get3A_335 {offsets = [0], sizes = [1], strides = [1]} : vector<16xi32> to vector<1xi32>
        %squeeze3A = vector.extract %slice3A[0] : i32 from vector<1xi32>
        %get3A_336 = arith.index_cast %while3A_330 : i32 to index
        %get3A_337 = tpu.vector_load %arg7[%get3A_336] {strides = array<i32>} : memref<8208xi32, #tpu.memory_space<vmem>>, vector<16xi32>,
        %slice3A_338 = vector.extract_strided_slice %get3A_337 {offsets = [0], sizes = [1], strides = [1]} : vector<16xi32> to vector<1xi32>
        %squeeze3A_339 = vector.extract %slice3A_338[0] : i32 from vector<1xi32>
        %and3A_340 = arith.constant 127 : i32
        %and3A_341 = arith.andi %squeeze3A, %and3A_340 : i32
        %broadcast_in_dim3A_342 = vector.broadcast %and3A_341 : i32 to vector<16xi32>
        %gather3A = arith.constant 0 : i32
        %gather3A_343 = arith.constant 0 : i32
        %gather3A_344 = tpu.memref_slice %arg12[%and3A_319, %gather3A, %gather3A_343] : memref<8x64x128xf32, #tpu.memory_space<vmem>> -> memref<1x64x128xf32, #tpu.memory_space<vmem>>
        %gather3A_345 = tpu.memref_squeeze %gather3A_344 : memref<1x64x128xf32, #tpu.memory_space<vmem>> -> memref<64x128xf32, #tpu.memory_space<vmem>>
        %gather3A_346 = tpu.vector_load_idx %gather3A_345[%add3A_14, %broadcast_in_dim3A_342] : memref<64x128xf32, #tpu.memory_space<vmem>>[vector<16xi32>, vector<16xi32>], vector<16xf32>,
        %swap3A = arith.index_cast %while3A_332 : i32 to index
        %swap3A_347 = arith.index_cast %while3A_331 : i32 to index
        %swap3A_348 = arith.constant 0 : index
        %swap3A_349 = tpu.vector_load %arg13[%swap3A, %swap3A_347, %swap3A_348] {strides = array<i32>} : memref<2x64x128xf32, #tpu.memory_space<vmem>>, vector<16xf32>,
        tpu.vector_store %arg13[%swap3A, %swap3A_347, %swap3A_348], %gather3A_346 {strides = array<i32>} : memref<2x64x128xf32, #tpu.memory_space<vmem>>, vector<16xf32>,
        %broadcast_in_dim3A_350 = vector.broadcast %and3A_341 : i32 to vector<16xi32>
        %gather3A_351 = arith.constant 0 : i32
        %gather3A_352 = arith.constant 0 : i32
        %gather3A_353 = tpu.memref_slice %arg12[%and3A_319, %gather3A_351, %gather3A_352] : memref<8x64x128xf32, #tpu.memory_space<vmem>> -> memref<1x64x128xf32, #tpu.memory_space<vmem>>
        %gather3A_354 = tpu.memref_squeeze %gather3A_353 : memref<1x64x128xf32, #tpu.memory_space<vmem>> -> memref<64x128xf32, #tpu.memory_space<vmem>>
        %gather3A_355 = tpu.vector_load_idx %gather3A_354[%add3A_17, %broadcast_in_dim3A_350] : memref<64x128xf32, #tpu.memory_space<vmem>>[vector<16xi32>, vector<16xi32>], vector<16xf32>,
        %swap3A_356 = arith.index_cast %while3A_332 : i32 to index
        %swap3A_357 = arith.index_cast %while3A_331 : i32 to index
        %swap3A_358 = arith.constant 16 : index
        %swap3A_359 = tpu.vector_load %arg13[%swap3A_356, %swap3A_357, %swap3A_358] {strides = array<i32>} : memref<2x64x128xf32, #tpu.memory_space<vmem>>, vector<16xf32>,
        tpu.vector_store %arg13[%swap3A_356, %swap3A_357, %swap3A_358], %gather3A_355 {strides = array<i32>} : memref<2x64x128xf32, #tpu.memory_space<vmem>>, vector<16xf32>,
        %broadcast_in_dim3A_360 = vector.broadcast %and3A_341 : i32 to vector<16xi32>
        %gather3A_361 = arith.constant 0 : i32
        %gather3A_362 = arith.constant 0 : i32
        %gather3A_363 = tpu.memref_slice %arg12[%and3A_319, %gather3A_361, %gather3A_362] : memref<8x64x128xf32, #tpu.memory_space<vmem>> -> memref<1x64x128xf32, #tpu.memory_space<vmem>>
        %gather3A_364 = tpu.memref_squeeze %gather3A_363 : memref<1x64x128xf32, #tpu.memory_space<vmem>> -> memref<64x128xf32, #tpu.memory_space<vmem>>
        %gather3A_365 = tpu.vector_load_idx %gather3A_364[%add3A_20, %broadcast_in_dim3A_360] : memref<64x128xf32, #tpu.memory_space<vmem>>[vector<16xi32>, vector<16xi32>], vector<16xf32>,
        %swap3A_366 = arith.index_cast %while3A_332 : i32 to index
        %swap3A_367 = arith.index_cast %while3A_331 : i32 to index
        %swap3A_368 = arith.constant 32 : index
        %swap3A_369 = tpu.vector_load %arg13[%swap3A_366, %swap3A_367, %swap3A_368] {strides = array<i32>} : memref<2x64x128xf32, #tpu.memory_space<vmem>>, vector<16xf32>,
        tpu.vector_store %arg13[%swap3A_366, %swap3A_367, %swap3A_368], %gather3A_365 {strides = array<i32>} : memref<2x64x128xf32, #tpu.memory_space<vmem>>, vector<16xf32>,
        %broadcast_in_dim3A_370 = vector.broadcast %and3A_341 : i32 to vector<16xi32>
        %gather3A_371 = arith.constant 0 : i32
        %gather3A_372 = arith.constant 0 : i32
        %gather3A_373 = tpu.memref_slice %arg12[%and3A_319, %gather3A_371, %gather3A_372] : memref<8x64x128xf32, #tpu.memory_space<vmem>> -> memref<1x64x128xf32, #tpu.memory_space<vmem>>
        %gather3A_374 = tpu.memref_squeeze %gather3A_373 : memref<1x64x128xf32, #tpu.memory_space<vmem>> -> memref<64x128xf32, #tpu.memory_space<vmem>>
        %gather3A_375 = tpu.vector_load_idx %gather3A_374[%add3A_23, %broadcast_in_dim3A_370] : memref<64x128xf32, #tpu.memory_space<vmem>>[vector<16xi32>, vector<16xi32>], vector<16xf32>,
        %swap3A_376 = arith.index_cast %while3A_332 : i32 to index
        %swap3A_377 = arith.index_cast %while3A_331 : i32 to index
        %swap3A_378 = arith.constant 48 : index
        %swap3A_379 = tpu.vector_load %arg13[%swap3A_376, %swap3A_377, %swap3A_378] {strides = array<i32>} : memref<2x64x128xf32, #tpu.memory_space<vmem>>, vector<16xf32>,
        tpu.vector_store %arg13[%swap3A_376, %swap3A_377, %swap3A_378], %gather3A_375 {strides = array<i32>} : memref<2x64x128xf32, #tpu.memory_space<vmem>>, vector<16xf32>,
        %broadcast_in_dim3A_380 = vector.broadcast %while3A_331 : i32 to vector<16xi32>
        %broadcast_in_dim3A_381 = vector.broadcast %squeeze3A_339 : i32 to vector<16xi32>
        %scatter3A = arith.constant 0 : i32
        %scatter3A_382 = tpu.memref_slice %arg14[%while3A_332, %scatter3A] : memref<2x64xi32, #tpu.memory_space<vmem>> -> memref<1x64xi32, #tpu.memory_space<vmem>>
        %scatter3A_383 = tpu.memref_squeeze %scatter3A_382 : memref<1x64xi32, #tpu.memory_space<vmem>> -> memref<64xi32, #tpu.memory_space<vmem>>
        tpu.vector_store_idx %scatter3A_383[%broadcast_in_dim3A_380], %broadcast_in_dim3A_381 masked %eq3A_11 : memref<64xi32, #tpu.memory_space<vmem>>[vector<16xi32>], vector<16xi32>, vector<16xi1>
        %eq3A_384 = arith.constant 63 : i32
        %eq3A_385 = arith.cmpi eq, %while3A_331, %eq3A_384 : i32
        %convert_element_type3A_386 = arith.extui %eq3A_385 : i1 to i32
        %cond3A_387 = arith.constant 0 : i32
        %cond3A_388 = arith.cmpi ne, %convert_element_type3A_386, %cond3A_387 : i32
        %cond3A_389:3 = scf.if %cond3A_388 -> (i32, i32, i32) {
          %dma_start3A_390 = arith.constant 0 : i32
          %dma_start3A_391 = arith.constant 0 : i32
          %dma_start3A_392 = tpu.memref_slice %arg13[%while3A_332, %dma_start3A_390, %dma_start3A_391] : memref<2x64x128xf32, #tpu.memory_space<vmem>> -> memref<1x64x128xf32, #tpu.memory_space<vmem>>
          %dma_start3A_393 = tpu.memref_squeeze %dma_start3A_392 : memref<1x64x128xf32, #tpu.memory_space<vmem>> -> memref<64x128xf32, #tpu.memory_space<vmem>>
          %dma_start3A_394 = arith.constant 0 : i32
          %dma_start3A_395 = tpu.memref_slice %arg14[%while3A_332, %dma_start3A_394] : memref<2x64xi32, #tpu.memory_space<vmem>> -> memref<1x64xi32, #tpu.memory_space<vmem>>
          %dma_start3A_396 = tpu.memref_squeeze %dma_start3A_395 : memref<1x64xi32, #tpu.memory_space<vmem>> -> memref<64xi32, #tpu.memory_space<vmem>>
          %dma_start3A_397 = arith.constant 0 : i32
          %dma_start3A_398 = arith.constant 0 : i32
          %dma_start3A_399 = tpu.memref_slice %arg4[%dma_start3A_397, %dma_start3A_398] : memref<65536x128xf32, #tpu.memory_space<hbm>> -> memref<65536x128xf32, #tpu.memory_space<hbm>>
          tpu.enqueue_indirect_dma source(%dma_start3A_393 : memref<64x128xf32, #tpu.memory_space<vmem>>) target(%dma_start3A_399 : memref<65536x128xf32, #tpu.memory_space<hbm>>) offsets(%dma_start3A_396 : memref<64xi32, #tpu.memory_space<vmem>>) semaphore(%arg17 : memref<!tpu.dma_semaphore, #tpu.memory_space<semaphore_mem>>)
          %add3A_400 = arith.constant 1 : i32
          %add3A_401 = arith.addi %while3A_333, %add3A_400 : i32
          %eq3A_402 = arith.constant 2 : i32
          %eq3A_403 = arith.cmpi eq, %add3A_401, %eq3A_402 : i32
          %convert_element_type3A_404 = arith.extui %eq3A_403 : i1 to i32
          %cond3A_405 = arith.constant 0 : i32
          %cond3A_406 = arith.cmpi ne, %convert_element_type3A_404, %cond3A_405 : i32
          %cond3A_407 = scf.if %cond3A_406 -> (i32) {
            %dma_wait3A_411 = arith.constant 0 : i32
            %dma_wait3A_412 = arith.constant 0 : i32
            %dma_wait3A_413 = arith.constant 0 : i32
            %dma_wait3A_414 = tpu.memref_slice %arg13[%dma_wait3A_411, %dma_wait3A_412, %dma_wait3A_413] : memref<2x64x128xf32, #tpu.memory_space<vmem>> -> memref<1x64x128xf32, #tpu.memory_space<vmem>>
            %dma_wait3A_415 = tpu.memref_squeeze %dma_wait3A_414 : memref<1x64x128xf32, #tpu.memory_space<vmem>> -> memref<64x128xf32, #tpu.memory_space<vmem>>
            %dma_wait3A_416 = arith.constant 0 : i32
            %dma_wait3A_417 = arith.constant 0 : i32
            %dma_wait3A_418 = tpu.memref_slice %arg4[%dma_wait3A_416, %dma_wait3A_417] : memref<65536x128xf32, #tpu.memory_space<hbm>> -> memref<64x128xf32, #tpu.memory_space<hbm>>
            %dma_wait3A_419 = arith.constant 0 : i32
            %dma_wait3A_420 = arith.constant 0 : i32
            %dma_wait3A_421 = tpu.memref_slice %arg13[%dma_wait3A_411, %dma_wait3A_419, %dma_wait3A_420] : memref<2x64x128xf32, #tpu.memory_space<vmem>> -> memref<1x64x128xf32, #tpu.memory_space<vmem>>
            %dma_wait3A_422 = tpu.memref_squeeze %dma_wait3A_421 : memref<1x64x128xf32, #tpu.memory_space<vmem>> -> memref<64x128xf32, #tpu.memory_space<vmem>>
            %dma_wait3A_423 = arith.constant 0 : i32
            %dma_wait3A_424 = arith.constant 0 : i32
            %dma_wait3A_425 = tpu.memref_slice %arg4[%dma_wait3A_423, %dma_wait3A_424] : memref<65536x128xf32, #tpu.memory_space<hbm>> -> memref<64x128xf32, #tpu.memory_space<hbm>>
            tpu.wait_dma2 semaphore(%arg17 : memref<!tpu.dma_semaphore, #tpu.memory_space<semaphore_mem>>) src(%dma_wait3A_425 : memref<64x128xf32, #tpu.memory_space<hbm>>) dst(%dma_wait3A_422 : memref<64x128xf32, #tpu.memory_space<vmem>>)
            %sub3A_426 = arith.constant 1 : i32
            %sub3A_427 = arith.subi %add3A_401, %sub3A_426 : i32
            scf.yield %sub3A_427 : i32
          } else {
            scf.yield %add3A_401 : i32
          }
          %sub3A_408 = arith.constant 1 : i32
          %sub3A_409 = arith.subi %sub3A_408, %while3A_332 : i32
          %cond3A_410 = arith.constant 0 : i32
          scf.yield %cond3A_410, %sub3A_409, %cond3A_407 : i32, i32, i32
        } else {
          %add3A_390 = arith.constant 1 : i32
          %add3A_391 = arith.addi %while3A_331, %add3A_390 : i32
          scf.yield %add3A_391, %while3A_332, %while3A_333 : i32, i32, i32
        }
        scf.yield %cond3A_389#0, %cond3A_389#1, %cond3A_389#2 : i32, i32, i32
      }
      %while3A_328 = arith.constant 1 : i32
      %while3A_329:3 = scf.for %while3A_330 = %while3A_325 to %while3A_321 step %while3A_328 iter_args(%while3A_331 = %while3A_327#0, %while3A_332 = %while3A_327#1, %while3A_333 = %while3A_327#2) -> (i32, i32, i32)  : i32 {
        %get3A_334 = arith.index_cast %while3A_330 : i32 to index
        %get3A_335 = tpu.vector_load %arg6[%get3A_334] {strides = array<i32>} : memref<8208xi32, #tpu.memory_space<vmem>>, vector<16xi32>,
        %slice3A = vector.extract_strided_slice %get3A_335 {offsets = [0], sizes = [1], strides = [1]} : vector<16xi32> to vector<1xi32>
        %squeeze3A = vector.extract %slice3A[0] : i32 from vector<1xi32>
        %get3A_336 = arith.index_cast %while3A_330 : i32 to index
        %get3A_337 = tpu.vector_load %arg7[%get3A_336] {strides = array<i32>} : memref<8208xi32, #tpu.memory_space<vmem>>, vector<16xi32>,
        %slice3A_338 = vector.extract_strided_slice %get3A_337 {offsets = [0], sizes = [1], strides = [1]} : vector<16xi32> to vector<1xi32>
        %squeeze3A_339 = vector.extract %slice3A_338[0] : i32 from vector<1xi32>
        %and3A_340 = arith.constant 127 : i32
        %and3A_341 = arith.andi %squeeze3A, %and3A_340 : i32
        %broadcast_in_dim3A_342 = vector.broadcast %and3A_341 : i32 to vector<16xi32>
        %gather3A = arith.constant 0 : i32
        %gather3A_343 = arith.constant 0 : i32
        %gather3A_344 = tpu.memref_slice %arg12[%and3A_319, %gather3A, %gather3A_343] : memref<8x64x128xf32, #tpu.memory_space<vmem>> -> memref<1x64x128xf32, #tpu.memory_space<vmem>>
        %gather3A_345 = tpu.memref_squeeze %gather3A_344 : memref<1x64x128xf32, #tpu.memory_space<vmem>> -> memref<64x128xf32, #tpu.memory_space<vmem>>
        %gather3A_346 = tpu.vector_load_idx %gather3A_345[%add3A_14, %broadcast_in_dim3A_342] : memref<64x128xf32, #tpu.memory_space<vmem>>[vector<16xi32>, vector<16xi32>], vector<16xf32>,
        %swap3A = arith.index_cast %while3A_332 : i32 to index
        %swap3A_347 = arith.index_cast %while3A_331 : i32 to index
        %swap3A_348 = arith.constant 0 : index
        %swap3A_349 = tpu.vector_load %arg13[%swap3A, %swap3A_347, %swap3A_348] {strides = array<i32>} : memref<2x64x128xf32, #tpu.memory_space<vmem>>, vector<16xf32>,
        tpu.vector_store %arg13[%swap3A, %swap3A_347, %swap3A_348], %gather3A_346 {strides = array<i32>} : memref<2x64x128xf32, #tpu.memory_space<vmem>>, vector<16xf32>,
        %broadcast_in_dim3A_350 = vector.broadcast %and3A_341 : i32 to vector<16xi32>
        %gather3A_351 = arith.constant 0 : i32
        %gather3A_352 = arith.constant 0 : i32
        %gather3A_353 = tpu.memref_slice %arg12[%and3A_319, %gather3A_351, %gather3A_352] : memref<8x64x128xf32, #tpu.memory_space<vmem>> -> memref<1x64x128xf32, #tpu.memory_space<vmem>>
        %gather3A_354 = tpu.memref_squeeze %gather3A_353 : memref<1x64x128xf32, #tpu.memory_space<vmem>> -> memref<64x128xf32, #tpu.memory_space<vmem>>
        %gather3A_355 = tpu.vector_load_idx %gather3A_354[%add3A_17, %broadcast_in_dim3A_350] : memref<64x128xf32, #tpu.memory_space<vmem>>[vector<16xi32>, vector<16xi32>], vector<16xf32>,
        %swap3A_356 = arith.index_cast %while3A_332 : i32 to index
        %swap3A_357 = arith.index_cast %while3A_331 : i32 to index
        %swap3A_358 = arith.constant 16 : index
        %swap3A_359 = tpu.vector_load %arg13[%swap3A_356, %swap3A_357, %swap3A_358] {strides = array<i32>} : memref<2x64x128xf32, #tpu.memory_space<vmem>>, vector<16xf32>,
        tpu.vector_store %arg13[%swap3A_356, %swap3A_357, %swap3A_358], %gather3A_355 {strides = array<i32>} : memref<2x64x128xf32, #tpu.memory_space<vmem>>, vector<16xf32>,
        %broadcast_in_dim3A_360 = vector.broadcast %and3A_341 : i32 to vector<16xi32>
        %gather3A_361 = arith.constant 0 : i32
        %gather3A_362 = arith.constant 0 : i32
        %gather3A_363 = tpu.memref_slice %arg12[%and3A_319, %gather3A_361, %gather3A_362] : memref<8x64x128xf32, #tpu.memory_space<vmem>> -> memref<1x64x128xf32, #tpu.memory_space<vmem>>
        %gather3A_364 = tpu.memref_squeeze %gather3A_363 : memref<1x64x128xf32, #tpu.memory_space<vmem>> -> memref<64x128xf32, #tpu.memory_space<vmem>>
        %gather3A_365 = tpu.vector_load_idx %gather3A_364[%add3A_20, %broadcast_in_dim3A_360] : memref<64x128xf32, #tpu.memory_space<vmem>>[vector<16xi32>, vector<16xi32>], vector<16xf32>,
        %swap3A_366 = arith.index_cast %while3A_332 : i32 to index
        %swap3A_367 = arith.index_cast %while3A_331 : i32 to index
        %swap3A_368 = arith.constant 32 : index
        %swap3A_369 = tpu.vector_load %arg13[%swap3A_366, %swap3A_367, %swap3A_368] {strides = array<i32>} : memref<2x64x128xf32, #tpu.memory_space<vmem>>, vector<16xf32>,
        tpu.vector_store %arg13[%swap3A_366, %swap3A_367, %swap3A_368], %gather3A_365 {strides = array<i32>} : memref<2x64x128xf32, #tpu.memory_space<vmem>>, vector<16xf32>,
        %broadcast_in_dim3A_370 = vector.broadcast %and3A_341 : i32 to vector<16xi32>
        %gather3A_371 = arith.constant 0 : i32
        %gather3A_372 = arith.constant 0 : i32
        %gather3A_373 = tpu.memref_slice %arg12[%and3A_319, %gather3A_371, %gather3A_372] : memref<8x64x128xf32, #tpu.memory_space<vmem>> -> memref<1x64x128xf32, #tpu.memory_space<vmem>>
        %gather3A_374 = tpu.memref_squeeze %gather3A_373 : memref<1x64x128xf32, #tpu.memory_space<vmem>> -> memref<64x128xf32, #tpu.memory_space<vmem>>
        %gather3A_375 = tpu.vector_load_idx %gather3A_374[%add3A_23, %broadcast_in_dim3A_370] : memref<64x128xf32, #tpu.memory_space<vmem>>[vector<16xi32>, vector<16xi32>], vector<16xf32>,
        %swap3A_376 = arith.index_cast %while3A_332 : i32 to index
        %swap3A_377 = arith.index_cast %while3A_331 : i32 to index
        %swap3A_378 = arith.constant 48 : index
        %swap3A_379 = tpu.vector_load %arg13[%swap3A_376, %swap3A_377, %swap3A_378] {strides = array<i32>} : memref<2x64x128xf32, #tpu.memory_space<vmem>>, vector<16xf32>,
        tpu.vector_store %arg13[%swap3A_376, %swap3A_377, %swap3A_378], %gather3A_375 {strides = array<i32>} : memref<2x64x128xf32, #tpu.memory_space<vmem>>, vector<16xf32>,
        %broadcast_in_dim3A_380 = vector.broadcast %while3A_331 : i32 to vector<16xi32>
        %broadcast_in_dim3A_381 = vector.broadcast %squeeze3A_339 : i32 to vector<16xi32>
        %scatter3A = arith.constant 0 : i32
        %scatter3A_382 = tpu.memref_slice %arg14[%while3A_332, %scatter3A] : memref<2x64xi32, #tpu.memory_space<vmem>> -> memref<1x64xi32, #tpu.memory_space<vmem>>
        %scatter3A_383 = tpu.memref_squeeze %scatter3A_382 : memref<1x64xi32, #tpu.memory_space<vmem>> -> memref<64xi32, #tpu.memory_space<vmem>>
        tpu.vector_store_idx %scatter3A_383[%broadcast_in_dim3A_380], %broadcast_in_dim3A_381 masked %eq3A_11 : memref<64xi32, #tpu.memory_space<vmem>>[vector<16xi32>], vector<16xi32>, vector<16xi1>
        %eq3A_384 = arith.constant 63 : i32
        %eq3A_385 = arith.cmpi eq, %while3A_331, %eq3A_384 : i32
        %convert_element_type3A_386 = arith.extui %eq3A_385 : i1 to i32
        %cond3A_387 = arith.constant 0 : i32
        %cond3A_388 = arith.cmpi ne, %convert_element_type3A_386, %cond3A_387 : i32
        %cond3A_389:3 = scf.if %cond3A_388 -> (i32, i32, i32) {
          %dma_start3A_390 = arith.constant 0 : i32
          %dma_start3A_391 = arith.constant 0 : i32
          %dma_start3A_392 = tpu.memref_slice %arg13[%while3A_332, %dma_start3A_390, %dma_start3A_391] : memref<2x64x128xf32, #tpu.memory_space<vmem>> -> memref<1x64x128xf32, #tpu.memory_space<vmem>>
          %dma_start3A_393 = tpu.memref_squeeze %dma_start3A_392 : memref<1x64x128xf32, #tpu.memory_space<vmem>> -> memref<64x128xf32, #tpu.memory_space<vmem>>
          %dma_start3A_394 = arith.constant 0 : i32
          %dma_start3A_395 = tpu.memref_slice %arg14[%while3A_332, %dma_start3A_394] : memref<2x64xi32, #tpu.memory_space<vmem>> -> memref<1x64xi32, #tpu.memory_space<vmem>>
          %dma_start3A_396 = tpu.memref_squeeze %dma_start3A_395 : memref<1x64xi32, #tpu.memory_space<vmem>> -> memref<64xi32, #tpu.memory_space<vmem>>
          %dma_start3A_397 = arith.constant 0 : i32
          %dma_start3A_398 = arith.constant 0 : i32
          %dma_start3A_399 = tpu.memref_slice %arg4[%dma_start3A_397, %dma_start3A_398] : memref<65536x128xf32, #tpu.memory_space<hbm>> -> memref<65536x128xf32, #tpu.memory_space<hbm>>
          tpu.enqueue_indirect_dma source(%dma_start3A_393 : memref<64x128xf32, #tpu.memory_space<vmem>>) target(%dma_start3A_399 : memref<65536x128xf32, #tpu.memory_space<hbm>>) offsets(%dma_start3A_396 : memref<64xi32, #tpu.memory_space<vmem>>) semaphore(%arg17 : memref<!tpu.dma_semaphore, #tpu.memory_space<semaphore_mem>>)
          %add3A_400 = arith.constant 1 : i32
          %add3A_401 = arith.addi %while3A_333, %add3A_400 : i32
          %eq3A_402 = arith.constant 2 : i32
          %eq3A_403 = arith.cmpi eq, %add3A_401, %eq3A_402 : i32
          %convert_element_type3A_404 = arith.extui %eq3A_403 : i1 to i32
          %cond3A_405 = arith.constant 0 : i32
          %cond3A_406 = arith.cmpi ne, %convert_element_type3A_404, %cond3A_405 : i32
          %cond3A_407 = scf.if %cond3A_406 -> (i32) {
            %dma_wait3A_411 = arith.constant 0 : i32
            %dma_wait3A_412 = arith.constant 0 : i32
            %dma_wait3A_413 = arith.constant 0 : i32
            %dma_wait3A_414 = tpu.memref_slice %arg13[%dma_wait3A_411, %dma_wait3A_412, %dma_wait3A_413] : memref<2x64x128xf32, #tpu.memory_space<vmem>> -> memref<1x64x128xf32, #tpu.memory_space<vmem>>
            %dma_wait3A_415 = tpu.memref_squeeze %dma_wait3A_414 : memref<1x64x128xf32, #tpu.memory_space<vmem>> -> memref<64x128xf32, #tpu.memory_space<vmem>>
            %dma_wait3A_416 = arith.constant 0 : i32
            %dma_wait3A_417 = arith.constant 0 : i32
            %dma_wait3A_418 = tpu.memref_slice %arg4[%dma_wait3A_416, %dma_wait3A_417] : memref<65536x128xf32, #tpu.memory_space<hbm>> -> memref<64x128xf32, #tpu.memory_space<hbm>>
            %dma_wait3A_419 = arith.constant 0 : i32
            %dma_wait3A_420 = arith.constant 0 : i32
            %dma_wait3A_421 = tpu.memref_slice %arg13[%dma_wait3A_411, %dma_wait3A_419, %dma_wait3A_420] : memref<2x64x128xf32, #tpu.memory_space<vmem>> -> memref<1x64x128xf32, #tpu.memory_space<vmem>>
            %dma_wait3A_422 = tpu.memref_squeeze %dma_wait3A_421 : memref<1x64x128xf32, #tpu.memory_space<vmem>> -> memref<64x128xf32, #tpu.memory_space<vmem>>
            %dma_wait3A_423 = arith.constant 0 : i32
            %dma_wait3A_424 = arith.constant 0 : i32
            %dma_wait3A_425 = tpu.memref_slice %arg4[%dma_wait3A_423, %dma_wait3A_424] : memref<65536x128xf32, #tpu.memory_space<hbm>> -> memref<64x128xf32, #tpu.memory_space<hbm>>
            tpu.wait_dma2 semaphore(%arg17 : memref<!tpu.dma_semaphore, #tpu.memory_space<semaphore_mem>>) src(%dma_wait3A_425 : memref<64x128xf32, #tpu.memory_space<hbm>>) dst(%dma_wait3A_422 : memref<64x128xf32, #tpu.memory_space<vmem>>)
            %sub3A_426 = arith.constant 1 : i32
            %sub3A_427 = arith.subi %add3A_401, %sub3A_426 : i32
            scf.yield %sub3A_427 : i32
          } else {
            scf.yield %add3A_401 : i32
          }
          %sub3A_408 = arith.constant 1 : i32
          %sub3A_409 = arith.subi %sub3A_408, %while3A_332 : i32
          %cond3A_410 = arith.constant 0 : i32
          scf.yield %cond3A_410, %sub3A_409, %cond3A_407 : i32, i32, i32
        } else {
          %add3A_390 = arith.constant 1 : i32
          %add3A_391 = arith.addi %while3A_331, %add3A_390 : i32
          scf.yield %add3A_391, %while3A_332, %while3A_333 : i32, i32, i32
        }
        scf.yield %cond3A_389#0, %cond3A_389#1, %cond3A_389#2 : i32, i32, i32
      }
      scf.yield %while3A_329#0, %while3A_329#1, %while3A_329#2, %get3A_317 : i32, i32, i32, i32
    }
    %scan3A_272 = arith.constant 245 : i32
    %gt3A = arith.constant 0 : i32
    %gt3A_273 = arith.cmpi sgt, %scan3A_271#0, %gt3A : i32
    %convert_element_type3A = arith.extui %gt3A_273 : i1 to i32
    %cond3A = arith.constant 0 : i32
    %cond3A_274 = arith.cmpi ne, %convert_element_type3A, %cond3A : i32
    %cond3A_275 = scf.if %cond3A_274 -> (i32) {
      %scan3A_288 = arith.constant 0 : i32
      %scan3A_289 = arith.constant 0 : i32
      %scan3A_290 = arith.constant 64 : i32
      %scan3A_291 = arith.addi %scan3A_289, %scan3A_290 : i32
      %scan3A_292 = arith.constant 1 : i32
      %scan3A_293 = scf.for %scan3A_307 = %scan3A_289 to %scan3A_291 step %scan3A_292 iter_args(%scan3A_308 = %scan3A_288) -> (i32)  : i32 {
        %ge3A = arith.cmpi sge, %scan3A_307, %scan3A_271#0 : i32
        %convert_element_type3A_309 = arith.extui %ge3A : i1 to i32
        %cond3A_310 = arith.constant 0 : i32
        %cond3A_311 = arith.cmpi ne, %convert_element_type3A_309, %cond3A_310 : i32
        scf.if %cond3A_311 {
          %get3A = arith.index_cast %scan3A_271#1 : i32 to index
          %get3A_313 = arith.constant 0 : index
          %get3A_314 = tpu.vector_load %arg14[%get3A, %get3A_313] {strides = array<i32>} : memref<2x64xi32, #tpu.memory_space<vmem>>, vector<16xi32>,
          %slice3A = vector.extract_strided_slice %get3A_314 {offsets = [0], sizes = [1], strides = [1]} : vector<16xi32> to vector<1xi32>
          %squeeze3A = vector.extract %slice3A[0] : i32 from vector<1xi32>
          %broadcast_in_dim3A_315 = vector.broadcast %scan3A_307 : i32 to vector<16xi32>
          %broadcast_in_dim3A_316 = vector.broadcast %squeeze3A : i32 to vector<16xi32>
          %scatter3A = arith.constant 0 : i32
          %scatter3A_317 = tpu.memref_slice %arg14[%scan3A_271#1, %scatter3A] : memref<2x64xi32, #tpu.memory_space<vmem>> -> memref<1x64xi32, #tpu.memory_space<vmem>>
          %scatter3A_318 = tpu.memref_squeeze %scatter3A_317 : memref<1x64xi32, #tpu.memory_space<vmem>> -> memref<64xi32, #tpu.memory_space<vmem>>
          tpu.vector_store_idx %scatter3A_318[%broadcast_in_dim3A_315], %broadcast_in_dim3A_316 masked %eq3A_11 : memref<64xi32, #tpu.memory_space<vmem>>[vector<16xi32>], vector<16xi32>, vector<16xi1>
          %get3A_319 = arith.constant 0 : i32
          %get3A_320 = arith.index_cast %scan3A_271#1 : i32 to index
          %get3A_321 = arith.index_cast %get3A_319 : i32 to index
          %get3A_322 = arith.constant 0 : index
          %get3A_323 = tpu.vector_load %arg13[%get3A_320, %get3A_321, %get3A_322] {strides = array<i32>} : memref<2x64x128xf32, #tpu.memory_space<vmem>>, vector<16xf32>,
          %swap3A = arith.index_cast %scan3A_271#1 : i32 to index
          %swap3A_324 = arith.index_cast %scan3A_307 : i32 to index
          %swap3A_325 = arith.constant 0 : index
          %swap3A_326 = tpu.vector_load %arg13[%swap3A, %swap3A_324, %swap3A_325] {strides = array<i32>} : memref<2x64x128xf32, #tpu.memory_space<vmem>>, vector<16xf32>,
          tpu.vector_store %arg13[%swap3A, %swap3A_324, %swap3A_325], %get3A_323 {strides = array<i32>} : memref<2x64x128xf32, #tpu.memory_space<vmem>>, vector<16xf32>,
          %get3A_327 = arith.constant 0 : i32
          %get3A_328 = arith.index_cast %scan3A_271#1 : i32 to index
          %get3A_329 = arith.index_cast %get3A_327 : i32 to index
          %get3A_330 = arith.constant 16 : index
          %get3A_331 = tpu.vector_load %arg13[%get3A_328, %get3A_329, %get3A_330] {strides = array<i32>} : memref<2x64x128xf32, #tpu.memory_space<vmem>>, vector<16xf32>,
          %swap3A_332 = arith.index_cast %scan3A_271#1 : i32 to index
          %swap3A_333 = arith.index_cast %scan3A_307 : i32 to index
          %swap3A_334 = arith.constant 16 : index
          %swap3A_335 = tpu.vector_load %arg13[%swap3A_332, %swap3A_333, %swap3A_334] {strides = array<i32>} : memref<2x64x128xf32, #tpu.memory_space<vmem>>, vector<16xf32>,
          tpu.vector_store %arg13[%swap3A_332, %swap3A_333, %swap3A_334], %get3A_331 {strides = array<i32>} : memref<2x64x128xf32, #tpu.memory_space<vmem>>, vector<16xf32>,
          %get3A_336 = arith.constant 0 : i32
          %get3A_337 = arith.index_cast %scan3A_271#1 : i32 to index
          %get3A_338 = arith.index_cast %get3A_336 : i32 to index
          %get3A_339 = arith.constant 32 : index
          %get3A_340 = tpu.vector_load %arg13[%get3A_337, %get3A_338, %get3A_339] {strides = array<i32>} : memref<2x64x128xf32, #tpu.memory_space<vmem>>, vector<16xf32>,
          %swap3A_341 = arith.index_cast %scan3A_271#1 : i32 to index
          %swap3A_342 = arith.index_cast %scan3A_307 : i32 to index
          %swap3A_343 = arith.constant 32 : index
          %swap3A_344 = tpu.vector_load %arg13[%swap3A_341, %swap3A_342, %swap3A_343] {strides = array<i32>} : memref<2x64x128xf32, #tpu.memory_space<vmem>>, vector<16xf32>,
          tpu.vector_store %arg13[%swap3A_341, %swap3A_342, %swap3A_343], %get3A_340 {strides = array<i32>} : memref<2x64x128xf32, #tpu.memory_space<vmem>>, vector<16xf32>,
          %get3A_345 = arith.constant 0 : i32
          %get3A_346 = arith.index_cast %scan3A_271#1 : i32 to index
          %get3A_347 = arith.index_cast %get3A_345 : i32 to index
          %get3A_348 = arith.constant 48 : index
          %get3A_349 = tpu.vector_load %arg13[%get3A_346, %get3A_347, %get3A_348] {strides = array<i32>} : memref<2x64x128xf32, #tpu.memory_space<vmem>>, vector<16xf32>,
          %swap3A_350 = arith.index_cast %scan3A_271#1 : i32 to index
          %swap3A_351 = arith.index_cast %scan3A_307 : i32 to index
          %swap3A_352 = arith.constant 48 : index
          %swap3A_353 = tpu.vector_load %arg13[%swap3A_350, %swap3A_351, %swap3A_352] {strides = array<i32>} : memref<2x64x128xf32, #tpu.memory_space<vmem>>, vector<16xf32>,
          tpu.vector_store %arg13[%swap3A_350, %swap3A_351, %swap3A_352], %get3A_349 {strides = array<i32>} : memref<2x64x128xf32, #tpu.memory_space<vmem>>, vector<16xf32>,
        } else {
        }
        %scan3A_312 = arith.constant 0 : i32
        scf.yield %scan3A_312 : i32
      }
      %scan3A_294 = arith.constant 64 : i32
      %dma_start3A_295 = arith.constant 0 : i32
      %dma_start3A_296 = arith.constant 0 : i32
      %dma_start3A_297 = tpu.memref_slice %arg13[%scan3A_271#1, %dma_start3A_295, %dma_start3A_296] : memref<2x64x128xf32, #tpu.memory_space<vmem>> -> memref<1x64x128xf32, #tpu.memory_space<vmem>>
      %dma_start3A_298 = tpu.memref_squeeze %dma_start3A_297 : memref<1x64x128xf32, #tpu.memory_space<vmem>> -> memref<64x128xf32, #tpu.memory_space<vmem>>
      %dma_start3A_299 = arith.constant 0 : i32
      %dma_start3A_300 = tpu.memref_slice %arg14[%scan3A_271#1, %dma_start3A_299] : memref<2x64xi32, #tpu.memory_space<vmem>> -> memref<1x64xi32, #tpu.memory_space<vmem>>
      %dma_start3A_301 = tpu.memref_squeeze %dma_start3A_300 : memref<1x64xi32, #tpu.memory_space<vmem>> -> memref<64xi32, #tpu.memory_space<vmem>>
      %dma_start3A_302 = arith.constant 0 : i32
      %dma_start3A_303 = arith.constant 0 : i32
      %dma_start3A_304 = tpu.memref_slice %arg4[%dma_start3A_302, %dma_start3A_303] : memref<65536x128xf32, #tpu.memory_space<hbm>> -> memref<65536x128xf32, #tpu.memory_space<hbm>>
      tpu.enqueue_indirect_dma source(%dma_start3A_298 : memref<64x128xf32, #tpu.memory_space<vmem>>) target(%dma_start3A_304 : memref<65536x128xf32, #tpu.memory_space<hbm>>) offsets(%dma_start3A_301 : memref<64xi32, #tpu.memory_space<vmem>>) semaphore(%arg17 : memref<!tpu.dma_semaphore, #tpu.memory_space<semaphore_mem>>)
      %add3A_305 = arith.constant 1 : i32
      %add3A_306 = arith.addi %scan3A_271#2, %add3A_305 : i32
      scf.yield %add3A_306 : i32
    } else {
      scf.yield %scan3A_271#2 : i32
    }
    %while3A_276 = arith.constant 0 : i32
    %while3A_277 = arith.constant 0 : i32
    %while3A_278 = arith.subi %cond3A_275, %while3A_276 : i32
    %while3A_279 = arith.addi %while3A_276, %while3A_278 : i32
    %while3A_280 = arith.constant 1 : i32
    %while3A_281 = arith.divsi %while3A_278, %while3A_280 : i32
    %while3A_282 = arith.muli %while3A_281, %while3A_280 : i32
    %while3A_283 = arith.addi %while3A_276, %while3A_282 : i32
    %while3A_284 = arith.constant 1 : i32
    %while3A_285 = scf.for %while3A_288 = %while3A_276 to %while3A_283 step %while3A_284 iter_args(%while3A_289 = %while3A_277) -> (i32)  : i32 {
      %dma_wait3A = arith.constant 0 : i32
      %dma_wait3A_290 = arith.constant 0 : i32
      %dma_wait3A_291 = arith.constant 0 : i32
      %dma_wait3A_292 = tpu.memref_slice %arg13[%dma_wait3A, %dma_wait3A_290, %dma_wait3A_291] : memref<2x64x128xf32, #tpu.memory_space<vmem>> -> memref<1x64x128xf32, #tpu.memory_space<vmem>>
      %dma_wait3A_293 = tpu.memref_squeeze %dma_wait3A_292 : memref<1x64x128xf32, #tpu.memory_space<vmem>> -> memref<64x128xf32, #tpu.memory_space<vmem>>
      %dma_wait3A_294 = arith.constant 0 : i32
      %dma_wait3A_295 = arith.constant 0 : i32
      %dma_wait3A_296 = tpu.memref_slice %arg4[%dma_wait3A_294, %dma_wait3A_295] : memref<65536x128xf32, #tpu.memory_space<hbm>> -> memref<64x128xf32, #tpu.memory_space<hbm>>
      %dma_wait3A_297 = arith.constant 0 : i32
      %dma_wait3A_298 = arith.constant 0 : i32
      %dma_wait3A_299 = tpu.memref_slice %arg13[%dma_wait3A, %dma_wait3A_297, %dma_wait3A_298] : memref<2x64x128xf32, #tpu.memory_space<vmem>> -> memref<1x64x128xf32, #tpu.memory_space<vmem>>
      %dma_wait3A_300 = tpu.memref_squeeze %dma_wait3A_299 : memref<1x64x128xf32, #tpu.memory_space<vmem>> -> memref<64x128xf32, #tpu.memory_space<vmem>>
      %dma_wait3A_301 = arith.constant 0 : i32
      %dma_wait3A_302 = arith.constant 0 : i32
      %dma_wait3A_303 = tpu.memref_slice %arg4[%dma_wait3A_301, %dma_wait3A_302] : memref<65536x128xf32, #tpu.memory_space<hbm>> -> memref<64x128xf32, #tpu.memory_space<hbm>>
      tpu.wait_dma2 semaphore(%arg17 : memref<!tpu.dma_semaphore, #tpu.memory_space<semaphore_mem>>) src(%dma_wait3A_303 : memref<64x128xf32, #tpu.memory_space<hbm>>) dst(%dma_wait3A_300 : memref<64x128xf32, #tpu.memory_space<vmem>>)
      %while3A_304 = arith.constant 0 : i32
      scf.yield %while3A_304 : i32
    }
    %while3A_286 = arith.constant 1 : i32
    %while3A_287 = scf.for %while3A_288 = %while3A_283 to %while3A_279 step %while3A_286 iter_args(%while3A_289 = %while3A_285) -> (i32)  : i32 {
      %dma_wait3A = arith.constant 0 : i32
      %dma_wait3A_290 = arith.constant 0 : i32
      %dma_wait3A_291 = arith.constant 0 : i32
      %dma_wait3A_292 = tpu.memref_slice %arg13[%dma_wait3A, %dma_wait3A_290, %dma_wait3A_291] : memref<2x64x128xf32, #tpu.memory_space<vmem>> -> memref<1x64x128xf32, #tpu.memory_space<vmem>>
      %dma_wait3A_293 = tpu.memref_squeeze %dma_wait3A_292 : memref<1x64x128xf32, #tpu.memory_space<vmem>> -> memref<64x128xf32, #tpu.memory_space<vmem>>
      %dma_wait3A_294 = arith.constant 0 : i32
      %dma_wait3A_295 = arith.constant 0 : i32
      %dma_wait3A_296 = tpu.memref_slice %arg4[%dma_wait3A_294, %dma_wait3A_295] : memref<65536x128xf32, #tpu.memory_space<hbm>> -> memref<64x128xf32, #tpu.memory_space<hbm>>
      %dma_wait3A_297 = arith.constant 0 : i32
      %dma_wait3A_298 = arith.constant 0 : i32
      %dma_wait3A_299 = tpu.memref_slice %arg13[%dma_wait3A, %dma_wait3A_297, %dma_wait3A_298] : memref<2x64x128xf32, #tpu.memory_space<vmem>> -> memref<1x64x128xf32, #tpu.memory_space<vmem>>
      %dma_wait3A_300 = tpu.memref_squeeze %dma_wait3A_299 : memref<1x64x128xf32, #tpu.memory_space<vmem>> -> memref<64x128xf32, #tpu.memory_space<vmem>>
      %dma_wait3A_301 = arith.constant 0 : i32
      %dma_wait3A_302 = arith.constant 0 : i32
      %dma_wait3A_303 = tpu.memref_slice %arg4[%dma_wait3A_301, %dma_wait3A_302] : memref<65536x128xf32, #tpu.memory_space<hbm>> -> memref<64x128xf32, #tpu.memory_space<hbm>>
      tpu.wait_dma2 semaphore(%arg17 : memref<!tpu.dma_semaphore, #tpu.memory_space<semaphore_mem>>) src(%dma_wait3A_303 : memref<64x128xf32, #tpu.memory_space<hbm>>) dst(%dma_wait3A_300 : memref<64x128xf32, #tpu.memory_space<vmem>>)
      %while3A_304 = arith.constant 0 : i32
      scf.yield %while3A_304 : i32
    }
    return
  }
}

</mosaic_0001>

<sc_bundles>
// kernel: kernel.3.cloned.1.call-start
scs
__scs_entry_jumppad:
0x0: {  	(pc) =	sbr.rel $0x88, $3  }
0x1: {  	(tag) =	ssettag $0x0;
	lr =	simm.s32 $0x1  }
0x2: {  	[smem:$0x3F9F] =	sst lr;
	_ =	strace $0xD0000000  }
0x3: {  	_ = 	snop  }
0x4: {  	_ = 	snop  }
0x5: {  	_ = 	snop  }
0x6: {  	_ = 	snop  }
0x7: {  	_ = 	snop  }
__scs_overlays_trampoline_lowered:
0x8: {  	[smem:$0x3FAE] =	sst s0  }
0x9: {  	[smem:$0x3FAF] =	sst s1  }
0xa: {  	[smem:$0x3FB0] =	sst s2  }
0xb: {  	[smem:$0x3FB1] =	sst s3  }
0xc: {  	[smem:$0x3FB2] =	sst s4  }
0xd: {  	[smem:$0x3FB3] =	sst s5  }
0xe: {  	[smem:$0x3FB4] =	sst s6  }
0xf: {  	[smem:$0x3FB5] =	sst s7  }
0x10: {  	[smem:$0x3FB6] =	sst s8  }
0x11: {  	[smem:$0x3FB7] =	sst s9;
	s0 =	simm.s32 @!p0 $0x0  }
0x12: {  	s1 =	sld [smem:$0x3F9D];
	s0 =	simm.s32 @p0 $0x1  }
0x13: {  	[smem:$0x3FB8] =	sst s0;
	s0 =	simm.s32 @!p1 $0x0  }
0x14: {  	s2 =	sld [smem:$0x3F9C];
	s0 =	simm.s32 @p1 $0x1  }
0x15: {  	[smem:$0x3FB9] =	sst s0;
	s0 =	simm.s32 @!p2 $0x0  }
0x16: {  	s3 =	sld [smem:$0x3FDB];
	s0 =	simm.s32 @p2 $0x1  }
0x17: {  	s4 =	simm.s32 $0x1BF5;
	[smem:$0x3FBB] =	sst s0  }
0x18: {  	s0 =	sld [smem:$0x3F9E];
	_ =	swait.ge [sflag:s4], $0x0  }
0x19: {  	s7 =	sld [smem:$0x3F9F]  }
0x1a: {  	s8 =	sadd.s32 $0xFFFFE003, lr  }
0x1b: {  	s9 =	sadd.s32 $0xFFFFFEF7, lr;
	s5 =	simm.s32 $0xFFFFFFFF;
	p2 =	slt.u32 s8, $0xFFFFF086  }
0x1c: {  	p1 =	slt.u32 s9, $0xF7A;
	s5 =	simm.s32 @!p2 $0x0  }
0x1d: {  	s5 =	simm.s32 @p1 $0x1;
	p0 =	seq.s32 s7, s2  }
0x1e: {  	s7 =	smul.u32 @!p0 $0xF7A, s2;
	p2 =	seq.s32 @!p0 s5, $0x0  }
0x1f: {  	s9 =	smul.u32 $0xF7A, s1;
	s8 =	simm.s32 @!p0 $0x1BF5;
	p2 =	por !p2, p0  }
0x20: {  	[sflag:s8] =	ssyncset.s32 @!p0 $0xFFFFF086;
	s6 =	sadd.s32 @!p0 s3, s7;
	s7 =	simm.s32 @!p0 $0x108  }
0x21: {  	s3 =	sadd.s32 s3, s9;
	s6 =	sadd.s32 @!p0 $0x88, s6;
	s7 =	simm.s32 @p2 $0x1082  }
0x22: {  	[simem:s7], [sflag:s8] =	dma.local @!p0 [hbm:s6], $0xF7A  }
0x23: {  	s9 =	sor.u32 $0xD0000000, s2;
	s6 =	simm.s32 $0x108;
	_ =	swait.ge @!p0 [sflag:s8], $0x0  }
0x24: {  	s3 =	sadd.s32 $0x88, s3;
	s6 =	simm.s32 @!p1 $0x1082;
	[sflag:s4] =	ssyncset.s32 $0xFFFFF086  }
0x25: {  	[simem:s6], [sflag:s4] =	dma.local [hbm:s3], $0xF7A  }
0x26: {  	[smem:$0x3F9F] =	sst s1;
	(tag) =	ssettag s2;
	_ =	strace s9  }
0x27: {  	s1 =	sld [smem:$0x3FAF]  }
0x28: {  	s2 =	sld [smem:$0x3FB0]  }
0x29: {  	s4 =	sld [smem:$0x3FB2]  }
0x2a: {  	p0 =	seq.s32 s5, $0x0;
	s5 =	sld [smem:$0x3FB3]  }
0x2b: {  	s6 =	sld [smem:$0x3FB4]  }
0x2c: {  	s7 =	sld [smem:$0x3FB5]  }
0x2d: {  	s3 =	simm.s32 $0x108;
	s8 =	sld [smem:$0x3FB6]  }
0x2e: {  	s3 =	simm.s32 @!p0 $0x1082;
	s9 =	sld [smem:$0x3FB7]  }
0x2f: {  	lr =	sadd.s32 s0, s3;
	s0 =	sld [smem:$0x3FAE]  }
0x30: {  	s3 =	sld [smem:$0x3FB1]  }
0x31: {  	[smem:$0x3FBA] =	sst s10  }
0x32: {  	s10 =	sld [smem:$0x3FB8];
	_ =	sdelay $0x3  }
0x33: {  	p0 =	seq.s32 s10, $0x1;
	s10 =	sld [smem:$0x3FBA];
	_ =	sdelay $0x3  }
0x34: {  	[smem:$0x3FBA] =	sst s10  }
0x35: {  	s10 =	sld [smem:$0x3FB9];
	_ =	sdelay $0x3  }
0x36: {  	p1 =	seq.s32 s10, $0x1;
	s10 =	sld [smem:$0x3FBA];
	_ =	sdelay $0x3  }
0x37: {  	[smem:$0x3FBA] =	sst s10  }
0x38: {  	s10 =	sld [smem:$0x3FBB]  }
0x39: {  	_ = 	snop;
	(pc) =	sbr.ind lr, $3  }
0x3a: {  	_ = 	snop  }
0x3b: {  	_ = 	snop  }
0x3c: {  	p2 =	seq.s32 s10, $0x1;
	s10 =	sld [smem:$0x3FBA]  }
0x3d: {  	_ =	shalt  }
0x3e: {  	_ =	shalt  }
0x3f: {  	_ =	shalt  }
0x40: {  	_ =	shalt  }
0x41: {  	_ =	shalt  }
0x42: {  	_ =	shalt  }
0x43: {  	_ =	shalt  }
0x44: {  	_ =	shalt  }
0x45: {  	_ =	shalt  }
0x46: {  	_ =	shalt  }
0x47: {  	_ =	shalt  }
0x48: {  	_ =	shalt  }
0x49: {  	_ =	shalt  }
0x4a: {  	_ =	shalt  }
0x4b: {  	_ =	shalt  }
0x4c: {  	_ =	shalt  }
0x4d: {  	_ =	shalt  }
0x4e: {  	_ =	shalt  }
0x4f: {  	_ =	shalt  }
0x50: {  	_ =	shalt  }
0x51: {  	_ =	shalt  }
0x52: {  	_ =	shalt  }
0x53: {  	_ =	shalt  }
0x54: {  	_ =	shalt  }
0x55: {  	_ =	shalt  }
0x56: {  	_ =	shalt  }
0x57: {  	_ =	shalt  }
0x58: {  	_ =	shalt  }
0x59: {  	_ =	shalt  }
0x5a: {  	_ =	shalt  }
0x5b: {  	_ =	shalt  }
0x5c: {  	_ =	shalt  }
0x5d: {  	_ =	shalt  }
0x5e: {  	_ =	shalt  }
0x5f: {  	_ =	shalt  }
0x60: {  	_ =	shalt  }
0x61: {  	_ =	shalt  }
0x62: {  	_ =	shalt  }
0x63: {  	_ =	shalt  }
0x64: {  	_ =	shalt  }
0x65: {  	_ =	shalt  }
0x66: {  	_ =	shalt  }
0x67: {  	_ =	shalt  }
0x68: {  	_ =	shalt  }
0x69: {  	_ =	shalt  }
0x6a: {  	_ =	shalt  }
0x6b: {  	_ =	shalt  }
0x6c: {  	_ =	shalt  }
0x6d: {  	_ =	shalt  }
0x6e: {  	_ =	shalt  }
0x6f: {  	_ =	shalt  }
0x70: {  	_ =	shalt  }
0x71: {  	_ =	shalt  }
0x72: {  	_ =	shalt  }
0x73: {  	_ =	shalt  }
0x74: {  	_ =	shalt  }
0x75: {  	_ =	shalt  }
0x76: {  	_ =	shalt  }
0x77: {  	_ =	shalt  }
0x78: {  	_ =	shalt  }
0x79: {  	_ =	shalt  }
0x7a: {  	_ =	shalt  }
0x7b: {  	_ =	shalt  }
0x7c: {  	_ =	shalt  }
0x7d: {  	_ =	shalt  }
0x7e: {  	_ =	shalt  }
0x7f: {  	_ =	shalt  }
0x80: {  	_ =	shalt  }
0x81: {  	_ =	shalt  }
0x82: {  	_ =	shalt  }
0x83: {  	_ =	shalt  }
0x84: {  	_ =	shalt  }
0x85: {  	_ =	shalt  }
0x86: {  	_ =	shalt  }
0x87: {  	_ =	shalt  }
.Lfunc_end0:
.L_simem_size_0:
called_computation_lowered:
.L_overlay_start_0:
0x88: {  	s2 =	sld [smem:$0x3FD9]  }
0x89: {  	s3 =	sld [smem:$0x3FFE];
	_ =	sdelay $0x1  }
0x8a: {  	s1 =	srdreg.scid  }
0x8b: {  	s0 =	sand.u32 $0x1, s1  }
0x8c: {  	s17 =	sshll.u32 s0, $0xA;
	s2 =	sadd.s32 s3, s2  }
0x8d: {  	s2 =	sadd.s32 s2, s17  }
0x8e: {  	[smem:$0x3FC6] =	sst s2  }
0x8f: {  	_ = 	snop  }
0x90: {  	s2 =	sld [smem:$0x3FC8]  }
0x91: {  	s18 =	sld [smem:$0x3FD0];
	(tm) =	ssettm $0x1  }
0x92: {  	s4 =	sld [smem:$0x3FFB];
	_ =	sdelay $0x3  }
0x93: {  	_ =	strace s4  }
0x94: {  	s4 =	sld [smem:$0x3FFC];
	_ =	sdelay $0x3  }
0x95: {  	_ =	strace s4  }
0x96: {  	s4 =	sld [smem:$0x3FFD];
	_ =	sdelay $0x3  }
0x97: {  	_ =	strace s4  }
0x98: {  	_ =	strace $0x8FFFFFFF  }
0x99: {  	s19 =	sld [smem:$0x3FDB];
	_ =	sdelay $0x1  }
0x9a: {  	s5 =	simm.s32 $_scs_section_size  }
0x9b: {  	s6 =	simm.s32 $_size__tile_overlayer_lowered;
	s7 =	simm.s32 $_tile_overlayer_lowered  }
0x9c: {  	s22 =	simm.s32 $0x1BFF;
	s21 =	sshll.u32 s7, $0x1;
	s4 =	sadd.s32 s5, s19  }
0x9d: {  	s8 =	simm.s32 $0x0;
	s20 =	sshll.u32 s6, $0x1;
	s6 =	sadd.s32 s21, s4  }
0x9e: {  	[timem:s8], [sflag:s22] =	dma.local [hbm:s6], s20  }
0x9f: {  	_ =	swait.ge [sflag:s22], s20  }
0xa0: {  	s5 =	ssub.s32 $0x0, s20;
	[sflag:s22] =	ssyncset.done $0x0  }
0xa1: {  	[sflag:s22] =	ssyncadd.s32 s5;
	_ =	sdelay $0x1  }
0xa2: {  	s23 =	simm.s32 $0x1B8B  }
0xa3: {  	_ =	swait.ge [sflag:s23], $0x1  }
0xa4: {  	[sflag:s23] =	ssyncset.done $0x0  }
0xa5: {  	s25 =	simm.s32 $0x1B8E;
	s24 =	sld [smem:$0x3FFE];
	[sflag:s23] =	ssyncadd.s32 $0xFFFFFFFF  }
0xa6: {  	s26 =	simm.s32 $execute0_lowered;
	[smem:$0x3FD2] =	sst s25  }
0xa7: {  	s6 =	sshll.u32 s26, $0x1;
	_ =	strace $0x80000046;
	[dreg:$0x1] =	wrdreg $0xFFFFFFFF  }
0xa8: {  	s28 =	simm.s32 $_size_execute0_lowered;
	s4 =	sadd.s32 s4, s6;
	[dreg:$0x0] =	wrdreg $0x0  }
0xa9: {  	s6 =	sshll.u32 s28, $0x1;
	[dreg:$0x2] =	wrdreg s4  }
0xaa: {  	[dreg:$0x3] =	wrdreg s6  }
0xab: {  	[dreg:$0x4] =	wrdreg $0xC0  }
0xac: {  	_ =	task [dreg:s8], $0x5FFFF  }
0xad: {  	[dreg:$0x1] =	wrdreg $0xFFFFFFFF  }
0xae: {  	[dreg:$0x0] =	wrdreg $0x60  }
0xaf: {  	[dreg:$0x2] =	wrdreg s2  }
0xb0: {  	[dreg:$0x3] =	wrdreg s24  }
0xb1: {  	[dreg:$0x4] =	wrdreg s18  }
0xb2: {  	[dreg:$0x5] =	wrdreg $0x9  }
0xb3: {  	_ =	task.clear_ibuf [dreg:s8], $0x6FFFF;
	_ =	strace $0x90000046  }
0xb4: {  	s29 =	simm.s32 $0x9;
	_ =	strace $0x80000048  }
0xb5: {  	_ =	swait.ge [sflag:s29], $0x1  }
0xb6: {  	[sflag:s29] =	ssyncadd.s32 $0xFFFFFFFF  }
0xb7: {  	_ =	strace $0x90000048  }
0xb8: {  	_ =	sfence  }
0xb9: {  	s30 =	sld [smem:$0x0];
	_ =	sdelay $0x2  }
0xba: {  	s31 =	sshll.u32 s1, $0xD;
	s1 =	sshrl.u32 s1, $0x2  }
0xbb: {  	s3 =	sand.u32 $0x4000, s31;
	s1 =	sadd.s32 s1, s30  }
0xbc: {  	s0 =	sor.u32 s3, s0;
	s1 =	sshll.u32 s1, $0x11  }
0xbd: {  	s0 =	sor.u32 s1, s0  }
0xbe: {  	s0 =	sadd.s32 $0x8F2B, s0  }
0xbf: {  	[sflag:s0] =	ssyncadd.remote.s32 $0x1  }
0xc0: {  	_ =	sfence.sel $0xFFFF  }
0xc1: {  	[dreg:$0x0] =	wrdreg $0xFFFFFFFF;
	(pc) =	sbr.abs _section_cstart, $3  }
0xc2: {  	[dreg:$0x1] =	wrdreg $0xFFFFFFFF  }
0xc3: {  	_ =	task.clear_ibuf [dreg:s8], $0x2FFFF;
	_ =	strace $0x9FFFFFFF  }
0xc4: {  	(tm) =	ssettm $0x7FFFFFFF  }
0xc5: {  	_ =	shalt  }
tec
execute0_lowered:
.L_overlay_start_1:
0x0: {  	(tag) =	ssettag $0x1  }
0x1: {  	s13 =	rddreg [dreg:$0x0]  }
0x2: {  	s3 =	rddreg [dreg:$0x1]  }
0x3: {  	s0 =	srdreg.scid;
	s1 =	stileid.u32  }
0x4: {  	s4 =	rddreg [dreg:$0x2];
	s5 =	simm.s32 $0x0;
	s26 =	simm.s32 $0x2000  }
0x5: {  	s30 =	simm.s32 $0x4080;
	s0 =	sand.u32 $0x1, s0;
	s2 =	sshll.u32 s1, $0x1  }
0x6: {  	s28 =	simm.s32 $0xA200;
	s29 =	simm.s32 $0x2;
	s2 =	sor.u32 s0, s2  }
0x7: {  	[smem:$0x7FF] =	sst s5;
	s0 =	ssub.s32 $0x2, s0;
	s8 =	smul.u32 $0x7A80, s2  }
0x8: {  	_ =	strace $0x80000047;
	[dreg:$0x4] =	wrdreg s26;
	s6 =	sshrl.u32 s0, $0x1  }
0x9: {  	[dreg:$0x5] =	wrdreg s30;
	s0 =	ssub.s32 s0, s6;
	s19 =	sadd.s32 s13, s8  }
0xa: {  	v2 =	vlaneseq.u32;
	v3 =	vimm.s32 $0x0;
	s31 =	simm.s32 $0x3;
	s0 =	smax.u32 s0, $0x1;
	[dreg:$0x6] =	wrdreg s19  }
0xb: {  	v4 =	vimm.s32 $0x1;
	vm15 =	vcmask $0x300;
	vm1 =	vcmask $0x704;
	s14 =	simm.s32 $0x0;
	s21 =	sadd.s32 $0x80, s19;
	[dreg:$0xd] =	wrdreg s0  }
0xc: {  	vm2 =	vcmask $0xB08;
	vm3 =	vcmask $0xF0C;
	vm4 =	vcmask $0x1310;
	s26 =	simm.s32 $0x8180;
	s22 =	sadd.s32 $0x100, s19;
	[dreg:$0x7] =	wrdreg s21  }
.Ltmp0:
0xd: {  	vm5 =	vcmask $0x1714;
	vm6 =	vcmask $0x1B18;
	vm7 =	vcmask $0x1F1C;
	s23 =	sadd.s32 $0x180, s19;
	[dreg:$0x8] =	wrdreg s22;
	(pc) =	sbr.rel .LBB2_1-.Ltmp0, $4  }
0xe: {  	vm8 =	vcmask $0x2320;
	vm9 =	vcmask $0x2724;
	v5 =	vmul.u32 $0x80, v2;
	s7 =	smul.u32 $0xF5, s2;
	s24 =	sadd.s32 $0x200, s19;
	[dreg:$0x9] =	wrdreg s23  }
0xf: {  	vm10 =	vcmask $0x2B28;
	vm11 =	vcmask $0x2F2C;
	vm12 =	vcmask $0x3330;
	s9 =	smin.u32 s8, $0xEC7C0;
	s25 =	sadd.s32 $0x280, s19;
	[dreg:$0xa] =	wrdreg s24  }
0x10: {  	vm13 =	vcmask $0x3734;
	v6 =	vor.u32 $0x800, v5;
	v7 =	vor.u32 $0x1000, v5;
	s20 =	sadd.s32 $0x7A80, s9;
	s1 =	sadd.s32 $0x300, s19;
	[dreg:$0xb] =	wrdreg s25  }
0x11: {  	v8 =	vor.u32 $0x1800, v5;
	v0 =	vmov s8;
	[dreg:$0xc] =	wrdreg s1;
	v1 =	vmov s20;
	s24 =	simm.s32 $0x1;
	s25 =	simm.s32 $0x6100  }
.LBB2_39:
0x12: {  	[sflag:s31] =	ssyncadd.s32 $0xFFFFE000  }
.LBB2_40:
0x13: {  	s14 =	sadd.s32 $0x1, s14;
	s0 =	rddreg [dreg:$0xd]  }
0x14: {  	p0 =	sne.s32 s14, s0  }
.Ltmp1:
0x15: {  	_ = 	snop;
	(pc) =	sbr.rel @!p0 .LBB2_41-.Ltmp1, $1  }
0x16: {  	_ =	sdelay $0x3  }
.LBB2_1:
0x17: {  	s0 =	rddreg [dreg:$0x6];
	s1 =	simm.s32 $0x400  }
0x18: {  	s2 =	simm.s32 $0x7A1400;
	s6 =	simm.s32 $0xA300;
	s11 =	rddreg [dreg:$0x7]  }
0x19: {  	[tilespmem:s6], [sflag:$0x2] =	stream.strided.gather [hbm4b:s0+s1], $0x2000, s2, s1, $0x38;
	[tilespmem:$0x1E400] =	vst v63  }
0x1a: {  	s12 =	simm.s32 $0xC300;
	s15 =	rddreg [dreg:$0x8]  }
0x1b: {  	[tilespmem:s12], [sflag:$0x2] =	stream.strided.gather [hbm4b:s11+s1], $0x2000, s2, s1, $0x38;
	[tilespmem:$0x1E400] =	vst v63  }
0x1c: {  	s16 =	simm.s32 $0xE300;
	s17 =	rddreg [dreg:$0x9]  }
0x1d: {  	[tilespmem:s16], [sflag:$0x2] =	stream.strided.gather [hbm4b:s15+s1], $0x2000, s2, s1, $0x38;
	[tilespmem:$0x1E400] =	vst v63  }
0x1e: {  	s18 =	simm.s32 $0x10300;
	s19 =	rddreg [dreg:$0xa]  }
0x1f: {  	[tilespmem:s18], [sflag:$0x2] =	stream.strided.gather [hbm4b:s17+s1], $0x2000, s2, s1, $0x38;
	[tilespmem:$0x1E400] =	vst v63  }
0x20: {  	s20 =	simm.s32 $0x12300;
	s21 =	rddreg [dreg:$0xb]  }
0x21: {  	[tilespmem:s20], [sflag:$0x2] =	stream.strided.gather [hbm4b:s19+s1], $0x2000, s2, s1, $0x38;
	[tilespmem:$0x1E400] =	vst v63  }
0x22: {  	s22 =	simm.s32 $0x14300;
	s23 =	rddreg [dreg:$0xc]  }
0x23: {  	[tilespmem:s22], [sflag:$0x2] =	stream.strided.gather [hbm4b:s21+s1], $0x2000, s2, s1, $0x38;
	[tilespmem:$0x1E400] =	vst v63  }
0x24: {  	s30 =	simm.s32 $0x16300;
	s8 =	simm.s32 $0x0;
	s9 =	simm.s32 $0x0  }
0x25: {  	[tilespmem:s30], [sflag:$0x2] =	stream.strided.gather [hbm4b:s23+s1], $0x2000, s2, s1, $0x38;
	[tilespmem:$0x1E400] =	vst v63  }
.LBB2_2:
0x26: {  	p0 =	seq.s32 s9, $0x1F0  }
.Ltmp2:
0x27: {  	_ = 	snop;
	(pc) =	sbr.rel @!p0 .LBB2_2-.Ltmp2, $4  }
0x28: {  	_ = 	snop  }
0x29: {  	s10 =	sadd.s32 s9, s3;
	s0 =	simm.s32 $0x0  }
0x2a: {  	[tilespmem:s8], [sflag:$0x1] =	stream.linear.gather [hbm4b:s10+s0], $0x80, $0x38;
	[tilespmem:$0x1E400] =	vst v63  }
0x2b: {  	s9 =	sadd.s32 $0x10, s9;
	s8 =	sadd.s32 $0x100, s8  }
0x2c: {  	p0 =	por $0x1, $0x1  }
0x2d: {  	s20 =	simm.s32 $0x70;
	p1 =	por $0x0, $0x0;
	s18 =	simm.s32 $0x0  }
.LBB2_5:
0x2e: {  	p2 =	seq.s32 s18, $0xF  }
.Ltmp3:
0x2f: {  	_ = 	snop;
	(pc) =	sbr.rel @p2 .LBB2_9-.Ltmp3, $2  }
0x30: {  	_ =	sdelay $0x2  }
0x31: {  	s18 =	sadd.s32 $0x1, s18  }
0x32: {  	s8 =	simm.s32 $0x1  }
0x33: {  	s9 =	sshll.u32 s18, $0x9;
	s8 =	simm.s32 @!p0 $0x0  }
0x34: {  	s9 =	sadd.s32 s3, s9;
	s8 =	sshll.u32 s8, $0x7  }
0x35: {  	s10 =	simm.s32 $0x10;
	s12 =	sadd.s32 $0x0, s9;
	s11 =	sadd.s32 $0x100, s8  }
.LBB2_7:
0x36: {  	[tilespmem:s8], [sflag:$0x1] =	stream.linear.gather [hbm4b:s12+s5], $0x80, $0x38;
	[tilespmem:$0x1E400] =	vst v63  }
0x37: {  	s12 =	smov.u32 s10;
	s8 =	smov.u32 s11;
	p2 =	sne.s32 s10, $0x1F0  }
.Ltmp4:
0x38: {  	s10 =	sadd.s32 $0x10, s10;
	(pc) =	sbr.rel @p2 .LBB2_7-.Ltmp4, $2  }
0x39: {  	_ =	sdelay $0x2  }
0x3a: {  	s11 =	sadd.s32 $0x100, s11;
	s12 =	sadd.s32 s12, s9  }
0x3b: {  	[tilespmem:s8], [sflag:$0x1] =	stream.linear.gather [hbm4b:s12+s5], $0x80, $0x38;
	[tilespmem:$0x1E400] =	vst v63  }
.LBB2_9:
0x3c: {  	vm14 =	vmmov vm13;
	vm13 =	vmmov vm12  }
0x3d: {  	vm12 =	vmmov vm11;
	vm11 =	vmmov vm10;
	vm10 =	vmmov vm9;
	s8 =	simm.s32 $0x1  }
0x3e: {  	vm9 =	vmmov vm8;
	vm8 =	vmmov vm7;
	vm7 =	vmmov vm6;
	_ =	swait.ge [sflag:s24], $0x1000;
	s8 =	simm.s32 @!p1 $0x0  }
0x3f: {  	vm6 =	vmmov vm5;
	vm5 =	vmmov vm4;
	vm4 =	vmmov vm3;
	s30 =	simm.s32 $0xFFFFFFF8;
	[sflag:s24] =	ssyncset.done $0x0;
	s8 =	sshll.u32 s8, $0x7  }
0x40: {  	vm3 =	vmmov vm2;
	vm2 =	vmmov vm1;
	vm1 =	vmmov vm15;
	s17 =	smov.u32 s20;
	[sflag:s24] =	ssyncadd.s32 $0xFFFFF000;
	s19 =	sor.u32 $0x40, s8  }
.LBB2_10:
0x41: {  	v9 =	vld [tilespmem:s19+$0xFFFFFFC0];
	_ =	sdelay $0x4  }
0x42: {  	vm15 =	vge.s32 v9, v0;
	vm0 =	vlt.s32 v9, v1  }
0x43: {  	vm0 =	vmand vm15, vm0  }
0x44: {  	v10 =	vsel vm0, $0x1, v3  }
0x45: {  	(xrf0) =	vadd.scan.msk.s32 $0xffff, v10;
	_ =	sdelay $0x5  }
0x46: {  	p2 =	slt.s32 s0, $0x1FF0;
	s8 =	smov.u32 s0;
	v11, _, _ =	vpop (xrf0)  }
0x47: {  	s8 =	simm.s32 @!p2 $0x1FF0;
	v10 =	vsub.s32 v11, v10  }
0x48: {  	v10 =	vadd.s32 s8, v10;
	_ =	sdelay $0x3  }
0x49: {  	s16 =	sadd.s32 $0xFFFFFF90, s17;
	(v2sf) =	vpush v11, $0xF  }
0x4a: {  	v11 =	vor.u32 s16, v2;
	[tilespmem:v10+s25+$0x0] =	vst.idx.msk vm0, v9  }
0x4b: {  	[tilespmem:v10+s26+$0x0] =	vst.idx.msk vm0, v11  }
0x4c: {  	v9 =	vld [tilespmem:s19+$0xFFFFFFD0];
	_ =	sdelay $0x4  }
0x4d: {  	vm0 =	vge.s32 v9, v0;
	vm15 =	vlt.s32 v9, v1  }
0x4e: {  	vm0 =	vmand vm0, vm15  }
0x4f: {  	v10 =	vsel vm0, $0x1, v3  }
0x50: {  	(xrf0) =	vadd.scan.msk.s32 $0xffff, v10;
	_ =	sdelay $0x3  }
0x51: {  	s21 =	spop (v2sf)  }
0x52: {  	s22 =	sadd.s32 s0, s21  }
0x53: {  	p2 =	slt.s32 s22, $0x1FF0;
	s8 =	smov.u32 s22;
	v11, _, _ =	vpop (xrf0)  }
0x54: {  	s8 =	simm.s32 @!p2 $0x1FF0;
	v10 =	vsub.s32 v11, v10  }
0x55: {  	v10 =	vadd.s32 s8, v10;
	_ =	sdelay $0x3  }
0x56: {  	s23 =	sadd.s32 $0xFFFFFFA0, s17;
	(v2sf) =	vpush v11, $0xF  }
0x57: {  	v11 =	vor.u32 s23, v2;
	[tilespmem:v10+s25+$0x0] =	vst.idx.msk vm0, v9  }
0x58: {  	[tilespmem:v10+s26+$0x0] =	vst.idx.msk vm0, v11  }
0x59: {  	v9 =	vld [tilespmem:s19+$0xFFFFFFE0];
	_ =	sdelay $0x4  }
0x5a: {  	vm0 =	vge.s32 v9, v0;
	vm15 =	vlt.s32 v9, v1  }
0x5b: {  	vm0 =	vmand vm0, vm15  }
0x5c: {  	v10 =	vsel vm0, $0x1, v3  }
0x5d: {  	(xrf0) =	vadd.scan.msk.s32 $0xffff, v10;
	_ =	sdelay $0x3  }
0x5e: {  	s1 =	spop (v2sf)  }
0x5f: {  	s0 =	sadd.s32 s22, s1  }
0x60: {  	p2 =	slt.s32 s0, $0x1FF0;
	s8 =	smov.u32 s0;
	v11, _, _ =	vpop (xrf0)  }
0x61: {  	s8 =	simm.s32 @!p2 $0x1FF0;
	v10 =	vsub.s32 v11, v10  }
0x62: {  	v10 =	vadd.s32 s8, v10;
	_ =	sdelay $0x3  }
0x63: {  	s2 =	sadd.s32 $0xFFFFFFB0, s17;
	(v2sf) =	vpush v11, $0xF  }
0x64: {  	v11 =	vor.u32 s2, v2;
	[tilespmem:v10+s25+$0x0] =	vst.idx.msk vm0, v9  }
0x65: {  	[tilespmem:v10+s26+$0x0] =	vst.idx.msk vm0, v11  }
0x66: {  	v9 =	vld [tilespmem:s19+$0xFFFFFFF0];
	_ =	sdelay $0x4  }
0x67: {  	vm0 =	vge.s32 v9, v0;
	vm15 =	vlt.s32 v9, v1  }
0x68: {  	vm0 =	vmand vm0, vm15  }
0x69: {  	v10 =	vsel vm0, $0x1, v3  }
0x6a: {  	(xrf0) =	vadd.scan.msk.s32 $0xffff, v10;
	_ =	sdelay $0x3  }
0x6b: {  	s6 =	spop (v2sf)  }
0x6c: {  	s0 =	sadd.s32 s0, s6  }
0x6d: {  	p2 =	slt.s32 s0, $0x1FF0;
	s8 =	smov.u32 s0;
	v11, _, _ =	vpop (xrf0)  }
0x6e: {  	s8 =	simm.s32 @!p2 $0x1FF0;
	v10 =	vsub.s32 v11, v10  }
0x6f: {  	v10 =	vadd.s32 s8, v10;
	_ =	sdelay $0x3  }
0x70: {  	s9 =	sadd.s32 $0xFFFFFFC0, s17;
	(v2sf) =	vpush v11, $0xF  }
0x71: {  	v11 =	vor.u32 s9, v2;
	[tilespmem:v10+s25+$0x0] =	vst.idx.msk vm0, v9  }
0x72: {  	[tilespmem:v10+s26+$0x0] =	vst.idx.msk vm0, v11  }
0x73: {  	v9 =	vld [tilespmem:s19+$0x0];
	_ =	sdelay $0x4  }
0x74: {  	vm0 =	vge.s32 v9, v0;
	vm15 =	vlt.s32 v9, v1  }
0x75: {  	vm0 =	vmand vm0, vm15  }
0x76: {  	v10 =	vsel vm0, $0x1, v3  }
0x77: {  	(xrf0) =	vadd.scan.msk.s32 $0xffff, v10;
	_ =	sdelay $0x3  }
0x78: {  	s10 =	spop (v2sf)  }
0x79: {  	s0 =	sadd.s32 s0, s10  }
0x7a: {  	p2 =	slt.s32 s0, $0x1FF0;
	s8 =	smov.u32 s0;
	v11, _, _ =	vpop (xrf0)  }
0x7b: {  	s8 =	simm.s32 @!p2 $0x1FF0;
	v10 =	vsub.s32 v11, v10  }
0x7c: {  	v10 =	vadd.s32 s8, v10;
	_ =	sdelay $0x3  }
0x7d: {  	s11 =	sadd.s32 $0xFFFFFFD0, s17;
	(v2sf) =	vpush v11, $0xF  }
0x7e: {  	v11 =	vor.u32 s11, v2;
	[tilespmem:v10+s25+$0x0] =	vst.idx.msk vm0, v9  }
0x7f: {  	[tilespmem:v10+s26+$0x0] =	vst.idx.msk vm0, v11  }
0x80: {  	v9 =	vld [tilespmem:s19+$0x10];
	_ =	sdelay $0x4  }
0x81: {  	vm0 =	vge.s32 v9, v0;
	vm15 =	vlt.s32 v9, v1  }
0x82: {  	vm0 =	vmand vm0, vm15  }
0x83: {  	v10 =	vsel vm0, $0x1, v3  }
0x84: {  	(xrf0) =	vadd.scan.msk.s32 $0xffff, v10;
	_ =	sdelay $0x3  }
0x85: {  	s12 =	spop (v2sf)  }
0x86: {  	s0 =	sadd.s32 s0, s12  }
0x87: {  	p2 =	slt.s32 s0, $0x1FF0;
	s8 =	smov.u32 s0;
	v11, _, _ =	vpop (xrf0)  }
0x88: {  	s8 =	simm.s32 @!p2 $0x1FF0;
	v10 =	vsub.s32 v11, v10  }
0x89: {  	v10 =	vadd.s32 s8, v10;
	_ =	sdelay $0x3  }
0x8a: {  	s15 =	sadd.s32 $0xFFFFFFE0, s17;
	(v2sf) =	vpush v11, $0xF  }
0x8b: {  	v11 =	vor.u32 s15, v2;
	[tilespmem:v10+s25+$0x0] =	vst.idx.msk vm0, v9  }
0x8c: {  	[tilespmem:v10+s26+$0x0] =	vst.idx.msk vm0, v11  }
0x8d: {  	v9 =	vld [tilespmem:s19+$0x20];
	_ =	sdelay $0x4  }
0x8e: {  	vm0 =	vge.s32 v9, v0;
	vm15 =	vlt.s32 v9, v1  }
0x8f: {  	vm0 =	vmand vm0, vm15  }
0x90: {  	v10 =	vsel vm0, $0x1, v3  }
0x91: {  	(xrf0) =	vadd.scan.msk.s32 $0xffff, v10;
	_ =	sdelay $0x3  }
0x92: {  	s16 =	spop (v2sf)  }
0x93: {  	s0 =	sadd.s32 s0, s16  }
0x94: {  	p2 =	slt.s32 s0, $0x1FF0;
	s8 =	smov.u32 s0;
	v11, _, _ =	vpop (xrf0)  }
0x95: {  	s8 =	simm.s32 @!p2 $0x1FF0;
	v10 =	vsub.s32 v11, v10  }
0x96: {  	v10 =	vadd.s32 s8, v10;
	_ =	sdelay $0x3  }
0x97: {  	s21 =	sadd.s32 $0xFFFFFFF0, s17  }
0x98: {  	v12 =	vor.u32 s21, v2;
	[tilespmem:v10+s25+$0x0] =	vst.idx.msk vm0, v9  }
0x99: {  	[tilespmem:v10+s26+$0x0] =	vst.idx.msk vm0, v12  }
0x9a: {  	v9 =	vld [tilespmem:s19+$0x30];
	_ =	sdelay $0x4  }
0x9b: {  	vm0 =	vge.s32 v9, v0;
	vm15 =	vlt.s32 v9, v1  }
0x9c: {  	(v2sf) =	vpush v11, $0xF;
	vm0 =	vmand vm0, vm15  }
0x9d: {  	v10 =	vsel vm0, $0x1, v3  }
0x9e: {  	(xrf0) =	vadd.scan.msk.s32 $0xffff, v10;
	_ =	sdelay $0x5  }
0x9f: {  	v11, _, _ =	vpop (xrf0)  }
0xa0: {  	(v2sf) =	vpush v11, $0xF;
	_ =	sdelay $0x5  }
0xa1: {  	s22 =	spop (v2sf)  }
0xa2: {  	s0 =	sadd.s32 s0, s22  }
0xa3: {  	p2 =	slt.s32 s0, $0x1FF0;
	s8 =	smov.u32 s0  }
0xa4: {  	s8 =	simm.s32 @!p2 $0x1FF0;
	v10 =	vsub.s32 v11, v10  }
0xa5: {  	s30 =	sadd.s32 $0x8, s30;
	v10 =	vadd.s32 s8, v10  }
0xa6: {  	p2 =	slt.u32 s30, $0xF8  }
.Ltmp5:
0xa7: {  	_ = 	snop;
	(pc) =	sbr.rel @p2 .LBB2_10-.Ltmp5, $3  }
0xa8: {  	_ =	sdelay $0x1  }
0xa9: {  	v11 =	vor.u32 s17, v2;
	[tilespmem:v10+s25+$0x0] =	vst.idx.msk vm0, v9;
	s23 =	spop (v2sf)  }
0xaa: {  	s19 =	sadd.s32 $0x100, s19;
	s17 =	sadd.s32 $0x80, s17;
	[tilespmem:v10+s26+$0x0] =	vst.idx.msk vm0, v11;
	s0 =	sadd.s32 s0, s23  }
0xab: {  	p2 =	seq.s32 s18, $0x10  }
.Ltmp6:
0xac: {  	vm15 =	vmmov vm1;
	vm1 =	vmmov vm2;
	vm2 =	vmmov vm3;
	(pc) =	sbr.rel @!p2 .LBB2_5-.Ltmp6, $4  }
0xad: {  	vm3 =	vmmov vm4;
	vm4 =	vmmov vm5;
	vm5 =	vmmov vm6  }
0xae: {  	vm6 =	vmmov vm7;
	vm7 =	vmmov vm8;
	vm8 =	vmmov vm9  }
0xaf: {  	vm9 =	vmmov vm10;
	vm10 =	vmmov vm11;
	vm11 =	vmmov vm12  }
0xb0: {  	p0 =	por !p0, !p0;
	s20 =	sadd.s32 $0x1000, s20;
	p1 =	por !p1, !p1;
	vm12 =	vmmov vm13;
	vm13 =	vmmov vm14;
	vm14 =	vcmask $0x3B38  }
0xb1: {  	[tilespmem:$0xA200] =	vst v3  }
0xb2: {  	[tilespmem:$0xA210] =	vst v3;
	p0 =	slt.s32 s0, $0x2000  }
0xb3: {  	[tilespmem:$0xA220] =	vst v3;
	p1 =	slt.s32 s0, $0xFFFFFFF2;
	s0 =	simm.s32 @!p0 $0x2000  }
0xb4: {  	[tilespmem:$0xA230] =	vst v3;
	s8 =	sadd.s32 $0xF, s0  }
0xb5: {  	[tilespmem:$0xA240] =	vst v3;
	s9 =	sand.u32 $0xF, s8  }
0xb6: {  	[tilespmem:$0xA250] =	vst v3;
	s30 =	sshra.s32 s8, $0x1F;
	p6 =	sne.s32 s9, $0x0  }
0xb7: {  	[tilespmem:$0xA260] =	vst v3;
	s9 =	sshrl.u32 s30, $0x1C;
	p0 =	por !p1, !p6  }
0xb8: {  	[tilespmem:$0xA270] =	vst v3;
	s8 =	sadd.s32 s9, s8;
	s9 =	simm.s32 $0x1;
	p0 =	por !p0, !p0  }
0xb9: {  	[tilespmem:$0xA280] =	vst v3;
	s8 =	sshra.s32 s8, $0x4;
	s9 =	simm.s32 @!p0 $0x0  }
0xba: {  	[tilespmem:$0xA290] =	vst v3;
	s1 =	ssub.s32 s8, s9  }
0xbb: {  	[tilespmem:$0xA2A0] =	vst v3;
	p0 =	slt.s32 s1, $0x1  }
.Ltmp7:
0xbc: {  	[tilespmem:$0xA2B0] =	vst v3;
	(pc) =	sbr.rel @p0 .LBB2_18-.Ltmp7, $4  }
0xbd: {  	[tilespmem:$0xA2C0] =	vst v3  }
0xbe: {  	[tilespmem:$0xA2D0] =	vst v3  }
0xbf: {  	[tilespmem:$0xA2E0] =	vst v3  }
0xc0: {  	[tilespmem:$0xA2F0] =	vst v3;
	s8 =	simm.s32 $0x6100  }
0xc1: {  	p1 =	sne.s32 s1, $0x1  }
.Ltmp8:
0xc2: {  	_ = 	snop;
	(pc) =	sbr.rel @!p1 .LBB2_13-.Ltmp8, $2  }
0xc3: {  	_ =	sdelay $0x2  }
0xc4: {  	v9 =	vld [tilespmem:s8+$0x0];
	s10 =	sadd.s32 $0xFFFFFFFF, s1;
	p0 =	por $0x0, $0x0  }
0xc5: {  	_ =	sdelay $0x3  }
0xc6: {  	v10 =	vmov s0;
	v9 =	vsub.s32 v9, v0  }
0xc7: {  	vm0 =	vgt.s32 v10, v2;
	v9 =	vshra.s32 v9, $0x7  }
0xc8: {  	v9 =	vnsel vm0, $0xF5, v9  }
0xc9: {  	p1 =	sne.s32 s10, $0x1  }
.Ltmp9:
0xca: {  	_ = 	snop;
	(pc) =	sbr.rel @!p1 .LBB2_15-.Ltmp9, $3  }
0xcb: {  	_ =	sdelay $0x1  }
0xcc: {  	s9 =	sadd.s32 $0x10, s8;
	[tilespmem:v9+s28+$0x0] =	vst.idx.add.s32.msk $0xffff, v4  }
0xcd: {  	s10 =	sadd.s32 $0xFFFFFFFF, s10;
	p0 =	por $0x1, $0x1;
	s8 =	smov.u32 s0;
	v9 =	vld [tilespmem:s9+$0x0]  }
.LBB2_16:
0xce: {  	p1 =	sne.s32 s10, $0x1;
	_ =	sdelay $0x2  }
0xcf: {  	s8 =	sadd.s32 $0xFFFFFFF0, s8  }
0xd0: {  	v10 =	vmov s8;
	v9 =	vsub.s32 v9, v0  }
0xd1: {  	vm0 =	vgt.s32 v10, v2;
	v9 =	vshra.s32 v9, $0x7  }
0xd2: {  	v9 =	vnsel vm0, $0xF5, v9;
	_ =	sdelay $0x1  }
.Ltmp10:
0xd3: {  	(pc) =	sbr.rel @p1 .LBB2_16-.Ltmp10, $3  }
0xd4: {  	_ =	sdelay $0x1  }
0xd5: {  	s9 =	sadd.s32 $0x10, s9;
	[tilespmem:v9+s28+$0x0] =	vst.idx.add.s32.msk $0xffff, v4  }
0xd6: {  	s10 =	sadd.s32 $0xFFFFFFFF, s10;
	v9 =	vld [tilespmem:s9+$0x0]  }
.LBB2_17:
0xd7: {  	_ =	sdelay $0x1  }
0xd8: {  	s8 =	sadd.s32 @p0 $0xFFFFFFF0, s8;
	s9 =	smov.u32 s0  }
0xd9: {  	s9 =	smov.u32 @p0 s8  }
0xda: {  	v10 =	vmov s9;
	v9 =	vsub.s32 v9, v0  }
0xdb: {  	vm0 =	vgt.s32 v10, v2;
	v9 =	vshra.s32 v9, $0x7  }
0xdc: {  	v9 =	vnsel vm0, $0xF5, v9;
	_ =	sdelay $0x4  }
0xdd: {  	[tilespmem:v9+s28+$0x0] =	vst.idx.add.s32.msk $0xffff, v4  }
.LBB2_18:
0xde: {  	s8 =	simm.s32 $0x0  }
0xdf: {  	v9 =	vld [tilespmem:s8+$0xA200];
	_ =	sdelay $0x4  }
0xe0: {  	(xrf0) =	vadd.scan.msk.s32 $0xffff, v9;
	_ =	sdelay $0x5  }
0xe1: {  	s9 =	simm.s32 $0x0;
	v9, _, _ =	vpop (xrf0)  }
0xe2: {  	v9 =	vadd.s32 s9, v9  }
0xe3: {  	(v2sf) =	vpush v9, $0xF;
	_ =	sdelay $0x2  }
0xe4: {  	s9 =	simm.s32 $0x80;
	[tilespmem:s8+$0xA200] =	vst v9;
	s8 =	simm.s32 $0x10  }
.LBB2_19:
0xe5: {  	p0 =	seq.s32 s9, $0x3C0;
	v9 =	vld [tilespmem:s8+$0xA200];
	_ =	sdelay $0x4  }
0xe6: {  	(xrf0) =	vadd.scan.msk.s32 $0xffff, v9;
	_ =	sdelay $0x5  }
0xe7: {  	v9, _, _ =	vpop (xrf0);
	s10 =	spop (v2sf)  }
.Ltmp11:
0xe8: {  	v9 =	vadd.s32 s10, v9;
	(pc) =	sbr.rel @!p0 .LBB2_19-.Ltmp11, $2  }
0xe9: {  	[tilespmem:s8+$0xA200] =	vst v9;
	(v2sf) =	vpush v9, $0xF;
	_ =	sdelay $0x2  }
0xea: {  	s8 =	sshra.s32 s9, $0x2;
	s9 =	sadd.s32 $0x40, s9  }
0xeb: {  	v9 =	vld [tilespmem:s8+$0xA200];
	_ =	sdelay $0x4  }
0xec: {  	(xrf0) =	vadd.scan.msk.s32 $0xffff, v9;
	_ =	sdelay $0x5  }
0xed: {  	v9, _, _ =	vpop (xrf0);
	s9 =	spop (v2sf)  }
0xee: {  	v9 =	vadd.s32 s9, v9  }
0xef: {  	s18 =	simm.s32 $0x0;
	[tilespmem:s8+$0xA200] =	vst v9  }
0xf0: {  	v10 =	vld [tilespmem:s18+$0xA200];
	_ =	sdelay $0x3  }
0xf1: {  	(v2sf) =	vpush v9, $0xF  }
0xf2: {  	(v2sf) =	vpush v10, $0x0  }
0xf3: {  	(v2sf) =	vpush v10, $0x1;
	_ =	sdelay $0x1  }
0xf4: {  	(v2sf) =	vpush v10, $0x2  }
0xf5: {  	(v2sf) =	vpush v10, $0x3  }
0xf6: {  	(v2sf) =	vpush v10, $0x4  }
0xf7: {  	(v2sf) =	vpush v10, $0x5  }
0xf8: {  	(v2sf) =	vpush v10, $0x6  }
0xf9: {  	(v2sf) =	vpush v10, $0x7  }
0xfa: {  	(v2sf) =	vpush v10, $0x8  }
0xfb: {  	(v2sf) =	vpush v10, $0x9  }
0xfc: {  	s17 =	simm.s32 $0x10;
	(v2sf) =	vpush v10, $0xA  }
0xfd: {  	v9 =	vld [tilespmem:s17+$0xA200];
	(v2sf) =	vpush v10, $0xB  }
0xfe: {  	(v2sf) =	vpush v10, $0xC  }
0xff: {  	s23 =	spop (v2sf);
	(v2sf) =	vpush v10, $0xD  }
0x100: {  	(v2sf) =	vpush v10, $0xE;
	s8 =	spop (v2sf)  }
0x101: {  	(v2sf) =	vpush v10, $0xF;
	[smem:s18] =	sst s8;
	s30 =	spop (v2sf)  }
0x102: {  	(v2sf) =	vpush v9, $0x0;
	[smem:$0x1] =	sst s30  }
0x103: {  	s8 =	spop (v2sf)  }
0x104: {  	(v2sf) =	vpush v9, $0x1;
	[smem:$0x2] =	sst s8  }
0x105: {  	s8 =	spop (v2sf)  }
0x106: {  	(v2sf) =	vpush v9, $0x2;
	[smem:$0x3] =	sst s8  }
0x107: {  	s8 =	spop (v2sf)  }
0x108: {  	(v2sf) =	vpush v9, $0x3;
	[smem:$0x4] =	sst s8  }
0x109: {  	s8 =	spop (v2sf)  }
0x10a: {  	(v2sf) =	vpush v9, $0x4;
	[smem:$0x5] =	sst s8  }
0x10b: {  	s8 =	spop (v2sf)  }
0x10c: {  	(v2sf) =	vpush v9, $0x5;
	[smem:$0x6] =	sst s8  }
0x10d: {  	s8 =	spop (v2sf)  }
0x10e: {  	(v2sf) =	vpush v9, $0x6;
	[smem:$0x7] =	sst s8  }
0x10f: {  	s8 =	spop (v2sf)  }
0x110: {  	(v2sf) =	vpush v9, $0x7;
	[smem:$0x8] =	sst s8  }
0x111: {  	s8 =	spop (v2sf)  }
0x112: {  	(v2sf) =	vpush v9, $0x8;
	[smem:$0x9] =	sst s8  }
0x113: {  	s8 =	spop (v2sf)  }
0x114: {  	(v2sf) =	vpush v9, $0x9;
	[smem:$0xA] =	sst s8  }
0x115: {  	s8 =	spop (v2sf)  }
0x116: {  	(v2sf) =	vpush v9, $0xA;
	[smem:$0xB] =	sst s8  }
0x117: {  	s8 =	spop (v2sf)  }
0x118: {  	(v2sf) =	vpush v9, $0xB;
	[smem:$0xC] =	sst s8  }
0x119: {  	s19 =	simm.s32 $0x20;
	s8 =	spop (v2sf)  }
0x11a: {  	v10 =	vld [tilespmem:s19+$0xA200];
	(v2sf) =	vpush v9, $0xC;
	[smem:$0xD] =	sst s8  }
0x11b: {  	s8 =	spop (v2sf)  }
0x11c: {  	(v2sf) =	vpush v9, $0xD;
	[smem:$0xE] =	sst s8  }
0x11d: {  	s8 =	simm.s32 $0xC0;
	s9 =	spop (v2sf)  }
.LBB2_21:
0x11e: {  	p0 =	seq.s32 s8, $0x380;
	[smem:s18+$0xF] =	sst s9;
	s9 =	smov.u32 s8  }
0x11f: {  	(v2sf) =	vpush v9, $0xE;
	s8 =	sadd.s32 $0x40, s8;
	s18 =	smov.u32 s17;
	s17 =	smov.u32 s19  }
0x120: {  	s10 =	spop (v2sf);
	(v2sf) =	vpush v9, $0xF  }
0x121: {  	[smem:s18] =	sst s10;
	s10 =	spop (v2sf)  }
0x122: {  	(v2sf) =	vpush v10, $0x0;
	[smem:s18+$0x1] =	sst s10;
	s10 =	spop (v2sf);
	v9 =	vmov v10  }
0x123: {  	(v2sf) =	vpush v9, $0x1;
	[smem:s18+$0x2] =	sst s10;
	s10 =	spop (v2sf)  }
0x124: {  	(v2sf) =	vpush v9, $0x2;
	[smem:s18+$0x3] =	sst s10;
	s10 =	spop (v2sf)  }
0x125: {  	(v2sf) =	vpush v9, $0x3;
	[smem:s18+$0x4] =	sst s10;
	s10 =	spop (v2sf)  }
0x126: {  	(v2sf) =	vpush v9, $0x4;
	[smem:s18+$0x5] =	sst s10;
	s10 =	spop (v2sf)  }
0x127: {  	(v2sf) =	vpush v9, $0x5;
	[smem:s18+$0x6] =	sst s10;
	s10 =	spop (v2sf)  }
0x128: {  	(v2sf) =	vpush v9, $0x6;
	[smem:s18+$0x7] =	sst s10;
	s10 =	spop (v2sf)  }
0x129: {  	(v2sf) =	vpush v9, $0x7;
	[smem:s18+$0x8] =	sst s10;
	s10 =	spop (v2sf)  }
0x12a: {  	(v2sf) =	vpush v9, $0x8;
	[smem:s18+$0x9] =	sst s10;
	s10 =	spop (v2sf)  }
0x12b: {  	[smem:s18+$0xA] =	sst s10  }
.Ltmp12:
0x12c: {  	(v2sf) =	vpush v9, $0x9;
	s10 =	spop (v2sf);
	(pc) =	sbr.rel @!p0 .LBB2_21-.Ltmp12, $4  }
0x12d: {  	(v2sf) =	vpush v9, $0xA;
	[smem:s18+$0xB] =	sst s10;
	s10 =	spop (v2sf)  }
0x12e: {  	s19 =	sshra.s32 s9, $0x2;
	(v2sf) =	vpush v9, $0xB;
	[smem:s18+$0xC] =	sst s10;
	s9 =	spop (v2sf)  }
0x12f: {  	v10 =	vld [tilespmem:s19+$0xA200];
	(v2sf) =	vpush v9, $0xC;
	[smem:s18+$0xD] =	sst s9;
	s9 =	spop (v2sf)  }
0x130: {  	(v2sf) =	vpush v9, $0xD;
	[smem:s18+$0xE] =	sst s9;
	s9 =	spop (v2sf)  }
0x131: {  	_ = 	snop  }
0x132: {  	(v2sf) =	vpush v9, $0xE  }
0x133: {  	[smem:s18+$0xF] =	sst s9;
	s8 =	spop (v2sf);
	(v2sf) =	vpush v9, $0xF  }
0x134: {  	[smem:s17] =	sst s8;
	s16 =	spop (v2sf);
	(v2sf) =	vpush v10, $0x0  }
0x135: {  	[smem:s17+$0x1] =	sst s16;
	s18 =	spop (v2sf);
	(v2sf) =	vpush v10, $0x1  }
0x136: {  	[smem:s17+$0x2] =	sst s18;
	s20 =	spop (v2sf);
	(v2sf) =	vpush v10, $0x2  }
0x137: {  	[smem:s17+$0x3] =	sst s20;
	s21 =	spop (v2sf);
	(v2sf) =	vpush v10, $0x3  }
0x138: {  	[smem:s17+$0x4] =	sst s21;
	s22 =	spop (v2sf);
	(v2sf) =	vpush v10, $0x4  }
0x139: {  	[smem:s17+$0x5] =	sst s22;
	s23 =	spop (v2sf);
	(v2sf) =	vpush v10, $0x5  }
0x13a: {  	[smem:s17+$0x6] =	sst s23;
	s30 =	spop (v2sf);
	(v2sf) =	vpush v10, $0x6  }
0x13b: {  	[smem:s17+$0x7] =	sst s30;
	s2 =	spop (v2sf);
	(v2sf) =	vpush v10, $0x7  }
0x13c: {  	[smem:s17+$0x8] =	sst s2;
	s6 =	spop (v2sf);
	(v2sf) =	vpush v10, $0x8  }
0x13d: {  	[smem:s17+$0x9] =	sst s6;
	s9 =	spop (v2sf);
	(v2sf) =	vpush v10, $0x9  }
0x13e: {  	[smem:s17+$0xA] =	sst s9;
	s10 =	spop (v2sf);
	(v2sf) =	vpush v10, $0xA  }
0x13f: {  	[smem:s17+$0xB] =	sst s10;
	s11 =	spop (v2sf);
	(v2sf) =	vpush v10, $0xB  }
0x140: {  	[smem:s17+$0xC] =	sst s11;
	s12 =	spop (v2sf);
	(v2sf) =	vpush v10, $0xC  }
0x141: {  	[smem:s17+$0xD] =	sst s12;
	s15 =	spop (v2sf);
	(v2sf) =	vpush v10, $0xD  }
0x142: {  	[smem:s17+$0xE] =	sst s15;
	s16 =	spop (v2sf);
	(v2sf) =	vpush v10, $0xE  }
0x143: {  	[smem:s17+$0xF] =	sst s16;
	s17 =	spop (v2sf)  }
0x144: {  	s18 =	spop (v2sf)  }
0x145: {  	s20 =	spop (v2sf)  }
0x146: {  	s21 =	spop (v2sf)  }
0x147: {  	s22 =	spop (v2sf)  }
0x148: {  	s23 =	spop (v2sf)  }
0x149: {  	s30 =	spop (v2sf)  }
0x14a: {  	s2 =	spop (v2sf)  }
0x14b: {  	s6 =	spop (v2sf)  }
0x14c: {  	v9 =	vld [tilespmem:$0xA2F0];
	s9 =	spop (v2sf)  }
0x14d: {  	s10 =	spop (v2sf)  }
0x14e: {  	s11 =	spop (v2sf)  }
0x14f: {  	s12 =	spop (v2sf)  }
0x150: {  	(v2sf) =	vpush v10, $0xF;
	s15 =	spop (v2sf)  }
0x151: {  	[smem:s19] =	sst s17;
	s16 =	spop (v2sf);
	(v2sf) =	vpush v9, $0x0  }
0x152: {  	[smem:s19+$0x1] =	sst s18;
	(v2sf) =	vpush v9, $0x1  }
0x153: {  	[smem:s19+$0x2] =	sst s20;
	(v2sf) =	vpush v9, $0x2  }
0x154: {  	[smem:s19+$0x3] =	sst s21  }
0x155: {  	[smem:s19+$0x4] =	sst s22;
	(v2sf) =	vpush v9, $0x3  }
0x156: {  	[smem:s19+$0x5] =	sst s23;
	(v2sf) =	vpush v9, $0x4  }
0x157: {  	[smem:s19+$0x6] =	sst s30;
	(v2sf) =	vpush v9, $0x5  }
0x158: {  	[smem:s19+$0x7] =	sst s2;
	(v2sf) =	vpush v9, $0x6  }
0x159: {  	[smem:s19+$0x8] =	sst s6  }
0x15a: {  	[smem:s19+$0x9] =	sst s9  }
0x15b: {  	[smem:s19+$0xA] =	sst s10  }
0x15c: {  	[smem:s19+$0xB] =	sst s11  }
0x15d: {  	[smem:s19+$0xC] =	sst s12  }
0x15e: {  	[smem:s19+$0xD] =	sst s15  }
0x15f: {  	[smem:s19+$0xE] =	sst s16;
	s17 =	spop (v2sf)  }
0x160: {  	[smem:s19+$0xF] =	sst s17;
	s18 =	spop (v2sf)  }
0x161: {  	[smem:$0xF0] =	sst s18;
	s19 =	spop (v2sf)  }
0x162: {  	[smem:$0xF1] =	sst s19;
	s20 =	spop (v2sf)  }
0x163: {  	p0 =	sgt.s32 s1, $0x0;
	[smem:$0xF2] =	sst s20  }
.Ltmp13:
0x164: {  	s21 =	spop (v2sf);
	(pc) =	sbr.rel @!p0 .LBB2_26-.Ltmp13, $4  }
0x165: {  	[smem:$0xF3] =	sst s21;
	s22 =	spop (v2sf)  }
0x166: {  	[smem:$0xF4] =	sst s22;
	s23 =	spop (v2sf)  }
0x167: {  	[smem:$0xF5] =	sst s23;
	s30 =	spop (v2sf)  }
0x168: {  	[smem:$0xF6] =	sst s30  }
0x169: {  	s18 =	simm.s32 $0x6100  }
0x16a: {  	v9 =	vld [tilespmem:s18+$0x0];
	_ =	sdelay $0x4  }
0x16b: {  	v11 =	vmov s0;
	v10 =	vsub.s32 v9, v0  }
0x16c: {  	vm0 =	vgt.s32 v11, v2;
	v10 =	vshra.s32 v10, $0x7  }
0x16d: {  	v10 =	vnsel vm0, $0xF5, v10  }
0x16e: {  	(v2sf) =	vpush v10, $0x0;
	_ =	sdelay $0x4  }
0x16f: {  	(v2sf) =	vpush v10, $0x1;
	_ =	sdelay $0x4  }
0x170: {  	(v2sf) =	vpush v10, $0x2;
	_ =	sdelay $0x4  }
0x171: {  	s9 =	spop (v2sf);
	(v2sf) =	vpush v10, $0x3  }
0x172: {  	s8 =	sld [smem:s9+$0x0];
	_ =	sdelay $0x2  }
0x173: {  	s8 =	sadd.s32 $0xFFFFFFFF, s8  }
0x174: {  	s10 =	spop (v2sf);
	(v2sf) =	vpush v10, $0x4;
	[smem:s9] =	sst s8  }
0x175: {  	s9 =	sld [smem:s10+$0x0];
	_ =	sdelay $0x2  }
0x176: {  	s9 =	sadd.s32 $0xFFFFFFFF, s9  }
0x177: {  	s11 =	spop (v2sf);
	(v2sf) =	vpush v10, $0x5;
	[smem:s10] =	sst s9  }
0x178: {  	s10 =	sld [smem:s11+$0x0];
	_ =	sdelay $0x2  }
0x179: {  	s10 =	sadd.s32 $0xFFFFFFFF, s10  }
0x17a: {  	[smem:s11] =	sst s10;
	s15 =	spop (v2sf);
	(v2sf) =	vpush v10, $0x6  }
0x17b: {  	s12 =	sld [smem:s15+$0x0];
	_ =	sdelay $0x2  }
0x17c: {  	s12 =	sadd.s32 $0xFFFFFFFF, s12  }
0x17d: {  	s16 =	spop (v2sf);
	(v2sf) =	vpush v10, $0x7;
	[smem:s15] =	sst s12  }
0x17e: {  	s13 =	sld [smem:s16+$0x0];
	_ =	sdelay $0x2  }
0x17f: {  	s13 =	sadd.s32 $0xFFFFFFFF, s13  }
0x180: {  	s19 =	spop (v2sf);
	(v2sf) =	vpush v10, $0x8;
	[smem:s16] =	sst s13  }
0x181: {  	s20 =	sld [smem:s19+$0x0];
	_ =	sdelay $0x2  }
0x182: {  	[dreg:$0xe] =	wrdreg s14;
	s14 =	sadd.s32 $0xFFFFFFFF, s20  }
0x183: {  	[smem:s19] =	sst s14;
	s21 =	spop (v2sf);
	(v2sf) =	vpush v10, $0x9  }
0x184: {  	s19 =	sld [smem:s21+$0x0];
	_ =	sdelay $0x2  }
0x185: {  	s19 =	sadd.s32 $0xFFFFFFFF, s19  }
0x186: {  	s22 =	spop (v2sf);
	(v2sf) =	vpush v10, $0xA;
	[smem:s21] =	sst s19  }
0x187: {  	s20 =	sld [smem:s22+$0x0];
	_ =	sdelay $0x2  }
0x188: {  	s20 =	sadd.s32 $0xFFFFFFFF, s20  }
0x189: {  	s23 =	spop (v2sf);
	(v2sf) =	vpush v10, $0xB;
	[smem:s22] =	sst s20  }
0x18a: {  	s21 =	sld [smem:s23+$0x0];
	_ =	sdelay $0x2  }
0x18b: {  	s21 =	sadd.s32 $0xFFFFFFFF, s21  }
0x18c: {  	[smem:s23] =	sst s21;
	s2 =	spop (v2sf);
	(v2sf) =	vpush v10, $0xC  }
0x18d: {  	s22 =	sld [smem:s2+$0x0];
	_ =	sdelay $0x2  }
0x18e: {  	s22 =	sadd.s32 $0xFFFFFFFF, s22  }
0x18f: {  	s6 =	spop (v2sf);
	(v2sf) =	vpush v10, $0xD;
	[smem:s2] =	sst s22  }
0x190: {  	s23 =	sld [smem:s6+$0x0];
	_ =	sdelay $0x2  }
0x191: {  	s23 =	sadd.s32 $0xFFFFFFFF, s23  }
0x192: {  	s15 =	spop (v2sf);
	(v2sf) =	vpush v10, $0xE;
	[smem:s6] =	sst s23  }
0x193: {  	s6 =	sld [smem:s15+$0x0];
	_ =	sdelay $0x2  }
0x194: {  	s6 =	sadd.s32 $0xFFFFFFFF, s6  }
0x195: {  	[smem:s15] =	sst s6;
	s16 =	spop (v2sf);
	(v2sf) =	vpush v10, $0xF  }
0x196: {  	s15 =	sld [smem:s16+$0x0];
	_ =	sdelay $0x2  }
0x197: {  	s15 =	sadd.s32 $0xFFFFFFFF, s15  }
0x198: {  	s2 =	spop (v2sf);
	[smem:s16] =	sst s15  }
0x199: {  	s16 =	sld [smem:s2+$0x0];
	_ =	sdelay $0x2  }
0x19a: {  	s16 =	sadd.s32 $0xFFFFFFFF, s16  }
0x19b: {  	s11 =	spop (v2sf);
	[smem:s2] =	sst s16  }
0x19c: {  	s2 =	sld [smem:s11+$0x0];
	_ =	sdelay $0x2  }
0x19d: {  	s2 =	sadd.s32 $0xFFFFFFFF, s2  }
0x19e: {  	[smem:s11] =	sst s2;
	s11 =	spop (v2sf)  }
0x19f: {  	s30 =	sld [smem:s11+$0x0];
	_ =	sdelay $0x2  }
0x1a0: {  	s30 =	sadd.s32 $0xFFFFFFFF, s30  }
0x1a1: {  	v10 =	vmov s30  }
0x1a2: {  	v10 =	vsel vm15, s8, v10  }
0x1a3: {  	v10 =	vsel vm1, s9, v10  }
0x1a4: {  	v10 =	vsel vm2, s10, v10  }
0x1a5: {  	v10 =	vsel vm3, s12, v10  }
0x1a6: {  	v10 =	vsel vm4, s13, v10  }
0x1a7: {  	v10 =	vsel vm5, s14, v10  }
0x1a8: {  	v10 =	vsel vm6, s19, v10  }
0x1a9: {  	v10 =	vsel vm7, s20, v10  }
0x1aa: {  	v10 =	vsel vm8, s21, v10  }
0x1ab: {  	v10 =	vsel vm9, s22, v10  }
0x1ac: {  	v10 =	vsel vm10, s23, v10  }
0x1ad: {  	v10 =	vsel vm11, s6, v10  }
0x1ae: {  	v10 =	vsel vm12, s15, v10  }
0x1af: {  	v10 =	vsel vm13, s16, v10  }
0x1b0: {  	p0 =	sne.s32 s1, $0x1;
	v10 =	vsel vm14, s2, v10  }
.Ltmp14:
0x1b1: {  	_ = 	snop;
	(pc) =	sbr.rel @!p0 .LBB2_25-.Ltmp14, $4  }
0x1b2: {  	_ = 	snop  }
0x1b3: {  	[smem:s11] =	sst s30  }
0x1b4: {  	s17 =	simm.s32 $0x8180;
	s23 =	rddreg [dreg:$0x4]  }
0x1b5: {  	v11 =	vld [tilespmem:s17+$0x0];
	s30 =	sadd.s32 $0xFFFFFFFF, s1;
	s8 =	rddreg [dreg:$0x5];
	[tilespmem:v10+s23+$0x0] =	vst.idx.msk $0xffff, v9  }
.LBB2_24:
0x1b6: {  	_ =	sdelay $0x3  }
0x1b7: {  	s18 =	sadd.s32 $0x10, s18;
	[tilespmem:v10+s8+$0x0] =	vst.idx.msk $0xffff, v11  }
0x1b8: {  	v9 =	vld [tilespmem:s18+$0x0];
	_ =	sdelay $0x3  }
0x1b9: {  	s0 =	sadd.s32 $0xFFFFFFF0, s0  }
0x1ba: {  	v11 =	vmov s0;
	v10 =	vsub.s32 v9, v0  }
0x1bb: {  	vm0 =	vgt.s32 v11, v2;
	v10 =	vshra.s32 v10, $0x7  }
0x1bc: {  	v10 =	vnsel vm0, $0xF5, v10  }
0x1bd: {  	(v2sf) =	vpush v10, $0x0;
	_ =	sdelay $0x4  }
0x1be: {  	(v2sf) =	vpush v10, $0x1;
	_ =	sdelay $0x4  }
0x1bf: {  	(v2sf) =	vpush v10, $0x2;
	_ =	sdelay $0x4  }
0x1c0: {  	s2 =	spop (v2sf);
	(v2sf) =	vpush v10, $0x3  }
0x1c1: {  	s6 =	sld [smem:s2+$0x0];
	_ =	sdelay $0x2  }
0x1c2: {  	s19 =	sadd.s32 $0xFFFFFFFF, s6  }
0x1c3: {  	s1 =	spop (v2sf);
	(v2sf) =	vpush v10, $0x4;
	[smem:s2] =	sst s19  }
0x1c4: {  	s8 =	sld [smem:s1+$0x0];
	_ =	sdelay $0x2  }
0x1c5: {  	s20 =	sadd.s32 $0xFFFFFFFF, s8  }
0x1c6: {  	s9 =	spop (v2sf);
	(v2sf) =	vpush v10, $0x5;
	[smem:s1] =	sst s20  }
0x1c7: {  	s10 =	sld [smem:s9+$0x0];
	_ =	sdelay $0x2  }
0x1c8: {  	s21 =	sadd.s32 $0xFFFFFFFF, s10  }
0x1c9: {  	[smem:s9] =	sst s21;
	s11 =	spop (v2sf);
	(v2sf) =	vpush v10, $0x6  }
0x1ca: {  	s12 =	sld [smem:s11+$0x0];
	_ =	sdelay $0x2  }
0x1cb: {  	s22 =	sadd.s32 $0xFFFFFFFF, s12  }
0x1cc: {  	s13 =	spop (v2sf);
	(v2sf) =	vpush v10, $0x7;
	[smem:s11] =	sst s22  }
0x1cd: {  	s14 =	sld [smem:s13+$0x0];
	_ =	sdelay $0x2  }
0x1ce: {  	s23 =	sadd.s32 $0xFFFFFFFF, s14  }
0x1cf: {  	s15 =	spop (v2sf);
	(v2sf) =	vpush v10, $0x8;
	[smem:s13] =	sst s23  }
0x1d0: {  	s16 =	sld [smem:s15+$0x0];
	_ =	sdelay $0x2  }
0x1d1: {  	s8 =	sadd.s32 $0xFFFFFFFF, s16  }
0x1d2: {  	[smem:s15] =	sst s8;
	s1 =	spop (v2sf);
	(v2sf) =	vpush v10, $0x9  }
0x1d3: {  	s10 =	sld [smem:s1+$0x0];
	_ =	sdelay $0x2  }
0x1d4: {  	s9 =	sadd.s32 $0xFFFFFFFF, s10  }
0x1d5: {  	s11 =	spop (v2sf);
	(v2sf) =	vpush v10, $0xA;
	[smem:s1] =	sst s9  }
0x1d6: {  	s12 =	sld [smem:s11+$0x0];
	_ =	sdelay $0x2  }
0x1d7: {  	s10 =	sadd.s32 $0xFFFFFFFF, s12  }
0x1d8: {  	s13 =	spop (v2sf);
	(v2sf) =	vpush v10, $0xB;
	[smem:s11] =	sst s10  }
0x1d9: {  	s14 =	sld [smem:s13+$0x0];
	_ =	sdelay $0x2  }
0x1da: {  	s11 =	sadd.s32 $0xFFFFFFFF, s14  }
0x1db: {  	[smem:s13] =	sst s11;
	s15 =	spop (v2sf);
	(v2sf) =	vpush v10, $0xC  }
0x1dc: {  	s16 =	sld [smem:s15+$0x0];
	_ =	sdelay $0x2  }
0x1dd: {  	s12 =	sadd.s32 $0xFFFFFFFF, s16  }
0x1de: {  	s1 =	spop (v2sf);
	(v2sf) =	vpush v10, $0xD;
	[smem:s15] =	sst s12  }
0x1df: {  	s14 =	sld [smem:s1+$0x0];
	_ =	sdelay $0x2  }
0x1e0: {  	s13 =	sadd.s32 $0xFFFFFFFF, s14  }
0x1e1: {  	s15 =	spop (v2sf);
	(v2sf) =	vpush v10, $0xE;
	[smem:s1] =	sst s13  }
0x1e2: {  	s16 =	sld [smem:s15+$0x0];
	_ =	sdelay $0x2  }
0x1e3: {  	s14 =	sadd.s32 $0xFFFFFFFF, s16  }
0x1e4: {  	[smem:s15] =	sst s14;
	s1 =	spop (v2sf);
	(v2sf) =	vpush v10, $0xF  }
0x1e5: {  	s15 =	sld [smem:s1+$0x0];
	_ =	sdelay $0x2  }
0x1e6: {  	s6 =	sadd.s32 $0xFFFFFFFF, s15  }
0x1e7: {  	s16 =	spop (v2sf);
	[smem:s1] =	sst s6  }
0x1e8: {  	s15 =	sld [smem:s16+$0x0];
	_ =	sdelay $0x2  }
0x1e9: {  	s15 =	sadd.s32 $0xFFFFFFFF, s15  }
0x1ea: {  	s1 =	spop (v2sf);
	[smem:s16] =	sst s15  }
0x1eb: {  	s16 =	sld [smem:s1+$0x0];
	_ =	sdelay $0x2  }
0x1ec: {  	s16 =	sadd.s32 $0xFFFFFFFF, s16  }
0x1ed: {  	[smem:s1] =	sst s16;
	s2 =	spop (v2sf)  }
0x1ee: {  	s1 =	sld [smem:s2+$0x0];
	_ =	sdelay $0x2  }
0x1ef: {  	s1 =	sadd.s32 $0xFFFFFFFF, s1  }
0x1f0: {  	v10 =	vmov s1  }
0x1f1: {  	v10 =	vsel vm15, s19, v10  }
0x1f2: {  	v10 =	vsel vm1, s20, v10  }
0x1f3: {  	v10 =	vsel vm2, s21, v10  }
0x1f4: {  	v10 =	vsel vm3, s22, v10  }
0x1f5: {  	v10 =	vsel vm4, s23, v10  }
0x1f6: {  	v10 =	vsel vm5, s8, v10  }
0x1f7: {  	v10 =	vsel vm6, s9, v10  }
0x1f8: {  	v10 =	vsel vm7, s10, v10  }
0x1f9: {  	v10 =	vsel vm8, s11, v10  }
0x1fa: {  	v10 =	vsel vm9, s12, v10  }
0x1fb: {  	v10 =	vsel vm10, s13, v10  }
0x1fc: {  	v10 =	vsel vm11, s14, v10  }
0x1fd: {  	v10 =	vsel vm12, s6, v10  }
0x1fe: {  	v10 =	vsel vm13, s15, v10  }
0x1ff: {  	p0 =	sne.s32 s30, $0x1;
	v10 =	vsel vm14, s16, v10  }
.Ltmp15:
0x200: {  	_ = 	snop;
	(pc) =	sbr.rel @p0 .LBB2_24-.Ltmp15, $4  }
0x201: {  	_ = 	snop  }
0x202: {  	[smem:s2] =	sst s1  }
0x203: {  	s17 =	sadd.s32 $0x10, s17;
	s23 =	rddreg [dreg:$0x4]  }
0x204: {  	s30 =	sadd.s32 $0xFFFFFFFF, s30;
	v11 =	vld [tilespmem:s17+$0x0];
	s8 =	rddreg [dreg:$0x5];
	[tilespmem:v10+s23+$0x0] =	vst.idx.msk $0xffff, v9  }
.LBB2_25:
0x205: {  	_ =	sdelay $0x2  }
0x206: {  	s13 =	rddreg [dreg:$0x0]  }
0x207: {  	s14 =	rddreg [dreg:$0xe];
	[tilespmem:v10+s8+$0x0] =	vst.idx.msk $0xffff, v11  }
.LBB2_26:
.Ltmp16:
0x208: {  	(pc) =	sbr.rel .LBB2_28-.Ltmp16, $3  }
0x209: {  	_ =	sdelay $0x1  }
0x20a: {  	s17 =	simm.s32 $0x0;
	s30 =	simm.s32 $0x0  }
0x20b: {  	s8 =	simm.s32 $0x0;
	s0 =	simm.s32 $0x0;
	s18 =	simm.s32 $0x0  }
.LBB2_31:
0x20c: {  	[sflag:s10] =	ssyncset.done @!p1 $0x0  }
0x20d: {  	s8 =	smov.u32 s9;
	[sflag:s10] =	ssyncadd.s32 @!p1 $0xFFFFE000  }
.LBB2_27:
0x20e: {  	s18 =	sadd.s32 $0x1, s18  }
0x20f: {  	p0 =	seq.s32 s18, $0xF5  }
.Ltmp17:
0x210: {  	_ = 	snop;
	(pc) =	sbr.rel @p0 .LBB2_32-.Ltmp17, $1  }
0x211: {  	_ =	sdelay $0x3  }
.LBB2_28:
0x212: {  	p0 =	sgt.u32 s18, $0xED  }
0x213: {  	s1 =	sadd.s32 @!p0 $0x7, s18  }
0x214: {  	s2 =	sshll.u32 @!p0 s1, $0xD;
	s1 =	sadd.s32 @!p0 s7, s1  }
0x215: {  	s1 =	sshll.u32 @!p0 s1, $0x7  }
0x216: {  	s6 =	simm.s32 @!p0 $0x400;
	s2 =	sand.u32 @!p0 $0xE000, s2;
	s1 =	smin.u32 @!p0 s1, $0xF4200  }
0x217: {  	s9 =	simm.s32 @!p0 $0x7A1400;
	s2 =	sadd.s32 @!p0 $0xA300, s2;
	s1 =	sadd.s32 @!p0 s13, s1  }
0x218: {  	[tilespmem:s2], [sflag:$0x2] =	stream.strided.gather @!p0 [hbm4b:s1+s6], $0x2000, s9, s6, $0x38;
	[tilespmem:$0x1E400] =	vst v63  }
0x219: {  	_ =	swait.ge [sflag:s29], $0x2000  }
0x21a: {  	[sflag:s29] =	ssyncset.done $0x0  }
0x21b: {  	[sflag:s29] =	ssyncadd.s32 $0xFFFFE000  }
0x21c: {  	s9 =	smov.u32 s17;
	s17 =	sld [smem:s18+$0x1];
	_ =	sdelay $0x2  }
0x21d: {  	p0 =	sle.s32 s17, s9  }
.Ltmp18:
0x21e: {  	_ = 	snop;
	(pc) =	sbr.rel @p0 .LBB2_27-.Ltmp18, $1  }
0x21f: {  	_ =	sdelay $0x3  }
0x220: {  	s1 =	sshll.u32 s9, $0x2  }
0x221: {  	s1 =	sshra.s32 s1, $0x2  }
0x222: {  	s2 =	sadd.s32 $0x2000, s1  }
0x223: {  	v9 =	vld [tilespmem:s2+$0x0];
	_ =	sdelay $0x4  }
0x224: {  	(v2sf) =	vpush v9, $0x0;
	_ =	sdelay $0xe  }
0x225: {  	s6 =	spop (v2sf)  }
0x226: {  	s6 =	sand.u32 $0x7F, s6  }
0x227: {  	v9 =	vor.u32 s6, v5;
	_ =	sdelay $0x1  }
0x228: {  	s10 =	sshll.u32 s18, $0xD  }
0x229: {  	s10 =	sand.u32 $0xE000, s10  }
0x22a: {  	s19 =	sadd.s32 $0xA300, s10  }
0x22b: {  	v9 =	vld.idx.msk [tilespmem:v9+s19+$0x0], $0xffff  }
0x22c: {  	s20 =	sshll.u32 s8, $0xF;
	v10 =	vor.u32 s6, v6  }
0x22d: {  	s11 =	sshll.u32 s0, $0x9;
	s10 =	sshra.s32 s20, $0x2  }
0x22e: {  	s21 =	sshra.s32 s11, $0x2;
	s20 =	sadd.s32 $0x4080, s1;
	s1 =	sadd.s32 $0x1A300, s10  }
0x22f: {  	s10 =	sadd.s32 s21, s1  }
0x230: {  	v11 =	vld.msk [tilespmem:s20+$0x0 ss:$0x0], $0xffff;
	[tilespmem:s10+$0x0] =	vst v9  }
0x231: {  	v9 =	vld.idx.msk [tilespmem:v10+s19+$0x0], $0xffff  }
0x232: {  	v10 =	vor.u32 s6, v7;
	_ =	sdelay $0x3  }
0x233: {  	[tilespmem:s10+$0x10] =	vst v9  }
0x234: {  	v9 =	vld.idx.msk [tilespmem:v10+s19+$0x0], $0xffff  }
0x235: {  	v10 =	vor.u32 s6, v8;
	_ =	sdelay $0x2  }
0x236: {  	p2 =	sne.s32 s0, $0x3F  }
0x237: {  	s22 =	ssub.s32 s17, s9;
	s9 =	sadd.s32 @!p2 $0x1, s30;
	[tilespmem:s10+$0x20] =	vst v9  }
0x238: {  	p1 =	seq.s32 @!p2 s9, $0x2;
	v9 =	vld.idx.msk [tilespmem:v10+s19+$0x0], $0xffff  }
0x239: {  	s23 =	sshll.u32 s8, $0x7;
	p3 =	sne.s32 @!p2 s9, $0x2;
	p4 =	por !p1, p2;
	v10 =	vmov s0  }
0x23a: {  	p1 =	por p3, p2;
	s21 =	sadd.s32 $0xFFFFFFFF, s22;
	s22 =	sadd.s32 $0x1, s2  }
0x23b: {  	p0 =	seq.s32 s21, $0x0;
	s6 =	sand.u32 $0x3FFFFF80, s23;
	s23 =	smov.u32 s30  }
.Ltmp19:
0x23c: {  	s2 =	simm.s32 @!p2 $0x40;
	s23 =	smov.u32 @p4 s9;
	(pc) =	sbr.rel @p0 .LBB2_31-.Ltmp19, $4  }
0x23d: {  	s11 =	sadd.s32 $0x1E300, s6;
	s9 =	sxor.u32 @!p2 $0x1, s8;
	s23 =	smov.u32 @p2 s30;
	[tilespmem:s10+$0x30] =	vst v9  }
0x23e: {  	s9 =	smov.u32 @p2 s8;
	s0 =	sadd.s32 @p2 $0x1, s0;
	s10 =	simm.s32 @!p1 $0x3;
	[tilespmem:v10+s6+$0x1E300] =	vst.idx.msk $0x1, v11  }
0x23f: {  	[hbm4b:s4+s2] =	stream.indirect.scatter @!p2 [tilespmem:s1], [sflag:$0x3], $0x80, s11, s2, $0xb8;
	[tilespmem:$0x1E400] =	vst v63  }
0x240: {  	s30 =	smov.u32 s23;
	s0 =	simm.s32 @!p2 $0x0;
	_ =	swait.ge @!p1 [sflag:s10], $0x2000  }
.LBB2_30:
0x241: {  	s8 =	smov.u32 s9  }
0x242: {  	s21 =	sadd.s32 $0xFFFFFFFF, s21;
	s20 =	sadd.s32 $0x1, s20;
	[sflag:s10] =	ssyncset.done @!p1 $0x0  }
0x243: {  	p0 =	seq.s32 s21, $0x0;
	[sflag:s10] =	ssyncadd.s32 @!p1 $0xFFFFE000  }
0x244: {  	v9 =	vld [tilespmem:s22+$0x0];
	_ =	sdelay $0x4  }
0x245: {  	(v2sf) =	vpush v9, $0x0;
	_ =	sdelay $0xe  }
0x246: {  	s1 =	spop (v2sf)  }
0x247: {  	s1 =	sand.u32 $0x7F, s1  }
0x248: {  	v9 =	vor.u32 s1, v5;
	_ =	sdelay $0x4  }
0x249: {  	v9 =	vld.idx.msk [tilespmem:v9+s19+$0x0], $0xffff  }
0x24a: {  	s2 =	sshll.u32 s9, $0xF;
	v10 =	vor.u32 s1, v6  }
0x24b: {  	s6 =	sshll.u32 s0, $0x9;
	s2 =	sshra.s32 s2, $0x2  }
0x24c: {  	s6 =	sshra.s32 s6, $0x2;
	s2 =	sadd.s32 $0x1A300, s2  }
0x24d: {  	s6 =	sadd.s32 s6, s2;
	v11 =	vld.msk [tilespmem:s20+$0x0 ss:$0x0], $0xffff;
	_ =	sdelay $0x1  }
0x24e: {  	[tilespmem:s6+$0x0] =	vst v9  }
0x24f: {  	v9 =	vld.idx.msk [tilespmem:v10+s19+$0x0], $0xffff  }
0x250: {  	v10 =	vor.u32 s1, v7;
	_ =	sdelay $0x4  }
0x251: {  	[tilespmem:s6+$0x10] =	vst v9  }
0x252: {  	v9 =	vld.idx.msk [tilespmem:v10+s19+$0x0], $0xffff  }
0x253: {  	v10 =	vor.u32 s1, v8;
	_ =	sdelay $0x4  }
0x254: {  	[tilespmem:s6+$0x20] =	vst v9  }
0x255: {  	v9 =	vld.idx.msk [tilespmem:v10+s19+$0x0], $0xffff  }
0x256: {  	s1 =	sshll.u32 s9, $0x7;
	v10 =	vmov s0  }
0x257: {  	p2 =	sne.s32 s0, $0x3F;
	s30 =	smov.u32 s23;
	s1 =	sand.u32 $0x3FFFFF80, s1  }
0x258: {  	s10 =	sadd.s32 @!p2 $0x1, s23;
	s22 =	sadd.s32 $0x1, s22;
	s11 =	sadd.s32 $0x1E300, s1  }
0x259: {  	p3 =	seq.s32 @!p2 s10, $0x2;
	s9 =	sxor.u32 @!p2 $0x1, s9;
	s0 =	sadd.s32 @p2 $0x1, s0  }
.Ltmp20:
0x25a: {  	p1 =	sne.s32 @!p2 s10, $0x2;
	p3 =	por !p3, p2;
	(pc) =	sbr.rel @!p0 .LBB2_30-.Ltmp20, $4  }
0x25b: {  	p1 =	por p1, p2;
	s30 =	smov.u32 @p3 s10;
	[tilespmem:s6+$0x30] =	vst v9;
	s6 =	simm.s32 @!p2 $0x40  }
0x25c: {  	s10 =	simm.s32 @!p1 $0x3;
	s30 =	smov.u32 @p2 s23;
	s0 =	simm.s32 @!p2 $0x0;
	[tilespmem:v10+s1+$0x1E300] =	vst.idx.msk $0x1, v11  }
0x25d: {  	[hbm4b:s4+s6] =	stream.indirect.scatter @!p2 [tilespmem:s2], [sflag:$0x3], $0x80, s11, s6, $0xb8;
	[tilespmem:$0x1E400] =	vst v63  }
0x25e: {  	s23 =	smov.u32 s30;
	s9 =	smov.u32 @p2 s8;
	_ =	swait.ge @!p1 [sflag:s10], $0x2000  }
.Ltmp21:
0x25f: {  	_ = 	snop;
	(pc) =	sbr.rel .LBB2_31-.Ltmp21, $1  }
0x260: {  	_ =	sdelay $0x3  }
.LBB2_32:
0x261: {  	p0 =	slt.s32 s0, $0x1  }
.Ltmp22:
0x262: {  	_ = 	snop;
	(pc) =	sbr.rel @p0 .LBB2_36-.Ltmp22, $1  }
0x263: {  	_ =	sdelay $0x3  }
0x264: {  	s1 =	sshll.u32 s8, $0x7  }
0x265: {  	s1 =	sand.u32 $0x3FFFFF80, s1  }
0x266: {  	p0 =	sgt.s32 s0, $0x0;
	s9 =	sadd.s32 $0x1E300, s1;
	s1 =	simm.s32 $0x0  }
0x267: {  	v9 =	vld.msk @!p0 [tilespmem:s9+$0x0 ss:$0x0], $0xffff;
	v10 =	vmov @!p0 s1;
	_ =	sdelay $0x3  }
0x268: {  	s23 =	sshll.u32 s8, $0xF  }
0x269: {  	s8 =	sshra.s32 s23, $0x2;
	[tilespmem:v10+s9+$0x0] =	vst.idx.msk @!p0 $0x1, v9  }
0x26a: {  	v9 =	vld @!p0 [tilespmem:s8+$0x1A300];
	_ =	sdelay $0x3  }
0x26b: {  	s10 =	sadd.s32 $0x1A320, s8  }
0x26c: {  	[tilespmem:s10+$0xFFFFFFE0] =	vst @!p0 v9  }
0x26d: {  	v9 =	vld @!p0 [tilespmem:s8+$0x1A310];
	_ =	sdelay $0x4  }
0x26e: {  	[tilespmem:s10+$0xFFFFFFF0] =	vst @!p0 v9  }
0x26f: {  	v9 =	vld @!p0 [tilespmem:s8+$0x1A320];
	_ =	sdelay $0x4  }
0x270: {  	[tilespmem:s10+$0x0] =	vst @!p0 v9  }
0x271: {  	s12 =	simm.s32 $0x1;
	s11 =	sadd.s32 $0x1A300, s8;
	v9 =	vld @!p0 [tilespmem:s8+$0x1A330]  }
.LBB2_34:
0x272: {  	_ =	sdelay $0x3  }
0x273: {  	s1 =	smov.u32 s12;
	[tilespmem:s10+$0x10] =	vst @!p0 v9;
	p0 =	slt.s32 s12, s0;
	s12 =	sadd.s32 $0x1, s12  }
0x274: {  	v9 =	vld.msk @!p0 [tilespmem:s9+$0x0 ss:$0x0], $0xffff;
	p1 =	sne.s32 s12, $0x40  }
0x275: {  	v10 =	vmov @!p0 s1;
	_ =	sdelay $0x4  }
0x276: {  	[tilespmem:v10+s9+$0x0] =	vst.idx.msk @!p0 $0x1, v9  }
0x277: {  	v9 =	vld @!p0 [tilespmem:s8+$0x1A300];
	_ =	sdelay $0x3  }
0x278: {  	s10 =	sadd.s32 $0x80, s10  }
0x279: {  	[tilespmem:s10+$0xFFFFFFE0] =	vst @!p0 v9  }
0x27a: {  	v9 =	vld @!p0 [tilespmem:s8+$0x1A310];
	_ =	sdelay $0x4  }
0x27b: {  	[tilespmem:s10+$0xFFFFFFF0] =	vst @!p0 v9  }
0x27c: {  	v9 =	vld @!p0 [tilespmem:s8+$0x1A320];
	_ =	sdelay $0x1  }
.Ltmp23:
0x27d: {  	(pc) =	sbr.rel @p1 .LBB2_34-.Ltmp23, $3  }
0x27e: {  	_ =	sdelay $0x1  }
0x27f: {  	[tilespmem:s10+$0x0] =	vst @!p0 v9  }
0x280: {  	v9 =	vld @!p0 [tilespmem:s8+$0x1A330]  }
0x281: {  	_ =	sdelay $0x3  }
0x282: {  	s0 =	simm.s32 $0x40;
	s30 =	sadd.s32 $0x1, s30;
	[tilespmem:s10+$0x10] =	vst @!p0 v9  }
0x283: {  	[hbm4b:s4+s0] =	stream.indirect.scatter [tilespmem:s11], [sflag:$0x3], $0x80, s9, s0, $0xb8;
	[tilespmem:$0x1E400] =	vst v63  }
.LBB2_36:
0x284: {  	p0 =	slt.s32 s30, $0x1  }
.Ltmp24:
0x285: {  	_ = 	snop;
	(pc) =	sbr.rel @p0 .LBB2_40-.Ltmp24, $1  }
0x286: {  	_ =	sdelay $0x3  }
0x287: {  	p0 =	sne.s32 s30, $0x1  }
.Ltmp25:
0x288: {  	_ = 	snop;
	(pc) =	sbr.rel @!p0 .LBB2_39-.Ltmp25, $3  }
0x289: {  	_ =	sdelay $0x1  }
0x28a: {  	_ =	swait.ge [sflag:s31], $0x2000  }
0x28b: {  	s0 =	sadd.s32 $0xFFFFFFFF, s30;
	[sflag:s31] =	ssyncset.done $0x0  }
.LBB2_38:
0x28c: {  	p0 =	sne.s32 s0, $0x1;
	s0 =	sadd.s32 $0xFFFFFFFF, s0;
	[sflag:s31] =	ssyncadd.s32 $0xFFFFE000  }
.Ltmp26:
0x28d: {  	(pc) =	sbr.rel @p0 .LBB2_38-.Ltmp26, $3  }
0x28e: {  	_ =	sdelay $0x1  }
0x28f: {  	_ =	swait.ge [sflag:s31], $0x2000  }
0x290: {  	[sflag:s31] =	ssyncset.done $0x0  }
.Ltmp27:
0x291: {  	_ = 	snop;
	(pc) =	sbr.rel .LBB2_39-.Ltmp27, $1  }
0x292: {  	_ =	sdelay $0x3  }
.LBB2_13:
.Ltmp28:
0x293: {  	(pc) =	sbr.rel .LBB2_17-.Ltmp28, $2  }
0x294: {  	_ =	sdelay $0x2  }
0x295: {  	s8 =	smov.u32 s0  }
.LBB2_15:
.Ltmp29:
0x296: {  	(pc) =	sbr.rel .LBB2_17-.Ltmp29, $2  }
0x297: {  	_ =	sdelay $0x2  }
0x298: {  	s8 =	smov.u32 s0  }
.LBB2_41:
0x299: {  	_ =	sfence.sel $0x180000  }
0x29a: {  	[bflag:$0x0] =	sbarrier.arrive $0xFFFF  }
0x29b: {  	_ =	strace $0x90000047  }
0x29c: {  	s0 =	stileid.u32;
	[bflag:$0x2] =	sbarrier.arrive $0xFFFF  }
0x29d: {  	p0 =	sne.s32 s0, $0x0;
	s0 =	rddreg [dreg:$0x3]  }
0x29e: {  	s0 =	sadd.s32 @!p0 $0x100000, s0  }
0x29f: {  	[sflag:s0] =	ssyncadd.tile.s32 @!p0 $0x1;
	_ =	shalt  }
.Lfunc_end2:
_tile_overlayer_lowered:
.L_overlay_start_2:
0x2a0: {  	(tag) =	ssettag $0x2  }
0x2a1: {  	s0 =	rddreg [dreg:$0x0];
	s2 =	stileid.u32  }
0x2a2: {  	s1 =	rddreg [dreg:$0x1];
	p0 =	sne.s32 s2, $0x0  }
0x2a3: {  	s3 =	rddreg [dreg:$0x2];
	[bflag:$0x3] =	sbarrier.arrive $0xFFFF;
	s2 =	simm.s32 @!p0 $0x1C04  }
0x2a4: {  	[timem:s3], [sflag:s2] =	dma.local @!p0 [hbm:s0], s1  }
0x2a5: {  	s0 =	simm.s32 @!p0 $0x4  }
0x2a6: {  	_ =	swait.ge @!p0 [sflag:s0], s1  }
0x2a7: {  	s1 =	ssub.s32 @!p0 $0x0, s1;
	[sflag:s0] =	ssyncset.done @!p0 $0x0  }
0x2a8: {  	[sflag:s0] =	ssyncadd.s32 @!p0 s1  }
0x2a9: {  	[bflag:$0x3] =	sbarrier.arrive $0xFFFF  }
0x2aa: {  	_ =	shalt  }

</sc_bundles>
